<compile_context>
chip_gen: v7x
topology: tpu7x:2x2x1
jax: 0.10.2.dev20260603
libtpu: 0.0.44.dev20260713+nightly
codegen_flags: <defaults>
</compile_context>

<pallas_src>
import dataclasses

import jax
import jax.numpy as jnp
import numpy as np
from jax import lax
from jax.experimental import pallas as pl
from jax.experimental.pallas import tpu as pltpu
from jax.experimental.pallas import tpu_sc as plsc

N = 10000
E = 320000
D = 128

NC = 2
NS = 16
NW = NC * NS
CH = 128

NP = 10240
PAD_ROWS = NP - N
RPW = NP // NS

NCHUNK = 80
KG = 16
NG = NCHUNK // KG
EPT = NCHUNK * CH
EP = EPT * NW
EROWS = EP // CH

_mesh = plsc.VectorSubcoreMesh(core_axis_name="c", subcore_axis_name="s")

_cp = pltpu.CompilerParams()
if "needs_layout_passes" in pltpu.CompilerParams.__dataclass_fields__:
    _cp = dataclasses.replace(_cp, needs_layout_passes=False)


def _hist_chunk(hist_v, dst_v, i):
    ones16 = jnp.ones((16,), jnp.float32)
    lanes = lax.iota(jnp.int32, 16)
    for k in range(CH // 16):
        idx16 = dst_v[i, pl.ds(16 * k, 16)]
        for j in range(16):
            plsc.addupdate_scatter(hist_v, [idx16], ones16, mask=lanes == j)


def _agg_loop(h_hbm, acc_sh, src_hbm, dst_hbm, wid, src_v, dst_v,
              rows0, rows1, sem0, sem1, hist_v=None):

    @pl.loop(0, NG)
    def _(g):
        irows = pl.ds(wid * NCHUNK + g * KG, KG)
        pltpu.sync_copy(src_hbm.at[irows], src_v)
        pltpu.sync_copy(dst_hbm.at[irows], dst_v)
        pltpu.async_copy(h_hbm.at[src_v.at[0]], rows0, sem0)

        @pl.loop(0, KG, step=2)
        def _(i):
            pltpu.make_async_copy(h_hbm.at[src_v.at[i]], rows0, sem0).wait()
            pltpu.async_copy(h_hbm.at[src_v.at[i + 1]], rows1, sem1)
            pltpu.sync_copy(rows0, acc_sh.at[dst_v.at[i]], add=True)
            if hist_v is not None:
                _hist_chunk(hist_v, dst_v, i)
            pltpu.make_async_copy(h_hbm.at[src_v.at[i + 1]], rows1, sem1).wait()

            @pl.when(i + 2 < KG)
            def _():
                pltpu.async_copy(h_hbm.at[src_v.at[i + 2]], rows0, sem0)

            pltpu.sync_copy(rows1, acc_sh.at[dst_v.at[i + 1]], add=True)
            if hist_v is not None:
                _hist_chunk(hist_v, dst_v, i + 1)


def _sc_agg_counts_body(h_hbm, src_hbm, dst_hbm, z_hbm,
                        out_hbm, cnt_hbm,
                        acc_sh, src_v, dst_v, rows0, rows1, hist_v,
                        sem0, sem1):
    c = lax.axis_index("c")
    s = lax.axis_index("s")
    wid = c * NS + s
    sl = pl.ds(s * RPW, RPW)
    osl = pl.ds(c * NP + s * RPW, RPW)

    pltpu.sync_copy(z_hbm, acc_sh.at[sl])

    @pl.loop(0, NP, step=16)
    def _(i):
        hist_v[pl.ds(i, 16)] = jnp.zeros((16,), jnp.float32)

    plsc.subcore_barrier()

    _agg_loop(h_hbm, acc_sh, src_hbm, dst_hbm, wid, src_v, dst_v,
              rows0, rows1, sem0, sem1, hist_v=hist_v)

    plsc.subcore_barrier()
    pltpu.sync_copy(acc_sh.at[sl], out_hbm.at[osl])
    pltpu.sync_copy(hist_v, cnt_hbm.at[pl.ds(wid * NP, NP)])


def _sc_agg_body(h_hbm, src_hbm, dst_hbm, z_hbm,
                 out_hbm,
                 acc_sh, src_v, dst_v, rows0, rows1,
                 sem0, sem1):
    c = lax.axis_index("c")
    s = lax.axis_index("s")
    wid = c * NS + s
    sl = pl.ds(s * RPW, RPW)

    pltpu.sync_copy(z_hbm, acc_sh.at[sl])
    plsc.subcore_barrier()

    _agg_loop(h_hbm, acc_sh, src_hbm, dst_hbm, wid, src_v, dst_v,
              rows0, rows1, sem0, sem1)

    plsc.subcore_barrier()
    pltpu.sync_copy(acc_sh.at[sl], out_hbm.at[pl.ds(c * NP + s * RPW, RPW)])


_sc_agg_counts = pl.kernel(
    _sc_agg_counts_body,
    out_type=(jax.ShapeDtypeStruct((NC * NP, D), jnp.float32),
              jax.ShapeDtypeStruct((NW * NP,), jnp.float32)),
    mesh=_mesh,
    scratch_types=[
        pltpu.VMEM_SHARED((NP, D), jnp.float32),
        pltpu.VMEM((KG, CH), jnp.int32),
        pltpu.VMEM((KG, CH), jnp.int32),
        pltpu.VMEM((CH, D), jnp.float32),
        pltpu.VMEM((CH, D), jnp.float32),
        pltpu.VMEM((NP,), jnp.float32),
        pltpu.SemaphoreType.DMA,
        pltpu.SemaphoreType.DMA,
    ],
    compiler_params=_cp,
)

_sc_agg = pl.kernel(
    _sc_agg_body,
    out_type=jax.ShapeDtypeStruct((NC * NP, D), jnp.float32),
    mesh=_mesh,
    scratch_types=[
        pltpu.VMEM_SHARED((NP, D), jnp.float32),
        pltpu.VMEM((KG, CH), jnp.int32),
        pltpu.VMEM((KG, CH), jnp.int32),
        pltpu.VMEM((CH, D), jnp.float32),
        pltpu.VMEM((CH, D), jnp.float32),
        pltpu.SemaphoreType.DMA,
        pltpu.SemaphoreType.DMA,
    ],
)

BM = 2000


def _tc_right_body(h_ref, wr_ref, b_ref, o_ref):
    o_ref[...] = (jnp.dot(h_ref[...], wr_ref[...],
                          preferred_element_type=jnp.float32) + b_ref[...])


def _tc_mid_body(acc_ref, cnt_ref, r_ref, wl_ref, wr2_ref, b2_ref,
                 h_ref, r2_ref):
    s = acc_ref[0] + acc_ref[1]
    cnt = jnp.sum(cnt_ref[...], axis=1)
    agg = s * (1.0 / jnp.maximum(cnt, 1.0))[:, None]
    h1 = jnp.maximum(
        jnp.dot(agg, wl_ref[...], preferred_element_type=jnp.float32)
        + r_ref[...], 0.0)
    h_ref[...] = h1
    r2_ref[...] = (jnp.dot(h1, wr2_ref[...],
                           preferred_element_type=jnp.float32) + b2_ref[...])


def _tc_final_body(acc_ref, cnt_ref, r_ref, wl_ref, w3_ref, b3_ref, o_ref):
    s = acc_ref[0] + acc_ref[1]
    cnt = jnp.sum(cnt_ref[...], axis=1)
    agg = s * (1.0 / jnp.maximum(cnt, 1.0))[:, None]
    h2 = jnp.maximum(
        jnp.dot(agg, wl_ref[...], preferred_element_type=jnp.float32)
        + r_ref[...], 0.0)
    o_ref[...] = jnp.maximum(
        jnp.dot(h2, w3_ref[...], preferred_element_type=jnp.float32)
        + b3_ref[...], 0.0)


_spec_acc = pl.BlockSpec((NC, BM, D), lambda i: (0, i, 0))
_spec_cnt = pl.BlockSpec((BM, NW), lambda i: (i, 0))
_spec_h = pl.BlockSpec((BM, D), lambda i: (i, 0))
_spec_w = pl.BlockSpec((D, D), lambda i: (0, 0))
_spec_b = pl.BlockSpec((1, D), lambda i: (0, 0))
_out_h = jax.ShapeDtypeStruct((N, D), jnp.float32)

_tc_right = pl.pallas_call(
    _tc_right_body,
    grid=(N // BM,),
    in_specs=[_spec_h, _spec_w, _spec_b],
    out_specs=_spec_h,
    out_shape=_out_h,
)

_tc_mid = pl.pallas_call(
    _tc_mid_body,
    grid=(N // BM,),
    in_specs=[_spec_acc, _spec_cnt, _spec_h, _spec_w, _spec_w, _spec_b],
    out_specs=(_spec_h, _spec_h),
    out_shape=(_out_h, _out_h),
)

_tc_final = pl.pallas_call(
    _tc_final_body,
    grid=(N // BM,),
    in_specs=[_spec_acc, _spec_cnt, _spec_h, _spec_w, _spec_w, _spec_b],
    out_specs=_spec_h,
    out_shape=_out_h,
)


def kernel(x, edge_index, W1l, b1l, W1r, W2l, b2l, W2r, W3, b3):
    src = edge_index[0].astype(jnp.int32).reshape(E // CH, CH)
    dst = edge_index[1].astype(jnp.int32).reshape(E // CH, CH)
    pidx = np.arange(EP - E, dtype=np.int32)
    pad_src = jnp.asarray((pidx % N).reshape(-1, CH))
    pad_dst = jnp.asarray((N + pidx % PAD_ROWS).reshape(-1, CH))
    src_p = jnp.concatenate([src, pad_src], axis=0)
    dst_p = jnp.concatenate([dst, pad_dst], axis=0)

    z_rows = jnp.zeros((RPW, D), jnp.float32)

    acc1, cnt = _sc_agg_counts(x, src_p, dst_p, z_rows)
    r1 = _tc_right(x, W1r, b1l.reshape(1, D))
    acc1 = acc1.reshape(NC, NP, D)
    cnt = cnt.reshape(NW, NP).T
    h1, r2 = _tc_mid(acc1, cnt, r1, W1l, W2r, b2l.reshape(1, D))
    acc2 = _sc_agg(h1, src_p, dst_p, z_rows).reshape(NC, NP, D)
    out = _tc_final(acc2, cnt, r2, W2l, W3, b3.reshape(1, D))
    return out

# --- scband reference (transcript-rebuilt; emitter-appended) ---
"""Pipeline reference for scband-sagenet-35485019799827 (READ-ONLY COPY).

The authoritative reference and input builder live on the scoring server;
editing this copy changes nothing except your own understanding.
"""

import jax, jax.numpy as jnp
import numpy as np

N = 10000
E = 320000
D = 128
H = 128
O = 128


def setup_inputs(seed: int = 0) -> dict:
    key = jax.random.key(seed)
    ks = jax.random.split(key, 12)
    x = jax.random.normal(ks[0], (N, D), dtype=jnp.float32)
    edge_index = jax.random.randint(ks[1], (2, E), 0, N)
    s = 0.05
    W1l = jax.random.normal(ks[2], (D, H), dtype=jnp.float32) * s
    b1l = jnp.zeros((H,), dtype=jnp.float32)
    W1r = jax.random.normal(ks[3], (D, H), dtype=jnp.float32) * s
    W2l = jax.random.normal(ks[4], (H, H), dtype=jnp.float32) * s
    b2l = jnp.zeros((H,), dtype=jnp.float32)
    W2r = jax.random.normal(ks[5], (H, H), dtype=jnp.float32) * s
    W3 = jax.random.normal(ks[6], (H, O), dtype=jnp.float32) * s
    b3 = jnp.zeros((O,), dtype=jnp.float32)
    return {
        'x': x, 'edge_index': edge_index,
        'W1l': W1l, 'b1l': b1l, 'W1r': W1r,
        'W2l': W2l, 'b2l': b2l, 'W2r': W2r,
        'W3': W3, 'b3': b3,
    }


def _sage_conv(h, edge_index, Wl, bl, Wr):
    # PyG SAGEConv with aggr='mean': out = lin_l(mean_{j in N(i)} x_j) + lin_r(x_i)
    src = edge_index[0]
    dst = edge_index[1]
    msg = jnp.take(h, src, axis=0)                       # gather source node feats
    agg_sum = jax.ops.segment_sum(msg, dst, num_segments=N)
    cnt = jax.ops.segment_sum(jnp.ones((E,), h.dtype), dst, num_segments=N)
    agg = agg_sum / jnp.clip(cnt, 1.0)[:, None]          # mean aggregation
    return agg @ Wl + bl + h @ Wr


def reference(x, edge_index, W1l, b1l, W1r, W2l, b2l, W2r, W3, b3):
    # conv1 -> relu -> dropout(eval: identity) -> conv2 -> relu -> dropout -> lin -> relu
    h = jax.nn.relu(_sage_conv(x, edge_index, W1l, b1l, W1r))
    h = jax.nn.relu(_sage_conv(h, edge_index, W2l, b2l, W2r))
    out = jax.nn.relu(h @ W3 + b3)
    return out

if __name__ == "__main__":
    import jax
    _d = setup_inputs()
    print(jax.jit(kernel)(*tuple(_d.values())))

</pallas_src>

<mosaic_0001>
#map = affine_map<(d0, d1) -> (0, 0)>
module attributes {stable_mosaic.version = 14 : i64} {
  func.func @_sc_agg_body(%arg0: i32, %arg1: i32, %arg2: memref<10000x128xf32, #tpu.memory_space<hbm>>, %arg3: memref<2560x128xi32, #tpu.memory_space<hbm>>, %arg4: memref<2560x128xi32, #tpu.memory_space<hbm>>, %arg5: memref<640x128xf32, #tpu.memory_space<hbm>>, %arg6: memref<20480x128xf32, #tpu.memory_space<hbm>>, %arg7: memref<10240x128xf32, #tpu.memory_space<vmem_shared>>, %arg8: memref<16x128xi32, #tpu.memory_space<vmem>>, %arg9: memref<16x128xi32, #tpu.memory_space<vmem>>, %arg10: memref<128x128xf32, #tpu.memory_space<vmem>>, %arg11: memref<128x128xf32, #tpu.memory_space<vmem>>, %arg12: memref<!tpu.dma_semaphore, #tpu.memory_space<semaphore_mem>>, %arg13: memref<!tpu.dma_semaphore, #tpu.memory_space<semaphore_mem>>) attributes {dimension_semantics = [#tpu.dimension_semantics<core_parallel>, #tpu.dimension_semantics<subcore_parallel>], iteration_bounds = array<i64: 2, 16>, scalar_prefetch = 0 : i64, scratch_operands = 7 : i64, tpu.core_type = #tpu.core_type<sc_vector_subcore>, window_params = [{transform_indices = #map}, {transform_indices = #map}, {transform_indices = #map}, {transform_indices = #map}, {transform_indices = #map}]} {
    %mul3A = arith.constant 16 : i32
    %mul3A_0 = arith.muli %arg0, %mul3A : i32
    %add3A = arith.addi %mul3A_0, %arg1 : i32
    %mul3A_1 = arith.constant 640 : i32
    %mul3A_2 = arith.muli %arg1, %mul3A_1 : i32
    "tpu.region"() ({
      %run_scoped3A = tpu.sem_alloc : memref<!tpu.dma_semaphore, #tpu.memory_space<semaphore_mem>>
      %dma_start3A = arith.constant 0 : i32
      %dma_start3A_13 = tpu.memref_slice %arg7[%mul3A_2, %dma_start3A] : memref<10240x128xf32, #tpu.memory_space<vmem_shared>> -> memref<640x128xf32, #tpu.memory_space<vmem_shared>>
      tpu.enqueue_dma source(%arg5 : memref<640x128xf32, #tpu.memory_space<hbm>>) target(%dma_start3A_13 : memref<640x128xf32, #tpu.memory_space<vmem_shared>>) target_semaphore(%run_scoped3A : memref<!tpu.dma_semaphore, #tpu.memory_space<semaphore_mem>>)
      %dma_wait3A = arith.constant 0 : i32
      %dma_wait3A_14 = tpu.memref_slice %arg7[%mul3A_2, %dma_wait3A] : memref<10240x128xf32, #tpu.memory_space<vmem_shared>> -> memref<640x128xf32, #tpu.memory_space<vmem_shared>>
      tpu.wait_dma2 semaphore(%run_scoped3A : memref<!tpu.dma_semaphore, #tpu.memory_space<semaphore_mem>>) src(%arg5 : memref<640x128xf32, #tpu.memory_space<hbm>>) dst(%dma_wait3A_14 : memref<640x128xf32, #tpu.memory_space<vmem_shared>>)
      tpu.yield
    }) : () -> ()
    %barrier3A = arith.constant 0 : index
    tpu.barrier barrier_id(%barrier3A)
    %scan3A = arith.constant 0 : i32
    %scan3A_3 = arith.constant 5 : i32
    %scan3A_4 = arith.addi %scan3A, %scan3A_3 : i32
    %scan3A_5 = arith.constant 1 : i32
    scf.for %scan3A_13 = %scan3A to %scan3A_4 step %scan3A_5  : i32 {
      %mul3A_14 = arith.constant 1 : i32
      %mul3A_15 = arith.muli %scan3A_13, %mul3A_14 : i32
      %add3A_16 = arith.constant 0 : i32
      %add3A_17 = arith.addi %add3A_16, %mul3A_15 : i32
      %mul3A_18 = arith.constant 80 : i32
      %mul3A_19 = arith.muli %add3A, %mul3A_18 : i32
      %mul3A_20 = arith.constant 16 : i32
      %mul3A_21 = arith.muli %add3A_17, %mul3A_20 : i32
      %add3A_22 = arith.addi %mul3A_19, %mul3A_21 : i32
      "tpu.region"() ({
        %run_scoped3A = tpu.sem_alloc : memref<!tpu.dma_semaphore, #tpu.memory_space<semaphore_mem>>
        %dma_start3A_34 = arith.constant 0 : i32
        %dma_start3A_35 = tpu.memref_slice %arg3[%add3A_22, %dma_start3A_34] : memref<2560x128xi32, #tpu.memory_space<hbm>> -> memref<16x128xi32, #tpu.memory_space<hbm>>
        %dma_start3A_36 = arith.constant 0 : i32
        %dma_start3A_37 = tpu.memref_slice %arg3[%add3A_22, %dma_start3A_36] : memref<2560x128xi32, #tpu.memory_space<hbm>> -> memref<16x128xi32, #tpu.memory_space<hbm>>
        tpu.enqueue_dma source(%dma_start3A_37 : memref<16x128xi32, #tpu.memory_space<hbm>>) target(%arg8 : memref<16x128xi32, #tpu.memory_space<vmem>>) target_semaphore(%run_scoped3A : memref<!tpu.dma_semaphore, #tpu.memory_space<semaphore_mem>>)
        %dma_wait3A = arith.constant 0 : i32
        %dma_wait3A_38 = tpu.memref_slice %arg3[%add3A_22, %dma_wait3A] : memref<2560x128xi32, #tpu.memory_space<hbm>> -> memref<16x128xi32, #tpu.memory_space<hbm>>
        %dma_wait3A_39 = arith.constant 0 : i32
        %dma_wait3A_40 = tpu.memref_slice %arg3[%add3A_22, %dma_wait3A_39] : memref<2560x128xi32, #tpu.memory_space<hbm>> -> memref<16x128xi32, #tpu.memory_space<hbm>>
        tpu.wait_dma2 semaphore(%run_scoped3A : memref<!tpu.dma_semaphore, #tpu.memory_space<semaphore_mem>>) src(%dma_wait3A_40 : memref<16x128xi32, #tpu.memory_space<hbm>>) dst(%arg8 : memref<16x128xi32, #tpu.memory_space<vmem>>)
        tpu.yield
      }) : () -> ()
      "tpu.region"() ({
        %run_scoped3A = tpu.sem_alloc : memref<!tpu.dma_semaphore, #tpu.memory_space<semaphore_mem>>
        %dma_start3A_34 = arith.constant 0 : i32
        %dma_start3A_35 = tpu.memref_slice %arg4[%add3A_22, %dma_start3A_34] : memref<2560x128xi32, #tpu.memory_space<hbm>> -> memref<16x128xi32, #tpu.memory_space<hbm>>
        %dma_start3A_36 = arith.constant 0 : i32
        %dma_start3A_37 = tpu.memref_slice %arg4[%add3A_22, %dma_start3A_36] : memref<2560x128xi32, #tpu.memory_space<hbm>> -> memref<16x128xi32, #tpu.memory_space<hbm>>
        tpu.enqueue_dma source(%dma_start3A_37 : memref<16x128xi32, #tpu.memory_space<hbm>>) target(%arg9 : memref<16x128xi32, #tpu.memory_space<vmem>>) target_semaphore(%run_scoped3A : memref<!tpu.dma_semaphore, #tpu.memory_space<semaphore_mem>>)
        %dma_wait3A = arith.constant 0 : i32
        %dma_wait3A_38 = tpu.memref_slice %arg4[%add3A_22, %dma_wait3A] : memref<2560x128xi32, #tpu.memory_space<hbm>> -> memref<16x128xi32, #tpu.memory_space<hbm>>
        %dma_wait3A_39 = arith.constant 0 : i32
        %dma_wait3A_40 = tpu.memref_slice %arg4[%add3A_22, %dma_wait3A_39] : memref<2560x128xi32, #tpu.memory_space<hbm>> -> memref<16x128xi32, #tpu.memory_space<hbm>>
        tpu.wait_dma2 semaphore(%run_scoped3A : memref<!tpu.dma_semaphore, #tpu.memory_space<semaphore_mem>>) src(%dma_wait3A_40 : memref<16x128xi32, #tpu.memory_space<hbm>>) dst(%arg9 : memref<16x128xi32, #tpu.memory_space<vmem>>)
        tpu.yield
      }) : () -> ()
      %dma_start3A = arith.constant 0 : i32
      %dma_start3A_23 = arith.constant 0 : i32
      %dma_start3A_24 = tpu.memref_slice %arg8[%dma_start3A, %dma_start3A_23] : memref<16x128xi32, #tpu.memory_space<vmem>> -> memref<1x128xi32, #tpu.memory_space<vmem>>
      %dma_start3A_25 = tpu.memref_squeeze %dma_start3A_24 : memref<1x128xi32, #tpu.memory_space<vmem>> -> memref<128xi32, #tpu.memory_space<vmem>>
      %dma_start3A_26 = arith.constant 0 : i32
      %dma_start3A_27 = arith.constant 0 : i32
      %dma_start3A_28 = tpu.memref_slice %arg2[%dma_start3A_26, %dma_start3A_27] : memref<10000x128xf32, #tpu.memory_space<hbm>> -> memref<10000x128xf32, #tpu.memory_space<hbm>>
      tpu.enqueue_indirect_dma source(%dma_start3A_28 : memref<10000x128xf32, #tpu.memory_space<hbm>>) target(%arg10 : memref<128x128xf32, #tpu.memory_space<vmem>>) offsets(%dma_start3A_25 : memref<128xi32, #tpu.memory_space<vmem>>) semaphore(%arg12 : memref<!tpu.dma_semaphore, #tpu.memory_space<semaphore_mem>>)
      %scan3A_29 = arith.constant 0 : i32
      %scan3A_30 = arith.constant 8 : i32
      %scan3A_31 = arith.addi %scan3A_29, %scan3A_30 : i32
      %scan3A_32 = arith.constant 1 : i32
      scf.for %scan3A_34 = %scan3A_29 to %scan3A_31 step %scan3A_32  : i32 {
        %mul3A_35 = arith.constant 2 : i32
        %mul3A_36 = arith.muli %scan3A_34, %mul3A_35 : i32
        %add3A_37 = arith.constant 0 : i32
        %add3A_38 = arith.addi %add3A_37, %mul3A_36 : i32
        %dma_wait3A = arith.constant 0 : i32
        %dma_wait3A_39 = tpu.memref_slice %arg8[%add3A_38, %dma_wait3A] : memref<16x128xi32, #tpu.memory_space<vmem>> -> memref<1x128xi32, #tpu.memory_space<vmem>>
        %dma_wait3A_40 = tpu.memref_squeeze %dma_wait3A_39 : memref<1x128xi32, #tpu.memory_space<vmem>> -> memref<128xi32, #tpu.memory_space<vmem>>
        %dma_wait3A_41 = arith.constant 0 : i32
        %dma_wait3A_42 = arith.constant 0 : i32
        %dma_wait3A_43 = tpu.memref_slice %arg2[%dma_wait3A_41, %dma_wait3A_42] : memref<10000x128xf32, #tpu.memory_space<hbm>> -> memref<10000x128xf32, #tpu.memory_space<hbm>>
        tpu.wait_indirect_dma semaphore(%arg12 : memref<!tpu.dma_semaphore, #tpu.memory_space<semaphore_mem>>) src(%dma_wait3A_43 : memref<10000x128xf32, #tpu.memory_space<hbm>>) dst(%arg10 : memref<128x128xf32, #tpu.memory_space<vmem>>)
        %add3A_44 = arith.constant 1 : i32
        %add3A_45 = arith.addi %add3A_38, %add3A_44 : i32
        %dma_start3A_46 = arith.constant 0 : i32
        %dma_start3A_47 = tpu.memref_slice %arg8[%add3A_45, %dma_start3A_46] : memref<16x128xi32, #tpu.memory_space<vmem>> -> memref<1x128xi32, #tpu.memory_space<vmem>>
        %dma_start3A_48 = tpu.memref_squeeze %dma_start3A_47 : memref<1x128xi32, #tpu.memory_space<vmem>> -> memref<128xi32, #tpu.memory_space<vmem>>
        %dma_start3A_49 = arith.constant 0 : i32
        %dma_start3A_50 = arith.constant 0 : i32
        %dma_start3A_51 = tpu.memref_slice %arg2[%dma_start3A_49, %dma_start3A_50] : memref<10000x128xf32, #tpu.memory_space<hbm>> -> memref<10000x128xf32, #tpu.memory_space<hbm>>
        tpu.enqueue_indirect_dma source(%dma_start3A_51 : memref<10000x128xf32, #tpu.memory_space<hbm>>) target(%arg11 : memref<128x128xf32, #tpu.memory_space<vmem>>) offsets(%dma_start3A_48 : memref<128xi32, #tpu.memory_space<vmem>>) semaphore(%arg13 : memref<!tpu.dma_semaphore, #tpu.memory_space<semaphore_mem>>)
        "tpu.region"() ({
          %run_scoped3A = tpu.sem_alloc : memref<!tpu.dma_semaphore, #tpu.memory_space<semaphore_mem>>
          %dma_start3A_66 = arith.constant 0 : i32
          %dma_start3A_67 = tpu.memref_slice %arg9[%add3A_38, %dma_start3A_66] : memref<16x128xi32, #tpu.memory_space<vmem>> -> memref<1x128xi32, #tpu.memory_space<vmem>>
          %dma_start3A_68 = tpu.memref_squeeze %dma_start3A_67 : memref<1x128xi32, #tpu.memory_space<vmem>> -> memref<128xi32, #tpu.memory_space<vmem>>
          %dma_start3A_69 = arith.constant 0 : i32
          %dma_start3A_70 = arith.constant 0 : i32
          %dma_start3A_71 = tpu.memref_slice %arg7[%dma_start3A_69, %dma_start3A_70] : memref<10240x128xf32, #tpu.memory_space<vmem_shared>> -> memref<10240x128xf32, #tpu.memory_space<vmem_shared>>
          tpu.enqueue_indirect_dma source(%arg10 : memref<128x128xf32, #tpu.memory_space<vmem>>) target(%dma_start3A_71 : memref<10240x128xf32, #tpu.memory_space<vmem_shared>>) offsets(%dma_start3A_68 : memref<128xi32, #tpu.memory_space<vmem>>) semaphore(%run_scoped3A : memref<!tpu.dma_semaphore, #tpu.memory_space<semaphore_mem>>) {add = true}
          %dma_wait3A_72 = arith.constant 0 : i32
          %dma_wait3A_73 = tpu.memref_slice %arg9[%add3A_38, %dma_wait3A_72] : memref<16x128xi32, #tpu.memory_space<vmem>> -> memref<1x128xi32, #tpu.memory_space<vmem>>
          %dma_wait3A_74 = tpu.memref_squeeze %dma_wait3A_73 : memref<1x128xi32, #tpu.memory_space<vmem>> -> memref<128xi32, #tpu.memory_space<vmem>>
          %dma_wait3A_75 = arith.constant 0 : i32
          %dma_wait3A_76 = arith.constant 0 : i32
          %dma_wait3A_77 = tpu.memref_slice %arg7[%dma_wait3A_75, %dma_wait3A_76] : memref<10240x128xf32, #tpu.memory_space<vmem_shared>> -> memref<10240x128xf32, #tpu.memory_space<vmem_shared>>
          tpu.wait_indirect_dma semaphore(%run_scoped3A : memref<!tpu.dma_semaphore, #tpu.memory_space<semaphore_mem>>) src(%arg10 : memref<128x128xf32, #tpu.memory_space<vmem>>) dst(%dma_wait3A_77 : memref<10240x128xf32, #tpu.memory_space<vmem_shared>>)
          tpu.yield
        }) : () -> ()
        %add3A_52 = arith.constant 1 : i32
        %add3A_53 = arith.addi %add3A_38, %add3A_52 : i32
        %dma_wait3A_54 = arith.constant 0 : i32
        %dma_wait3A_55 = tpu.memref_slice %arg8[%add3A_53, %dma_wait3A_54] : memref<16x128xi32, #tpu.memory_space<vmem>> -> memref<1x128xi32, #tpu.memory_space<vmem>>
        %dma_wait3A_56 = tpu.memref_squeeze %dma_wait3A_55 : memref<1x128xi32, #tpu.memory_space<vmem>> -> memref<128xi32, #tpu.memory_space<vmem>>
        %dma_wait3A_57 = arith.constant 0 : i32
        %dma_wait3A_58 = arith.constant 0 : i32
        %dma_wait3A_59 = tpu.memref_slice %arg2[%dma_wait3A_57, %dma_wait3A_58] : memref<10000x128xf32, #tpu.memory_space<hbm>> -> memref<10000x128xf32, #tpu.memory_space<hbm>>
        tpu.wait_indirect_dma semaphore(%arg13 : memref<!tpu.dma_semaphore, #tpu.memory_space<semaphore_mem>>) src(%dma_wait3A_59 : memref<10000x128xf32, #tpu.memory_space<hbm>>) dst(%arg11 : memref<128x128xf32, #tpu.memory_space<vmem>>)
        %add3A_60 = arith.constant 2 : i32
        %add3A_61 = arith.addi %add3A_38, %add3A_60 : i32
        %lt3A = arith.constant 16 : i32
        %lt3A_62 = arith.cmpi slt, %add3A_61, %lt3A : i32
        %convert_element_type3A = arith.extui %lt3A_62 : i1 to i32
        %cond3A = arith.constant 0 : i32
        %cond3A_63 = arith.cmpi ne, %convert_element_type3A, %cond3A : i32
        scf.if %cond3A_63 {
          %add3A_66 = arith.constant 2 : i32
          %add3A_67 = arith.addi %add3A_38, %add3A_66 : i32
          %dma_start3A_68 = arith.constant 0 : i32
          %dma_start3A_69 = tpu.memref_slice %arg8[%add3A_67, %dma_start3A_68] : memref<16x128xi32, #tpu.memory_space<vmem>> -> memref<1x128xi32, #tpu.memory_space<vmem>>
          %dma_start3A_70 = tpu.memref_squeeze %dma_start3A_69 : memref<1x128xi32, #tpu.memory_space<vmem>> -> memref<128xi32, #tpu.memory_space<vmem>>
          %dma_start3A_71 = arith.constant 0 : i32
          %dma_start3A_72 = arith.constant 0 : i32
          %dma_start3A_73 = tpu.memref_slice %arg2[%dma_start3A_71, %dma_start3A_72] : memref<10000x128xf32, #tpu.memory_space<hbm>> -> memref<10000x128xf32, #tpu.memory_space<hbm>>
          tpu.enqueue_indirect_dma source(%dma_start3A_73 : memref<10000x128xf32, #tpu.memory_space<hbm>>) target(%arg10 : memref<128x128xf32, #tpu.memory_space<vmem>>) offsets(%dma_start3A_70 : memref<128xi32, #tpu.memory_space<vmem>>) semaphore(%arg12 : memref<!tpu.dma_semaphore, #tpu.memory_space<semaphore_mem>>)
        } else {
        }
        %add3A_64 = arith.constant 1 : i32
        %add3A_65 = arith.addi %add3A_38, %add3A_64 : i32
        "tpu.region"() ({
          %run_scoped3A = tpu.sem_alloc : memref<!tpu.dma_semaphore, #tpu.memory_space<semaphore_mem>>
          %dma_start3A_66 = arith.constant 0 : i32
          %dma_start3A_67 = tpu.memref_slice %arg9[%add3A_65, %dma_start3A_66] : memref<16x128xi32, #tpu.memory_space<vmem>> -> memref<1x128xi32, #tpu.memory_space<vmem>>
          %dma_start3A_68 = tpu.memref_squeeze %dma_start3A_67 : memref<1x128xi32, #tpu.memory_space<vmem>> -> memref<128xi32, #tpu.memory_space<vmem>>
          %dma_start3A_69 = arith.constant 0 : i32
          %dma_start3A_70 = arith.constant 0 : i32
          %dma_start3A_71 = tpu.memref_slice %arg7[%dma_start3A_69, %dma_start3A_70] : memref<10240x128xf32, #tpu.memory_space<vmem_shared>> -> memref<10240x128xf32, #tpu.memory_space<vmem_shared>>
          tpu.enqueue_indirect_dma source(%arg11 : memref<128x128xf32, #tpu.memory_space<vmem>>) target(%dma_start3A_71 : memref<10240x128xf32, #tpu.memory_space<vmem_shared>>) offsets(%dma_start3A_68 : memref<128xi32, #tpu.memory_space<vmem>>) semaphore(%run_scoped3A : memref<!tpu.dma_semaphore, #tpu.memory_space<semaphore_mem>>) {add = true}
          %dma_wait3A_72 = arith.constant 0 : i32
          %dma_wait3A_73 = tpu.memref_slice %arg9[%add3A_65, %dma_wait3A_72] : memref<16x128xi32, #tpu.memory_space<vmem>> -> memref<1x128xi32, #tpu.memory_space<vmem>>
          %dma_wait3A_74 = tpu.memref_squeeze %dma_wait3A_73 : memref<1x128xi32, #tpu.memory_space<vmem>> -> memref<128xi32, #tpu.memory_space<vmem>>
          %dma_wait3A_75 = arith.constant 0 : i32
          %dma_wait3A_76 = arith.constant 0 : i32
          %dma_wait3A_77 = tpu.memref_slice %arg7[%dma_wait3A_75, %dma_wait3A_76] : memref<10240x128xf32, #tpu.memory_space<vmem_shared>> -> memref<10240x128xf32, #tpu.memory_space<vmem_shared>>
          tpu.wait_indirect_dma semaphore(%run_scoped3A : memref<!tpu.dma_semaphore, #tpu.memory_space<semaphore_mem>>) src(%arg11 : memref<128x128xf32, #tpu.memory_space<vmem>>) dst(%dma_wait3A_77 : memref<10240x128xf32, #tpu.memory_space<vmem_shared>>)
          tpu.yield
        }) : () -> ()
      }
      %scan3A_33 = arith.constant 8 : i32
    }
    %scan3A_6 = arith.constant 5 : i32
    %barrier3A_7 = arith.constant 0 : index
    tpu.barrier barrier_id(%barrier3A_7)
    %mul3A_8 = arith.constant 10240 : i32
    %mul3A_9 = arith.muli %arg0, %mul3A_8 : i32
    %mul3A_10 = arith.constant 640 : i32
    %mul3A_11 = arith.muli %arg1, %mul3A_10 : i32
    %add3A_12 = arith.addi %mul3A_9, %mul3A_11 : i32
    "tpu.region"() ({
      %run_scoped3A = tpu.sem_alloc : memref<!tpu.dma_semaphore, #tpu.memory_space<semaphore_mem>>
      %dma_start3A = arith.constant 0 : i32
      %dma_start3A_13 = tpu.memref_slice %arg6[%add3A_12, %dma_start3A] : memref<20480x128xf32, #tpu.memory_space<hbm>> -> memref<640x128xf32, #tpu.memory_space<hbm>>
      %dma_start3A_14 = arith.constant 0 : i32
      %dma_start3A_15 = tpu.memref_slice %arg7[%mul3A_2, %dma_start3A_14] : memref<10240x128xf32, #tpu.memory_space<vmem_shared>> -> memref<640x128xf32, #tpu.memory_space<vmem_shared>>
      tpu.enqueue_dma source(%dma_start3A_15 : memref<640x128xf32, #tpu.memory_space<vmem_shared>>) target(%dma_start3A_13 : memref<640x128xf32, #tpu.memory_space<hbm>>) target_semaphore(%run_scoped3A : memref<!tpu.dma_semaphore, #tpu.memory_space<semaphore_mem>>)
      %dma_wait3A = arith.constant 0 : i32
      %dma_wait3A_16 = tpu.memref_slice %arg6[%add3A_12, %dma_wait3A] : memref<20480x128xf32, #tpu.memory_space<hbm>> -> memref<640x128xf32, #tpu.memory_space<hbm>>
      %dma_wait3A_17 = arith.constant 0 : i32
      %dma_wait3A_18 = tpu.memref_slice %arg7[%mul3A_2, %dma_wait3A_17] : memref<10240x128xf32, #tpu.memory_space<vmem_shared>> -> memref<640x128xf32, #tpu.memory_space<vmem_shared>>
      tpu.wait_dma2 semaphore(%run_scoped3A : memref<!tpu.dma_semaphore, #tpu.memory_space<semaphore_mem>>) src(%dma_wait3A_18 : memref<640x128xf32, #tpu.memory_space<vmem_shared>>) dst(%dma_wait3A_16 : memref<640x128xf32, #tpu.memory_space<hbm>>)
      tpu.yield
    }) : () -> ()
    return
  }
}

#map = affine_map<(d0, d1) -> (0, 0)>
#map1 = affine_map<(d0, d1) -> (0)>
module attributes {stable_mosaic.version = 14 : i64} {
  func.func @_sc_agg_counts_body(%arg0: i32, %arg1: i32, %arg2: memref<10000x128xf32, #tpu.memory_space<hbm>>, %arg3: memref<2560x128xi32, #tpu.memory_space<hbm>>, %arg4: memref<2560x128xi32, #tpu.memory_space<hbm>>, %arg5: memref<640x128xf32, #tpu.memory_space<hbm>>, %arg6: memref<20480x128xf32, #tpu.memory_space<hbm>>, %arg7: memref<327680xf32, #tpu.memory_space<hbm>>, %arg8: memref<10240x128xf32, #tpu.memory_space<vmem_shared>>, %arg9: memref<16x128xi32, #tpu.memory_space<vmem>>, %arg10: memref<16x128xi32, #tpu.memory_space<vmem>>, %arg11: memref<128x128xf32, #tpu.memory_space<vmem>>, %arg12: memref<128x128xf32, #tpu.memory_space<vmem>>, %arg13: memref<10240xf32, #tpu.memory_space<vmem>>, %arg14: memref<!tpu.dma_semaphore, #tpu.memory_space<semaphore_mem>>, %arg15: memref<!tpu.dma_semaphore, #tpu.memory_space<semaphore_mem>>) attributes {dimension_semantics = [#tpu.dimension_semantics<core_parallel>, #tpu.dimension_semantics<subcore_parallel>], iteration_bounds = array<i64: 2, 16>, scalar_prefetch = 0 : i64, scratch_operands = 8 : i64, tpu.core_type = #tpu.core_type<sc_vector_subcore>, window_params = [{transform_indices = #map}, {transform_indices = #map}, {transform_indices = #map}, {transform_indices = #map}, {transform_indices = #map}, {transform_indices = #map1}]} {
    %mul3A = arith.constant 16 : i32
    %mul3A_0 = arith.muli %arg0, %mul3A : i32
    %add3A = arith.addi %mul3A_0, %arg1 : i32
    %mul3A_1 = arith.constant 640 : i32
    %mul3A_2 = arith.muli %arg1, %mul3A_1 : i32
    %mul3A_3 = arith.constant 10240 : i32
    %mul3A_4 = arith.muli %arg0, %mul3A_3 : i32
    %mul3A_5 = arith.constant 640 : i32
    %mul3A_6 = arith.muli %arg1, %mul3A_5 : i32
    %add3A_7 = arith.addi %mul3A_4, %mul3A_6 : i32
    "tpu.region"() ({
      %run_scoped3A = tpu.sem_alloc : memref<!tpu.dma_semaphore, #tpu.memory_space<semaphore_mem>>
      %dma_start3A = arith.constant 0 : i32
      %dma_start3A_20 = tpu.memref_slice %arg8[%mul3A_2, %dma_start3A] : memref<10240x128xf32, #tpu.memory_space<vmem_shared>> -> memref<640x128xf32, #tpu.memory_space<vmem_shared>>
      tpu.enqueue_dma source(%arg5 : memref<640x128xf32, #tpu.memory_space<hbm>>) target(%dma_start3A_20 : memref<640x128xf32, #tpu.memory_space<vmem_shared>>) target_semaphore(%run_scoped3A : memref<!tpu.dma_semaphore, #tpu.memory_space<semaphore_mem>>)
      %dma_wait3A = arith.constant 0 : i32
      %dma_wait3A_21 = tpu.memref_slice %arg8[%mul3A_2, %dma_wait3A] : memref<10240x128xf32, #tpu.memory_space<vmem_shared>> -> memref<640x128xf32, #tpu.memory_space<vmem_shared>>
      tpu.wait_dma2 semaphore(%run_scoped3A : memref<!tpu.dma_semaphore, #tpu.memory_space<semaphore_mem>>) src(%arg5 : memref<640x128xf32, #tpu.memory_space<hbm>>) dst(%dma_wait3A_21 : memref<640x128xf32, #tpu.memory_space<vmem_shared>>)
      tpu.yield
    }) : () -> ()
    %scan3A = arith.constant 0 : i32
    %scan3A_8 = arith.constant 640 : i32
    %scan3A_9 = arith.addi %scan3A, %scan3A_8 : i32
    %scan3A_10 = arith.constant 1 : i32
    scf.for %scan3A_20 = %scan3A to %scan3A_9 step %scan3A_10  : i32 {
      %mul3A_21 = arith.constant 16 : i32
      %mul3A_22 = arith.muli %scan3A_20, %mul3A_21 : i32
      %add3A_23 = arith.constant 0 : i32
      %add3A_24 = arith.addi %add3A_23, %mul3A_22 : i32
      %broadcast_in_dim3A = arith.constant 0.000000e+00 : f32
      %broadcast_in_dim3A_25 = vector.broadcast %broadcast_in_dim3A : f32 to vector<16xf32>
      %swap3A = arith.index_cast %add3A_24 : i32 to index
      %swap3A_26 = tpu.vector_load %arg13[%swap3A] {strides = array<i32>} : memref<10240xf32, #tpu.memory_space<vmem>>, vector<16xf32>,
      tpu.vector_store %arg13[%swap3A], %broadcast_in_dim3A_25 {strides = array<i32>} : memref<10240xf32, #tpu.memory_space<vmem>>, vector<16xf32>,
    }
    %scan3A_11 = arith.constant 640 : i32
    %barrier3A = arith.constant 0 : index
    tpu.barrier barrier_id(%barrier3A)
    %scan3A_12 = arith.constant 0 : i32
    %scan3A_13 = arith.constant 5 : i32
    %scan3A_14 = arith.addi %scan3A_12, %scan3A_13 : i32
    %scan3A_15 = arith.constant 1 : i32
    scf.for %scan3A_20 = %scan3A_12 to %scan3A_14 step %scan3A_15  : i32 {
      %mul3A_21 = arith.constant 1 : i32
      %mul3A_22 = arith.muli %scan3A_20, %mul3A_21 : i32
      %add3A_23 = arith.constant 0 : i32
      %add3A_24 = arith.addi %add3A_23, %mul3A_22 : i32
      %mul3A_25 = arith.constant 80 : i32
      %mul3A_26 = arith.muli %add3A, %mul3A_25 : i32
      %mul3A_27 = arith.constant 16 : i32
      %mul3A_28 = arith.muli %add3A_24, %mul3A_27 : i32
      %add3A_29 = arith.addi %mul3A_26, %mul3A_28 : i32
      "tpu.region"() ({
        %run_scoped3A = tpu.sem_alloc : memref<!tpu.dma_semaphore, #tpu.memory_space<semaphore_mem>>
        %dma_start3A_41 = arith.constant 0 : i32
        %dma_start3A_42 = tpu.memref_slice %arg3[%add3A_29, %dma_start3A_41] : memref<2560x128xi32, #tpu.memory_space<hbm>> -> memref<16x128xi32, #tpu.memory_space<hbm>>
        %dma_start3A_43 = arith.constant 0 : i32
        %dma_start3A_44 = tpu.memref_slice %arg3[%add3A_29, %dma_start3A_43] : memref<2560x128xi32, #tpu.memory_space<hbm>> -> memref<16x128xi32, #tpu.memory_space<hbm>>
        tpu.enqueue_dma source(%dma_start3A_44 : memref<16x128xi32, #tpu.memory_space<hbm>>) target(%arg9 : memref<16x128xi32, #tpu.memory_space<vmem>>) target_semaphore(%run_scoped3A : memref<!tpu.dma_semaphore, #tpu.memory_space<semaphore_mem>>)
        %dma_wait3A = arith.constant 0 : i32
        %dma_wait3A_45 = tpu.memref_slice %arg3[%add3A_29, %dma_wait3A] : memref<2560x128xi32, #tpu.memory_space<hbm>> -> memref<16x128xi32, #tpu.memory_space<hbm>>
        %dma_wait3A_46 = arith.constant 0 : i32
        %dma_wait3A_47 = tpu.memref_slice %arg3[%add3A_29, %dma_wait3A_46] : memref<2560x128xi32, #tpu.memory_space<hbm>> -> memref<16x128xi32, #tpu.memory_space<hbm>>
        tpu.wait_dma2 semaphore(%run_scoped3A : memref<!tpu.dma_semaphore, #tpu.memory_space<semaphore_mem>>) src(%dma_wait3A_47 : memref<16x128xi32, #tpu.memory_space<hbm>>) dst(%arg9 : memref<16x128xi32, #tpu.memory_space<vmem>>)
        tpu.yield
      }) : () -> ()
      "tpu.region"() ({
        %run_scoped3A = tpu.sem_alloc : memref<!tpu.dma_semaphore, #tpu.memory_space<semaphore_mem>>
        %dma_start3A_41 = arith.constant 0 : i32
        %dma_start3A_42 = tpu.memref_slice %arg4[%add3A_29, %dma_start3A_41] : memref<2560x128xi32, #tpu.memory_space<hbm>> -> memref<16x128xi32, #tpu.memory_space<hbm>>
        %dma_start3A_43 = arith.constant 0 : i32
        %dma_start3A_44 = tpu.memref_slice %arg4[%add3A_29, %dma_start3A_43] : memref<2560x128xi32, #tpu.memory_space<hbm>> -> memref<16x128xi32, #tpu.memory_space<hbm>>
        tpu.enqueue_dma source(%dma_start3A_44 : memref<16x128xi32, #tpu.memory_space<hbm>>) target(%arg10 : memref<16x128xi32, #tpu.memory_space<vmem>>) target_semaphore(%run_scoped3A : memref<!tpu.dma_semaphore, #tpu.memory_space<semaphore_mem>>)
        %dma_wait3A = arith.constant 0 : i32
        %dma_wait3A_45 = tpu.memref_slice %arg4[%add3A_29, %dma_wait3A] : memref<2560x128xi32, #tpu.memory_space<hbm>> -> memref<16x128xi32, #tpu.memory_space<hbm>>
        %dma_wait3A_46 = arith.constant 0 : i32
        %dma_wait3A_47 = tpu.memref_slice %arg4[%add3A_29, %dma_wait3A_46] : memref<2560x128xi32, #tpu.memory_space<hbm>> -> memref<16x128xi32, #tpu.memory_space<hbm>>
        tpu.wait_dma2 semaphore(%run_scoped3A : memref<!tpu.dma_semaphore, #tpu.memory_space<semaphore_mem>>) src(%dma_wait3A_47 : memref<16x128xi32, #tpu.memory_space<hbm>>) dst(%arg10 : memref<16x128xi32, #tpu.memory_space<vmem>>)
        tpu.yield
      }) : () -> ()
      %dma_start3A = arith.constant 0 : i32
      %dma_start3A_30 = arith.constant 0 : i32
      %dma_start3A_31 = tpu.memref_slice %arg9[%dma_start3A, %dma_start3A_30] : memref<16x128xi32, #tpu.memory_space<vmem>> -> memref<1x128xi32, #tpu.memory_space<vmem>>
      %dma_start3A_32 = tpu.memref_squeeze %dma_start3A_31 : memref<1x128xi32, #tpu.memory_space<vmem>> -> memref<128xi32, #tpu.memory_space<vmem>>
      %dma_start3A_33 = arith.constant 0 : i32
      %dma_start3A_34 = arith.constant 0 : i32
      %dma_start3A_35 = tpu.memref_slice %arg2[%dma_start3A_33, %dma_start3A_34] : memref<10000x128xf32, #tpu.memory_space<hbm>> -> memref<10000x128xf32, #tpu.memory_space<hbm>>
      tpu.enqueue_indirect_dma source(%dma_start3A_35 : memref<10000x128xf32, #tpu.memory_space<hbm>>) target(%arg11 : memref<128x128xf32, #tpu.memory_space<vmem>>) offsets(%dma_start3A_32 : memref<128xi32, #tpu.memory_space<vmem>>) semaphore(%arg14 : memref<!tpu.dma_semaphore, #tpu.memory_space<semaphore_mem>>)
      %scan3A_36 = arith.constant 0 : i32
      %scan3A_37 = arith.constant 8 : i32
      %scan3A_38 = arith.addi %scan3A_36, %scan3A_37 : i32
      %scan3A_39 = arith.constant 1 : i32
      scf.for %scan3A_41 = %scan3A_36 to %scan3A_38 step %scan3A_39  : i32 {
        %mul3A_42 = arith.constant 2 : i32
        %mul3A_43 = arith.muli %scan3A_41, %mul3A_42 : i32
        %add3A_44 = arith.constant 0 : i32
        %add3A_45 = arith.addi %add3A_44, %mul3A_43 : i32
        %dma_wait3A = arith.constant 0 : i32
        %dma_wait3A_46 = tpu.memref_slice %arg9[%add3A_45, %dma_wait3A] : memref<16x128xi32, #tpu.memory_space<vmem>> -> memref<1x128xi32, #tpu.memory_space<vmem>>
        %dma_wait3A_47 = tpu.memref_squeeze %dma_wait3A_46 : memref<1x128xi32, #tpu.memory_space<vmem>> -> memref<128xi32, #tpu.memory_space<vmem>>
        %dma_wait3A_48 = arith.constant 0 : i32
        %dma_wait3A_49 = arith.constant 0 : i32
        %dma_wait3A_50 = tpu.memref_slice %arg2[%dma_wait3A_48, %dma_wait3A_49] : memref<10000x128xf32, #tpu.memory_space<hbm>> -> memref<10000x128xf32, #tpu.memory_space<hbm>>
        tpu.wait_indirect_dma semaphore(%arg14 : memref<!tpu.dma_semaphore, #tpu.memory_space<semaphore_mem>>) src(%dma_wait3A_50 : memref<10000x128xf32, #tpu.memory_space<hbm>>) dst(%arg11 : memref<128x128xf32, #tpu.memory_space<vmem>>)
        %add3A_51 = arith.constant 1 : i32
        %add3A_52 = arith.addi %add3A_45, %add3A_51 : i32
        %dma_start3A_53 = arith.constant 0 : i32
        %dma_start3A_54 = tpu.memref_slice %arg9[%add3A_52, %dma_start3A_53] : memref<16x128xi32, #tpu.memory_space<vmem>> -> memref<1x128xi32, #tpu.memory_space<vmem>>
        %dma_start3A_55 = tpu.memref_squeeze %dma_start3A_54 : memref<1x128xi32, #tpu.memory_space<vmem>> -> memref<128xi32, #tpu.memory_space<vmem>>
        %dma_start3A_56 = arith.constant 0 : i32
        %dma_start3A_57 = arith.constant 0 : i32
        %dma_start3A_58 = tpu.memref_slice %arg2[%dma_start3A_56, %dma_start3A_57] : memref<10000x128xf32, #tpu.memory_space<hbm>> -> memref<10000x128xf32, #tpu.memory_space<hbm>>
        tpu.enqueue_indirect_dma source(%dma_start3A_58 : memref<10000x128xf32, #tpu.memory_space<hbm>>) target(%arg12 : memref<128x128xf32, #tpu.memory_space<vmem>>) offsets(%dma_start3A_55 : memref<128xi32, #tpu.memory_space<vmem>>) semaphore(%arg15 : memref<!tpu.dma_semaphore, #tpu.memory_space<semaphore_mem>>)
        "tpu.region"() ({
          %run_scoped3A = tpu.sem_alloc : memref<!tpu.dma_semaphore, #tpu.memory_space<semaphore_mem>>
          %dma_start3A_893 = arith.constant 0 : i32
          %dma_start3A_894 = tpu.memref_slice %arg10[%add3A_45, %dma_start3A_893] : memref<16x128xi32, #tpu.memory_space<vmem>> -> memref<1x128xi32, #tpu.memory_space<vmem>>
          %dma_start3A_895 = tpu.memref_squeeze %dma_start3A_894 : memref<1x128xi32, #tpu.memory_space<vmem>> -> memref<128xi32, #tpu.memory_space<vmem>>
          %dma_start3A_896 = arith.constant 0 : i32
          %dma_start3A_897 = arith.constant 0 : i32
          %dma_start3A_898 = tpu.memref_slice %arg8[%dma_start3A_896, %dma_start3A_897] : memref<10240x128xf32, #tpu.memory_space<vmem_shared>> -> memref<10240x128xf32, #tpu.memory_space<vmem_shared>>
          tpu.enqueue_indirect_dma source(%arg11 : memref<128x128xf32, #tpu.memory_space<vmem>>) target(%dma_start3A_898 : memref<10240x128xf32, #tpu.memory_space<vmem_shared>>) offsets(%dma_start3A_895 : memref<128xi32, #tpu.memory_space<vmem>>) semaphore(%run_scoped3A : memref<!tpu.dma_semaphore, #tpu.memory_space<semaphore_mem>>) {add = true}
          %dma_wait3A_899 = arith.constant 0 : i32
          %dma_wait3A_900 = tpu.memref_slice %arg10[%add3A_45, %dma_wait3A_899] : memref<16x128xi32, #tpu.memory_space<vmem>> -> memref<1x128xi32, #tpu.memory_space<vmem>>
          %dma_wait3A_901 = tpu.memref_squeeze %dma_wait3A_900 : memref<1x128xi32, #tpu.memory_space<vmem>> -> memref<128xi32, #tpu.memory_space<vmem>>
          %dma_wait3A_902 = arith.constant 0 : i32
          %dma_wait3A_903 = arith.constant 0 : i32
          %dma_wait3A_904 = tpu.memref_slice %arg8[%dma_wait3A_902, %dma_wait3A_903] : memref<10240x128xf32, #tpu.memory_space<vmem_shared>> -> memref<10240x128xf32, #tpu.memory_space<vmem_shared>>
          tpu.wait_indirect_dma semaphore(%run_scoped3A : memref<!tpu.dma_semaphore, #tpu.memory_space<semaphore_mem>>) src(%arg11 : memref<128x128xf32, #tpu.memory_space<vmem>>) dst(%dma_wait3A_904 : memref<10240x128xf32, #tpu.memory_space<vmem_shared>>)
          tpu.yield
        }) : () -> ()
        %broadcast_in_dim3A = arith.constant 1.000000e+00 : f32
        %broadcast_in_dim3A_59 = vector.broadcast %broadcast_in_dim3A : f32 to vector<16xf32>
        %iota3A = tpu.iota {dimensions = array<i32: 0>} : vector<16xi32>
        %get3A = arith.index_cast %add3A_45 : i32 to index
        %get3A_60 = arith.constant 0 : index
        %get3A_61 = tpu.vector_load %arg10[%get3A, %get3A_60] {strides = array<i32>} : memref<16x128xi32, #tpu.memory_space<vmem>>, vector<16xi32>,
        %eq3A = arith.constant 0 : i32
        %eq3A_62 = vector.broadcast %eq3A : i32 to vector<16xi32>
        %eq3A_63 = arith.cmpi eq, %iota3A, %eq3A_62 : vector<16xi32>
        tpu.vector_store_idx %arg13[%get3A_61], %broadcast_in_dim3A_59 masked %eq3A_63 {add = true} : memref<10240xf32, #tpu.memory_space<vmem>>[vector<16xi32>], vector<16xf32>, vector<16xi1>
        %eq3A_64 = arith.constant 1 : i32
        %eq3A_65 = vector.broadcast %eq3A_64 : i32 to vector<16xi32>
        %eq3A_66 = arith.cmpi eq, %iota3A, %eq3A_65 : vector<16xi32>
        tpu.vector_store_idx %arg13[%get3A_61], %broadcast_in_dim3A_59 masked %eq3A_66 {add = true} : memref<10240xf32, #tpu.memory_space<vmem>>[vector<16xi32>], vector<16xf32>, vector<16xi1>
        %eq3A_67 = arith.constant 2 : i32
        %eq3A_68 = vector.broadcast %eq3A_67 : i32 to vector<16xi32>
        %eq3A_69 = arith.cmpi eq, %iota3A, %eq3A_68 : vector<16xi32>
        tpu.vector_store_idx %arg13[%get3A_61], %broadcast_in_dim3A_59 masked %eq3A_69 {add = true} : memref<10240xf32, #tpu.memory_space<vmem>>[vector<16xi32>], vector<16xf32>, vector<16xi1>
        %eq3A_70 = arith.constant 3 : i32
        %eq3A_71 = vector.broadcast %eq3A_70 : i32 to vector<16xi32>
        %eq3A_72 = arith.cmpi eq, %iota3A, %eq3A_71 : vector<16xi32>
        tpu.vector_store_idx %arg13[%get3A_61], %broadcast_in_dim3A_59 masked %eq3A_72 {add = true} : memref<10240xf32, #tpu.memory_space<vmem>>[vector<16xi32>], vector<16xf32>, vector<16xi1>
        %eq3A_73 = arith.constant 4 : i32
        %eq3A_74 = vector.broadcast %eq3A_73 : i32 to vector<16xi32>
        %eq3A_75 = arith.cmpi eq, %iota3A, %eq3A_74 : vector<16xi32>
        tpu.vector_store_idx %arg13[%get3A_61], %broadcast_in_dim3A_59 masked %eq3A_75 {add = true} : memref<10240xf32, #tpu.memory_space<vmem>>[vector<16xi32>], vector<16xf32>, vector<16xi1>
        %eq3A_76 = arith.constant 5 : i32
        %eq3A_77 = vector.broadcast %eq3A_76 : i32 to vector<16xi32>
        %eq3A_78 = arith.cmpi eq, %iota3A, %eq3A_77 : vector<16xi32>
        tpu.vector_store_idx %arg13[%get3A_61], %broadcast_in_dim3A_59 masked %eq3A_78 {add = true} : memref<10240xf32, #tpu.memory_space<vmem>>[vector<16xi32>], vector<16xf32>, vector<16xi1>
        %eq3A_79 = arith.constant 6 : i32
        %eq3A_80 = vector.broadcast %eq3A_79 : i32 to vector<16xi32>
        %eq3A_81 = arith.cmpi eq, %iota3A, %eq3A_80 : vector<16xi32>
        tpu.vector_store_idx %arg13[%get3A_61], %broadcast_in_dim3A_59 masked %eq3A_81 {add = true} : memref<10240xf32, #tpu.memory_space<vmem>>[vector<16xi32>], vector<16xf32>, vector<16xi1>
        %eq3A_82 = arith.constant 7 : i32
        %eq3A_83 = vector.broadcast %eq3A_82 : i32 to vector<16xi32>
        %eq3A_84 = arith.cmpi eq, %iota3A, %eq3A_83 : vector<16xi32>
        tpu.vector_store_idx %arg13[%get3A_61], %broadcast_in_dim3A_59 masked %eq3A_84 {add = true} : memref<10240xf32, #tpu.memory_space<vmem>>[vector<16xi32>], vector<16xf32>, vector<16xi1>
        %eq3A_85 = arith.constant 8 : i32
        %eq3A_86 = vector.broadcast %eq3A_85 : i32 to vector<16xi32>
        %eq3A_87 = arith.cmpi eq, %iota3A, %eq3A_86 : vector<16xi32>
        tpu.vector_store_idx %arg13[%get3A_61], %broadcast_in_dim3A_59 masked %eq3A_87 {add = true} : memref<10240xf32, #tpu.memory_space<vmem>>[vector<16xi32>], vector<16xf32>, vector<16xi1>
        %eq3A_88 = arith.constant 9 : i32
        %eq3A_89 = vector.broadcast %eq3A_88 : i32 to vector<16xi32>
        %eq3A_90 = arith.cmpi eq, %iota3A, %eq3A_89 : vector<16xi32>
        tpu.vector_store_idx %arg13[%get3A_61], %broadcast_in_dim3A_59 masked %eq3A_90 {add = true} : memref<10240xf32, #tpu.memory_space<vmem>>[vector<16xi32>], vector<16xf32>, vector<16xi1>
        %eq3A_91 = arith.constant 10 : i32
        %eq3A_92 = vector.broadcast %eq3A_91 : i32 to vector<16xi32>
        %eq3A_93 = arith.cmpi eq, %iota3A, %eq3A_92 : vector<16xi32>
        tpu.vector_store_idx %arg13[%get3A_61], %broadcast_in_dim3A_59 masked %eq3A_93 {add = true} : memref<10240xf32, #tpu.memory_space<vmem>>[vector<16xi32>], vector<16xf32>, vector<16xi1>
        %eq3A_94 = arith.constant 11 : i32
        %eq3A_95 = vector.broadcast %eq3A_94 : i32 to vector<16xi32>
        %eq3A_96 = arith.cmpi eq, %iota3A, %eq3A_95 : vector<16xi32>
        tpu.vector_store_idx %arg13[%get3A_61], %broadcast_in_dim3A_59 masked %eq3A_96 {add = true} : memref<10240xf32, #tpu.memory_space<vmem>>[vector<16xi32>], vector<16xf32>, vector<16xi1>
        %eq3A_97 = arith.constant 12 : i32
        %eq3A_98 = vector.broadcast %eq3A_97 : i32 to vector<16xi32>
        %eq3A_99 = arith.cmpi eq, %iota3A, %eq3A_98 : vector<16xi32>
        tpu.vector_store_idx %arg13[%get3A_61], %broadcast_in_dim3A_59 masked %eq3A_99 {add = true} : memref<10240xf32, #tpu.memory_space<vmem>>[vector<16xi32>], vector<16xf32>, vector<16xi1>
        %eq3A_100 = arith.constant 13 : i32
        %eq3A_101 = vector.broadcast %eq3A_100 : i32 to vector<16xi32>
        %eq3A_102 = arith.cmpi eq, %iota3A, %eq3A_101 : vector<16xi32>
        tpu.vector_store_idx %arg13[%get3A_61], %broadcast_in_dim3A_59 masked %eq3A_102 {add = true} : memref<10240xf32, #tpu.memory_space<vmem>>[vector<16xi32>], vector<16xf32>, vector<16xi1>
        %eq3A_103 = arith.constant 14 : i32
        %eq3A_104 = vector.broadcast %eq3A_103 : i32 to vector<16xi32>
        %eq3A_105 = arith.cmpi eq, %iota3A, %eq3A_104 : vector<16xi32>
        tpu.vector_store_idx %arg13[%get3A_61], %broadcast_in_dim3A_59 masked %eq3A_105 {add = true} : memref<10240xf32, #tpu.memory_space<vmem>>[vector<16xi32>], vector<16xf32>, vector<16xi1>
        %eq3A_106 = arith.constant 15 : i32
        %eq3A_107 = vector.broadcast %eq3A_106 : i32 to vector<16xi32>
        %eq3A_108 = arith.cmpi eq, %iota3A, %eq3A_107 : vector<16xi32>
        tpu.vector_store_idx %arg13[%get3A_61], %broadcast_in_dim3A_59 masked %eq3A_108 {add = true} : memref<10240xf32, #tpu.memory_space<vmem>>[vector<16xi32>], vector<16xf32>, vector<16xi1>
        %get3A_109 = arith.index_cast %add3A_45 : i32 to index
        %get3A_110 = arith.constant 16 : index
        %get3A_111 = tpu.vector_load %arg10[%get3A_109, %get3A_110] {strides = array<i32>} : memref<16x128xi32, #tpu.memory_space<vmem>>, vector<16xi32>,
        %eq3A_112 = arith.constant 0 : i32
        %eq3A_113 = vector.broadcast %eq3A_112 : i32 to vector<16xi32>
        %eq3A_114 = arith.cmpi eq, %iota3A, %eq3A_113 : vector<16xi32>
        tpu.vector_store_idx %arg13[%get3A_111], %broadcast_in_dim3A_59 masked %eq3A_114 {add = true} : memref<10240xf32, #tpu.memory_space<vmem>>[vector<16xi32>], vector<16xf32>, vector<16xi1>
        %eq3A_115 = arith.constant 1 : i32
        %eq3A_116 = vector.broadcast %eq3A_115 : i32 to vector<16xi32>
        %eq3A_117 = arith.cmpi eq, %iota3A, %eq3A_116 : vector<16xi32>
        tpu.vector_store_idx %arg13[%get3A_111], %broadcast_in_dim3A_59 masked %eq3A_117 {add = true} : memref<10240xf32, #tpu.memory_space<vmem>>[vector<16xi32>], vector<16xf32>, vector<16xi1>
        %eq3A_118 = arith.constant 2 : i32
        %eq3A_119 = vector.broadcast %eq3A_118 : i32 to vector<16xi32>
        %eq3A_120 = arith.cmpi eq, %iota3A, %eq3A_119 : vector<16xi32>
        tpu.vector_store_idx %arg13[%get3A_111], %broadcast_in_dim3A_59 masked %eq3A_120 {add = true} : memref<10240xf32, #tpu.memory_space<vmem>>[vector<16xi32>], vector<16xf32>, vector<16xi1>
        %eq3A_121 = arith.constant 3 : i32
        %eq3A_122 = vector.broadcast %eq3A_121 : i32 to vector<16xi32>
        %eq3A_123 = arith.cmpi eq, %iota3A, %eq3A_122 : vector<16xi32>
        tpu.vector_store_idx %arg13[%get3A_111], %broadcast_in_dim3A_59 masked %eq3A_123 {add = true} : memref<10240xf32, #tpu.memory_space<vmem>>[vector<16xi32>], vector<16xf32>, vector<16xi1>
        %eq3A_124 = arith.constant 4 : i32
        %eq3A_125 = vector.broadcast %eq3A_124 : i32 to vector<16xi32>
        %eq3A_126 = arith.cmpi eq, %iota3A, %eq3A_125 : vector<16xi32>
        tpu.vector_store_idx %arg13[%get3A_111], %broadcast_in_dim3A_59 masked %eq3A_126 {add = true} : memref<10240xf32, #tpu.memory_space<vmem>>[vector<16xi32>], vector<16xf32>, vector<16xi1>
        %eq3A_127 = arith.constant 5 : i32
        %eq3A_128 = vector.broadcast %eq3A_127 : i32 to vector<16xi32>
        %eq3A_129 = arith.cmpi eq, %iota3A, %eq3A_128 : vector<16xi32>
        tpu.vector_store_idx %arg13[%get3A_111], %broadcast_in_dim3A_59 masked %eq3A_129 {add = true} : memref<10240xf32, #tpu.memory_space<vmem>>[vector<16xi32>], vector<16xf32>, vector<16xi1>
        %eq3A_130 = arith.constant 6 : i32
        %eq3A_131 = vector.broadcast %eq3A_130 : i32 to vector<16xi32>
        %eq3A_132 = arith.cmpi eq, %iota3A, %eq3A_131 : vector<16xi32>
        tpu.vector_store_idx %arg13[%get3A_111], %broadcast_in_dim3A_59 masked %eq3A_132 {add = true} : memref<10240xf32, #tpu.memory_space<vmem>>[vector<16xi32>], vector<16xf32>, vector<16xi1>
        %eq3A_133 = arith.constant 7 : i32
        %eq3A_134 = vector.broadcast %eq3A_133 : i32 to vector<16xi32>
        %eq3A_135 = arith.cmpi eq, %iota3A, %eq3A_134 : vector<16xi32>
        tpu.vector_store_idx %arg13[%get3A_111], %broadcast_in_dim3A_59 masked %eq3A_135 {add = true} : memref<10240xf32, #tpu.memory_space<vmem>>[vector<16xi32>], vector<16xf32>, vector<16xi1>
        %eq3A_136 = arith.constant 8 : i32
        %eq3A_137 = vector.broadcast %eq3A_136 : i32 to vector<16xi32>
        %eq3A_138 = arith.cmpi eq, %iota3A, %eq3A_137 : vector<16xi32>
        tpu.vector_store_idx %arg13[%get3A_111], %broadcast_in_dim3A_59 masked %eq3A_138 {add = true} : memref<10240xf32, #tpu.memory_space<vmem>>[vector<16xi32>], vector<16xf32>, vector<16xi1>
        %eq3A_139 = arith.constant 9 : i32
        %eq3A_140 = vector.broadcast %eq3A_139 : i32 to vector<16xi32>
        %eq3A_141 = arith.cmpi eq, %iota3A, %eq3A_140 : vector<16xi32>
        tpu.vector_store_idx %arg13[%get3A_111], %broadcast_in_dim3A_59 masked %eq3A_141 {add = true} : memref<10240xf32, #tpu.memory_space<vmem>>[vector<16xi32>], vector<16xf32>, vector<16xi1>
        %eq3A_142 = arith.constant 10 : i32
        %eq3A_143 = vector.broadcast %eq3A_142 : i32 to vector<16xi32>
        %eq3A_144 = arith.cmpi eq, %iota3A, %eq3A_143 : vector<16xi32>
        tpu.vector_store_idx %arg13[%get3A_111], %broadcast_in_dim3A_59 masked %eq3A_144 {add = true} : memref<10240xf32, #tpu.memory_space<vmem>>[vector<16xi32>], vector<16xf32>, vector<16xi1>
        %eq3A_145 = arith.constant 11 : i32
        %eq3A_146 = vector.broadcast %eq3A_145 : i32 to vector<16xi32>
        %eq3A_147 = arith.cmpi eq, %iota3A, %eq3A_146 : vector<16xi32>
        tpu.vector_store_idx %arg13[%get3A_111], %broadcast_in_dim3A_59 masked %eq3A_147 {add = true} : memref<10240xf32, #tpu.memory_space<vmem>>[vector<16xi32>], vector<16xf32>, vector<16xi1>
        %eq3A_148 = arith.constant 12 : i32
        %eq3A_149 = vector.broadcast %eq3A_148 : i32 to vector<16xi32>
        %eq3A_150 = arith.cmpi eq, %iota3A, %eq3A_149 : vector<16xi32>
        tpu.vector_store_idx %arg13[%get3A_111], %broadcast_in_dim3A_59 masked %eq3A_150 {add = true} : memref<10240xf32, #tpu.memory_space<vmem>>[vector<16xi32>], vector<16xf32>, vector<16xi1>
        %eq3A_151 = arith.constant 13 : i32
        %eq3A_152 = vector.broadcast %eq3A_151 : i32 to vector<16xi32>
        %eq3A_153 = arith.cmpi eq, %iota3A, %eq3A_152 : vector<16xi32>
        tpu.vector_store_idx %arg13[%get3A_111], %broadcast_in_dim3A_59 masked %eq3A_153 {add = true} : memref<10240xf32, #tpu.memory_space<vmem>>[vector<16xi32>], vector<16xf32>, vector<16xi1>
        %eq3A_154 = arith.constant 14 : i32
        %eq3A_155 = vector.broadcast %eq3A_154 : i32 to vector<16xi32>
        %eq3A_156 = arith.cmpi eq, %iota3A, %eq3A_155 : vector<16xi32>
        tpu.vector_store_idx %arg13[%get3A_111], %broadcast_in_dim3A_59 masked %eq3A_156 {add = true} : memref<10240xf32, #tpu.memory_space<vmem>>[vector<16xi32>], vector<16xf32>, vector<16xi1>
        %eq3A_157 = arith.constant 15 : i32
        %eq3A_158 = vector.broadcast %eq3A_157 : i32 to vector<16xi32>
        %eq3A_159 = arith.cmpi eq, %iota3A, %eq3A_158 : vector<16xi32>
        tpu.vector_store_idx %arg13[%get3A_111], %broadcast_in_dim3A_59 masked %eq3A_159 {add = true} : memref<10240xf32, #tpu.memory_space<vmem>>[vector<16xi32>], vector<16xf32>, vector<16xi1>
        %get3A_160 = arith.index_cast %add3A_45 : i32 to index
        %get3A_161 = arith.constant 32 : index
        %get3A_162 = tpu.vector_load %arg10[%get3A_160, %get3A_161] {strides = array<i32>} : memref<16x128xi32, #tpu.memory_space<vmem>>, vector<16xi32>,
        %eq3A_163 = arith.constant 0 : i32
        %eq3A_164 = vector.broadcast %eq3A_163 : i32 to vector<16xi32>
        %eq3A_165 = arith.cmpi eq, %iota3A, %eq3A_164 : vector<16xi32>
        tpu.vector_store_idx %arg13[%get3A_162], %broadcast_in_dim3A_59 masked %eq3A_165 {add = true} : memref<10240xf32, #tpu.memory_space<vmem>>[vector<16xi32>], vector<16xf32>, vector<16xi1>
        %eq3A_166 = arith.constant 1 : i32
        %eq3A_167 = vector.broadcast %eq3A_166 : i32 to vector<16xi32>
        %eq3A_168 = arith.cmpi eq, %iota3A, %eq3A_167 : vector<16xi32>
        tpu.vector_store_idx %arg13[%get3A_162], %broadcast_in_dim3A_59 masked %eq3A_168 {add = true} : memref<10240xf32, #tpu.memory_space<vmem>>[vector<16xi32>], vector<16xf32>, vector<16xi1>
        %eq3A_169 = arith.constant 2 : i32
        %eq3A_170 = vector.broadcast %eq3A_169 : i32 to vector<16xi32>
        %eq3A_171 = arith.cmpi eq, %iota3A, %eq3A_170 : vector<16xi32>
        tpu.vector_store_idx %arg13[%get3A_162], %broadcast_in_dim3A_59 masked %eq3A_171 {add = true} : memref<10240xf32, #tpu.memory_space<vmem>>[vector<16xi32>], vector<16xf32>, vector<16xi1>
        %eq3A_172 = arith.constant 3 : i32
        %eq3A_173 = vector.broadcast %eq3A_172 : i32 to vector<16xi32>
        %eq3A_174 = arith.cmpi eq, %iota3A, %eq3A_173 : vector<16xi32>
        tpu.vector_store_idx %arg13[%get3A_162], %broadcast_in_dim3A_59 masked %eq3A_174 {add = true} : memref<10240xf32, #tpu.memory_space<vmem>>[vector<16xi32>], vector<16xf32>, vector<16xi1>
        %eq3A_175 = arith.constant 4 : i32
        %eq3A_176 = vector.broadcast %eq3A_175 : i32 to vector<16xi32>
        %eq3A_177 = arith.cmpi eq, %iota3A, %eq3A_176 : vector<16xi32>
        tpu.vector_store_idx %arg13[%get3A_162], %broadcast_in_dim3A_59 masked %eq3A_177 {add = true} : memref<10240xf32, #tpu.memory_space<vmem>>[vector<16xi32>], vector<16xf32>, vector<16xi1>
        %eq3A_178 = arith.constant 5 : i32
        %eq3A_179 = vector.broadcast %eq3A_178 : i32 to vector<16xi32>
        %eq3A_180 = arith.cmpi eq, %iota3A, %eq3A_179 : vector<16xi32>
        tpu.vector_store_idx %arg13[%get3A_162], %broadcast_in_dim3A_59 masked %eq3A_180 {add = true} : memref<10240xf32, #tpu.memory_space<vmem>>[vector<16xi32>], vector<16xf32>, vector<16xi1>
        %eq3A_181 = arith.constant 6 : i32
        %eq3A_182 = vector.broadcast %eq3A_181 : i32 to vector<16xi32>
        %eq3A_183 = arith.cmpi eq, %iota3A, %eq3A_182 : vector<16xi32>
        tpu.vector_store_idx %arg13[%get3A_162], %broadcast_in_dim3A_59 masked %eq3A_183 {add = true} : memref<10240xf32, #tpu.memory_space<vmem>>[vector<16xi32>], vector<16xf32>, vector<16xi1>
        %eq3A_184 = arith.constant 7 : i32
        %eq3A_185 = vector.broadcast %eq3A_184 : i32 to vector<16xi32>
        %eq3A_186 = arith.cmpi eq, %iota3A, %eq3A_185 : vector<16xi32>
        tpu.vector_store_idx %arg13[%get3A_162], %broadcast_in_dim3A_59 masked %eq3A_186 {add = true} : memref<10240xf32, #tpu.memory_space<vmem>>[vector<16xi32>], vector<16xf32>, vector<16xi1>
        %eq3A_187 = arith.constant 8 : i32
        %eq3A_188 = vector.broadcast %eq3A_187 : i32 to vector<16xi32>
        %eq3A_189 = arith.cmpi eq, %iota3A, %eq3A_188 : vector<16xi32>
        tpu.vector_store_idx %arg13[%get3A_162], %broadcast_in_dim3A_59 masked %eq3A_189 {add = true} : memref<10240xf32, #tpu.memory_space<vmem>>[vector<16xi32>], vector<16xf32>, vector<16xi1>
        %eq3A_190 = arith.constant 9 : i32
        %eq3A_191 = vector.broadcast %eq3A_190 : i32 to vector<16xi32>
        %eq3A_192 = arith.cmpi eq, %iota3A, %eq3A_191 : vector<16xi32>
        tpu.vector_store_idx %arg13[%get3A_162], %broadcast_in_dim3A_59 masked %eq3A_192 {add = true} : memref<10240xf32, #tpu.memory_space<vmem>>[vector<16xi32>], vector<16xf32>, vector<16xi1>
        %eq3A_193 = arith.constant 10 : i32
        %eq3A_194 = vector.broadcast %eq3A_193 : i32 to vector<16xi32>
        %eq3A_195 = arith.cmpi eq, %iota3A, %eq3A_194 : vector<16xi32>
        tpu.vector_store_idx %arg13[%get3A_162], %broadcast_in_dim3A_59 masked %eq3A_195 {add = true} : memref<10240xf32, #tpu.memory_space<vmem>>[vector<16xi32>], vector<16xf32>, vector<16xi1>
        %eq3A_196 = arith.constant 11 : i32
        %eq3A_197 = vector.broadcast %eq3A_196 : i32 to vector<16xi32>
        %eq3A_198 = arith.cmpi eq, %iota3A, %eq3A_197 : vector<16xi32>
        tpu.vector_store_idx %arg13[%get3A_162], %broadcast_in_dim3A_59 masked %eq3A_198 {add = true} : memref<10240xf32, #tpu.memory_space<vmem>>[vector<16xi32>], vector<16xf32>, vector<16xi1>
        %eq3A_199 = arith.constant 12 : i32
        %eq3A_200 = vector.broadcast %eq3A_199 : i32 to vector<16xi32>
        %eq3A_201 = arith.cmpi eq, %iota3A, %eq3A_200 : vector<16xi32>
        tpu.vector_store_idx %arg13[%get3A_162], %broadcast_in_dim3A_59 masked %eq3A_201 {add = true} : memref<10240xf32, #tpu.memory_space<vmem>>[vector<16xi32>], vector<16xf32>, vector<16xi1>
        %eq3A_202 = arith.constant 13 : i32
        %eq3A_203 = vector.broadcast %eq3A_202 : i32 to vector<16xi32>
        %eq3A_204 = arith.cmpi eq, %iota3A, %eq3A_203 : vector<16xi32>
        tpu.vector_store_idx %arg13[%get3A_162], %broadcast_in_dim3A_59 masked %eq3A_204 {add = true} : memref<10240xf32, #tpu.memory_space<vmem>>[vector<16xi32>], vector<16xf32>, vector<16xi1>
        %eq3A_205 = arith.constant 14 : i32
        %eq3A_206 = vector.broadcast %eq3A_205 : i32 to vector<16xi32>
        %eq3A_207 = arith.cmpi eq, %iota3A, %eq3A_206 : vector<16xi32>
        tpu.vector_store_idx %arg13[%get3A_162], %broadcast_in_dim3A_59 masked %eq3A_207 {add = true} : memref<10240xf32, #tpu.memory_space<vmem>>[vector<16xi32>], vector<16xf32>, vector<16xi1>
        %eq3A_208 = arith.constant 15 : i32
        %eq3A_209 = vector.broadcast %eq3A_208 : i32 to vector<16xi32>
        %eq3A_210 = arith.cmpi eq, %iota3A, %eq3A_209 : vector<16xi32>
        tpu.vector_store_idx %arg13[%get3A_162], %broadcast_in_dim3A_59 masked %eq3A_210 {add = true} : memref<10240xf32, #tpu.memory_space<vmem>>[vector<16xi32>], vector<16xf32>, vector<16xi1>
        %get3A_211 = arith.index_cast %add3A_45 : i32 to index
        %get3A_212 = arith.constant 48 : index
        %get3A_213 = tpu.vector_load %arg10[%get3A_211, %get3A_212] {strides = array<i32>} : memref<16x128xi32, #tpu.memory_space<vmem>>, vector<16xi32>,
        %eq3A_214 = arith.constant 0 : i32
        %eq3A_215 = vector.broadcast %eq3A_214 : i32 to vector<16xi32>
        %eq3A_216 = arith.cmpi eq, %iota3A, %eq3A_215 : vector<16xi32>
        tpu.vector_store_idx %arg13[%get3A_213], %broadcast_in_dim3A_59 masked %eq3A_216 {add = true} : memref<10240xf32, #tpu.memory_space<vmem>>[vector<16xi32>], vector<16xf32>, vector<16xi1>
        %eq3A_217 = arith.constant 1 : i32
        %eq3A_218 = vector.broadcast %eq3A_217 : i32 to vector<16xi32>
        %eq3A_219 = arith.cmpi eq, %iota3A, %eq3A_218 : vector<16xi32>
        tpu.vector_store_idx %arg13[%get3A_213], %broadcast_in_dim3A_59 masked %eq3A_219 {add = true} : memref<10240xf32, #tpu.memory_space<vmem>>[vector<16xi32>], vector<16xf32>, vector<16xi1>
        %eq3A_220 = arith.constant 2 : i32
        %eq3A_221 = vector.broadcast %eq3A_220 : i32 to vector<16xi32>
        %eq3A_222 = arith.cmpi eq, %iota3A, %eq3A_221 : vector<16xi32>
        tpu.vector_store_idx %arg13[%get3A_213], %broadcast_in_dim3A_59 masked %eq3A_222 {add = true} : memref<10240xf32, #tpu.memory_space<vmem>>[vector<16xi32>], vector<16xf32>, vector<16xi1>
        %eq3A_223 = arith.constant 3 : i32
        %eq3A_224 = vector.broadcast %eq3A_223 : i32 to vector<16xi32>
        %eq3A_225 = arith.cmpi eq, %iota3A, %eq3A_224 : vector<16xi32>
        tpu.vector_store_idx %arg13[%get3A_213], %broadcast_in_dim3A_59 masked %eq3A_225 {add = true} : memref<10240xf32, #tpu.memory_space<vmem>>[vector<16xi32>], vector<16xf32>, vector<16xi1>
        %eq3A_226 = arith.constant 4 : i32
        %eq3A_227 = vector.broadcast %eq3A_226 : i32 to vector<16xi32>
        %eq3A_228 = arith.cmpi eq, %iota3A, %eq3A_227 : vector<16xi32>
        tpu.vector_store_idx %arg13[%get3A_213], %broadcast_in_dim3A_59 masked %eq3A_228 {add = true} : memref<10240xf32, #tpu.memory_space<vmem>>[vector<16xi32>], vector<16xf32>, vector<16xi1>
        %eq3A_229 = arith.constant 5 : i32
        %eq3A_230 = vector.broadcast %eq3A_229 : i32 to vector<16xi32>
        %eq3A_231 = arith.cmpi eq, %iota3A, %eq3A_230 : vector<16xi32>
        tpu.vector_store_idx %arg13[%get3A_213], %broadcast_in_dim3A_59 masked %eq3A_231 {add = true} : memref<10240xf32, #tpu.memory_space<vmem>>[vector<16xi32>], vector<16xf32>, vector<16xi1>
        %eq3A_232 = arith.constant 6 : i32
        %eq3A_233 = vector.broadcast %eq3A_232 : i32 to vector<16xi32>
        %eq3A_234 = arith.cmpi eq, %iota3A, %eq3A_233 : vector<16xi32>
        tpu.vector_store_idx %arg13[%get3A_213], %broadcast_in_dim3A_59 masked %eq3A_234 {add = true} : memref<10240xf32, #tpu.memory_space<vmem>>[vector<16xi32>], vector<16xf32>, vector<16xi1>
        %eq3A_235 = arith.constant 7 : i32
        %eq3A_236 = vector.broadcast %eq3A_235 : i32 to vector<16xi32>
        %eq3A_237 = arith.cmpi eq, %iota3A, %eq3A_236 : vector<16xi32>
        tpu.vector_store_idx %arg13[%get3A_213], %broadcast_in_dim3A_59 masked %eq3A_237 {add = true} : memref<10240xf32, #tpu.memory_space<vmem>>[vector<16xi32>], vector<16xf32>, vector<16xi1>
        %eq3A_238 = arith.constant 8 : i32
        %eq3A_239 = vector.broadcast %eq3A_238 : i32 to vector<16xi32>
        %eq3A_240 = arith.cmpi eq, %iota3A, %eq3A_239 : vector<16xi32>
        tpu.vector_store_idx %arg13[%get3A_213], %broadcast_in_dim3A_59 masked %eq3A_240 {add = true} : memref<10240xf32, #tpu.memory_space<vmem>>[vector<16xi32>], vector<16xf32>, vector<16xi1>
        %eq3A_241 = arith.constant 9 : i32
        %eq3A_242 = vector.broadcast %eq3A_241 : i32 to vector<16xi32>
        %eq3A_243 = arith.cmpi eq, %iota3A, %eq3A_242 : vector<16xi32>
        tpu.vector_store_idx %arg13[%get3A_213], %broadcast_in_dim3A_59 masked %eq3A_243 {add = true} : memref<10240xf32, #tpu.memory_space<vmem>>[vector<16xi32>], vector<16xf32>, vector<16xi1>
        %eq3A_244 = arith.constant 10 : i32
        %eq3A_245 = vector.broadcast %eq3A_244 : i32 to vector<16xi32>
        %eq3A_246 = arith.cmpi eq, %iota3A, %eq3A_245 : vector<16xi32>
        tpu.vector_store_idx %arg13[%get3A_213], %broadcast_in_dim3A_59 masked %eq3A_246 {add = true} : memref<10240xf32, #tpu.memory_space<vmem>>[vector<16xi32>], vector<16xf32>, vector<16xi1>
        %eq3A_247 = arith.constant 11 : i32
        %eq3A_248 = vector.broadcast %eq3A_247 : i32 to vector<16xi32>
        %eq3A_249 = arith.cmpi eq, %iota3A, %eq3A_248 : vector<16xi32>
        tpu.vector_store_idx %arg13[%get3A_213], %broadcast_in_dim3A_59 masked %eq3A_249 {add = true} : memref<10240xf32, #tpu.memory_space<vmem>>[vector<16xi32>], vector<16xf32>, vector<16xi1>
        %eq3A_250 = arith.constant 12 : i32
        %eq3A_251 = vector.broadcast %eq3A_250 : i32 to vector<16xi32>
        %eq3A_252 = arith.cmpi eq, %iota3A, %eq3A_251 : vector<16xi32>
        tpu.vector_store_idx %arg13[%get3A_213], %broadcast_in_dim3A_59 masked %eq3A_252 {add = true} : memref<10240xf32, #tpu.memory_space<vmem>>[vector<16xi32>], vector<16xf32>, vector<16xi1>
        %eq3A_253 = arith.constant 13 : i32
        %eq3A_254 = vector.broadcast %eq3A_253 : i32 to vector<16xi32>
        %eq3A_255 = arith.cmpi eq, %iota3A, %eq3A_254 : vector<16xi32>
        tpu.vector_store_idx %arg13[%get3A_213], %broadcast_in_dim3A_59 masked %eq3A_255 {add = true} : memref<10240xf32, #tpu.memory_space<vmem>>[vector<16xi32>], vector<16xf32>, vector<16xi1>
        %eq3A_256 = arith.constant 14 : i32
        %eq3A_257 = vector.broadcast %eq3A_256 : i32 to vector<16xi32>
        %eq3A_258 = arith.cmpi eq, %iota3A, %eq3A_257 : vector<16xi32>
        tpu.vector_store_idx %arg13[%get3A_213], %broadcast_in_dim3A_59 masked %eq3A_258 {add = true} : memref<10240xf32, #tpu.memory_space<vmem>>[vector<16xi32>], vector<16xf32>, vector<16xi1>
        %eq3A_259 = arith.constant 15 : i32
        %eq3A_260 = vector.broadcast %eq3A_259 : i32 to vector<16xi32>
        %eq3A_261 = arith.cmpi eq, %iota3A, %eq3A_260 : vector<16xi32>
        tpu.vector_store_idx %arg13[%get3A_213], %broadcast_in_dim3A_59 masked %eq3A_261 {add = true} : memref<10240xf32, #tpu.memory_space<vmem>>[vector<16xi32>], vector<16xf32>, vector<16xi1>
        %get3A_262 = arith.index_cast %add3A_45 : i32 to index
        %get3A_263 = arith.constant 64 : index
        %get3A_264 = tpu.vector_load %arg10[%get3A_262, %get3A_263] {strides = array<i32>} : memref<16x128xi32, #tpu.memory_space<vmem>>, vector<16xi32>,
        %eq3A_265 = arith.constant 0 : i32
        %eq3A_266 = vector.broadcast %eq3A_265 : i32 to vector<16xi32>
        %eq3A_267 = arith.cmpi eq, %iota3A, %eq3A_266 : vector<16xi32>
        tpu.vector_store_idx %arg13[%get3A_264], %broadcast_in_dim3A_59 masked %eq3A_267 {add = true} : memref<10240xf32, #tpu.memory_space<vmem>>[vector<16xi32>], vector<16xf32>, vector<16xi1>
        %eq3A_268 = arith.constant 1 : i32
        %eq3A_269 = vector.broadcast %eq3A_268 : i32 to vector<16xi32>
        %eq3A_270 = arith.cmpi eq, %iota3A, %eq3A_269 : vector<16xi32>
        tpu.vector_store_idx %arg13[%get3A_264], %broadcast_in_dim3A_59 masked %eq3A_270 {add = true} : memref<10240xf32, #tpu.memory_space<vmem>>[vector<16xi32>], vector<16xf32>, vector<16xi1>
        %eq3A_271 = arith.constant 2 : i32
        %eq3A_272 = vector.broadcast %eq3A_271 : i32 to vector<16xi32>
        %eq3A_273 = arith.cmpi eq, %iota3A, %eq3A_272 : vector<16xi32>
        tpu.vector_store_idx %arg13[%get3A_264], %broadcast_in_dim3A_59 masked %eq3A_273 {add = true} : memref<10240xf32, #tpu.memory_space<vmem>>[vector<16xi32>], vector<16xf32>, vector<16xi1>
        %eq3A_274 = arith.constant 3 : i32
        %eq3A_275 = vector.broadcast %eq3A_274 : i32 to vector<16xi32>
        %eq3A_276 = arith.cmpi eq, %iota3A, %eq3A_275 : vector<16xi32>
        tpu.vector_store_idx %arg13[%get3A_264], %broadcast_in_dim3A_59 masked %eq3A_276 {add = true} : memref<10240xf32, #tpu.memory_space<vmem>>[vector<16xi32>], vector<16xf32>, vector<16xi1>
        %eq3A_277 = arith.constant 4 : i32
        %eq3A_278 = vector.broadcast %eq3A_277 : i32 to vector<16xi32>
        %eq3A_279 = arith.cmpi eq, %iota3A, %eq3A_278 : vector<16xi32>
        tpu.vector_store_idx %arg13[%get3A_264], %broadcast_in_dim3A_59 masked %eq3A_279 {add = true} : memref<10240xf32, #tpu.memory_space<vmem>>[vector<16xi32>], vector<16xf32>, vector<16xi1>
        %eq3A_280 = arith.constant 5 : i32
        %eq3A_281 = vector.broadcast %eq3A_280 : i32 to vector<16xi32>
        %eq3A_282 = arith.cmpi eq, %iota3A, %eq3A_281 : vector<16xi32>
        tpu.vector_store_idx %arg13[%get3A_264], %broadcast_in_dim3A_59 masked %eq3A_282 {add = true} : memref<10240xf32, #tpu.memory_space<vmem>>[vector<16xi32>], vector<16xf32>, vector<16xi1>
        %eq3A_283 = arith.constant 6 : i32
        %eq3A_284 = vector.broadcast %eq3A_283 : i32 to vector<16xi32>
        %eq3A_285 = arith.cmpi eq, %iota3A, %eq3A_284 : vector<16xi32>
        tpu.vector_store_idx %arg13[%get3A_264], %broadcast_in_dim3A_59 masked %eq3A_285 {add = true} : memref<10240xf32, #tpu.memory_space<vmem>>[vector<16xi32>], vector<16xf32>, vector<16xi1>
        %eq3A_286 = arith.constant 7 : i32
        %eq3A_287 = vector.broadcast %eq3A_286 : i32 to vector<16xi32>
        %eq3A_288 = arith.cmpi eq, %iota3A, %eq3A_287 : vector<16xi32>
        tpu.vector_store_idx %arg13[%get3A_264], %broadcast_in_dim3A_59 masked %eq3A_288 {add = true} : memref<10240xf32, #tpu.memory_space<vmem>>[vector<16xi32>], vector<16xf32>, vector<16xi1>
        %eq3A_289 = arith.constant 8 : i32
        %eq3A_290 = vector.broadcast %eq3A_289 : i32 to vector<16xi32>
        %eq3A_291 = arith.cmpi eq, %iota3A, %eq3A_290 : vector<16xi32>
        tpu.vector_store_idx %arg13[%get3A_264], %broadcast_in_dim3A_59 masked %eq3A_291 {add = true} : memref<10240xf32, #tpu.memory_space<vmem>>[vector<16xi32>], vector<16xf32>, vector<16xi1>
        %eq3A_292 = arith.constant 9 : i32
        %eq3A_293 = vector.broadcast %eq3A_292 : i32 to vector<16xi32>
        %eq3A_294 = arith.cmpi eq, %iota3A, %eq3A_293 : vector<16xi32>
        tpu.vector_store_idx %arg13[%get3A_264], %broadcast_in_dim3A_59 masked %eq3A_294 {add = true} : memref<10240xf32, #tpu.memory_space<vmem>>[vector<16xi32>], vector<16xf32>, vector<16xi1>
        %eq3A_295 = arith.constant 10 : i32
        %eq3A_296 = vector.broadcast %eq3A_295 : i32 to vector<16xi32>
        %eq3A_297 = arith.cmpi eq, %iota3A, %eq3A_296 : vector<16xi32>
        tpu.vector_store_idx %arg13[%get3A_264], %broadcast_in_dim3A_59 masked %eq3A_297 {add = true} : memref<10240xf32, #tpu.memory_space<vmem>>[vector<16xi32>], vector<16xf32>, vector<16xi1>
        %eq3A_298 = arith.constant 11 : i32
        %eq3A_299 = vector.broadcast %eq3A_298 : i32 to vector<16xi32>
        %eq3A_300 = arith.cmpi eq, %iota3A, %eq3A_299 : vector<16xi32>
        tpu.vector_store_idx %arg13[%get3A_264], %broadcast_in_dim3A_59 masked %eq3A_300 {add = true} : memref<10240xf32, #tpu.memory_space<vmem>>[vector<16xi32>], vector<16xf32>, vector<16xi1>
        %eq3A_301 = arith.constant 12 : i32
        %eq3A_302 = vector.broadcast %eq3A_301 : i32 to vector<16xi32>
        %eq3A_303 = arith.cmpi eq, %iota3A, %eq3A_302 : vector<16xi32>
        tpu.vector_store_idx %arg13[%get3A_264], %broadcast_in_dim3A_59 masked %eq3A_303 {add = true} : memref<10240xf32, #tpu.memory_space<vmem>>[vector<16xi32>], vector<16xf32>, vector<16xi1>
        %eq3A_304 = arith.constant 13 : i32
        %eq3A_305 = vector.broadcast %eq3A_304 : i32 to vector<16xi32>
        %eq3A_306 = arith.cmpi eq, %iota3A, %eq3A_305 : vector<16xi32>
        tpu.vector_store_idx %arg13[%get3A_264], %broadcast_in_dim3A_59 masked %eq3A_306 {add = true} : memref<10240xf32, #tpu.memory_space<vmem>>[vector<16xi32>], vector<16xf32>, vector<16xi1>
        %eq3A_307 = arith.constant 14 : i32
        %eq3A_308 = vector.broadcast %eq3A_307 : i32 to vector<16xi32>
        %eq3A_309 = arith.cmpi eq, %iota3A, %eq3A_308 : vector<16xi32>
        tpu.vector_store_idx %arg13[%get3A_264], %broadcast_in_dim3A_59 masked %eq3A_309 {add = true} : memref<10240xf32, #tpu.memory_space<vmem>>[vector<16xi32>], vector<16xf32>, vector<16xi1>
        %eq3A_310 = arith.constant 15 : i32
        %eq3A_311 = vector.broadcast %eq3A_310 : i32 to vector<16xi32>
        %eq3A_312 = arith.cmpi eq, %iota3A, %eq3A_311 : vector<16xi32>
        tpu.vector_store_idx %arg13[%get3A_264], %broadcast_in_dim3A_59 masked %eq3A_312 {add = true} : memref<10240xf32, #tpu.memory_space<vmem>>[vector<16xi32>], vector<16xf32>, vector<16xi1>
        %get3A_313 = arith.index_cast %add3A_45 : i32 to index
        %get3A_314 = arith.constant 80 : index
        %get3A_315 = tpu.vector_load %arg10[%get3A_313, %get3A_314] {strides = array<i32>} : memref<16x128xi32, #tpu.memory_space<vmem>>, vector<16xi32>,
        %eq3A_316 = arith.constant 0 : i32
        %eq3A_317 = vector.broadcast %eq3A_316 : i32 to vector<16xi32>
        %eq3A_318 = arith.cmpi eq, %iota3A, %eq3A_317 : vector<16xi32>
        tpu.vector_store_idx %arg13[%get3A_315], %broadcast_in_dim3A_59 masked %eq3A_318 {add = true} : memref<10240xf32, #tpu.memory_space<vmem>>[vector<16xi32>], vector<16xf32>, vector<16xi1>
        %eq3A_319 = arith.constant 1 : i32
        %eq3A_320 = vector.broadcast %eq3A_319 : i32 to vector<16xi32>
        %eq3A_321 = arith.cmpi eq, %iota3A, %eq3A_320 : vector<16xi32>
        tpu.vector_store_idx %arg13[%get3A_315], %broadcast_in_dim3A_59 masked %eq3A_321 {add = true} : memref<10240xf32, #tpu.memory_space<vmem>>[vector<16xi32>], vector<16xf32>, vector<16xi1>
        %eq3A_322 = arith.constant 2 : i32
        %eq3A_323 = vector.broadcast %eq3A_322 : i32 to vector<16xi32>
        %eq3A_324 = arith.cmpi eq, %iota3A, %eq3A_323 : vector<16xi32>
        tpu.vector_store_idx %arg13[%get3A_315], %broadcast_in_dim3A_59 masked %eq3A_324 {add = true} : memref<10240xf32, #tpu.memory_space<vmem>>[vector<16xi32>], vector<16xf32>, vector<16xi1>
        %eq3A_325 = arith.constant 3 : i32
        %eq3A_326 = vector.broadcast %eq3A_325 : i32 to vector<16xi32>
        %eq3A_327 = arith.cmpi eq, %iota3A, %eq3A_326 : vector<16xi32>
        tpu.vector_store_idx %arg13[%get3A_315], %broadcast_in_dim3A_59 masked %eq3A_327 {add = true} : memref<10240xf32, #tpu.memory_space<vmem>>[vector<16xi32>], vector<16xf32>, vector<16xi1>
        %eq3A_328 = arith.constant 4 : i32
        %eq3A_329 = vector.broadcast %eq3A_328 : i32 to vector<16xi32>
        %eq3A_330 = arith.cmpi eq, %iota3A, %eq3A_329 : vector<16xi32>
        tpu.vector_store_idx %arg13[%get3A_315], %broadcast_in_dim3A_59 masked %eq3A_330 {add = true} : memref<10240xf32, #tpu.memory_space<vmem>>[vector<16xi32>], vector<16xf32>, vector<16xi1>
        %eq3A_331 = arith.constant 5 : i32
        %eq3A_332 = vector.broadcast %eq3A_331 : i32 to vector<16xi32>
        %eq3A_333 = arith.cmpi eq, %iota3A, %eq3A_332 : vector<16xi32>
        tpu.vector_store_idx %arg13[%get3A_315], %broadcast_in_dim3A_59 masked %eq3A_333 {add = true} : memref<10240xf32, #tpu.memory_space<vmem>>[vector<16xi32>], vector<16xf32>, vector<16xi1>
        %eq3A_334 = arith.constant 6 : i32
        %eq3A_335 = vector.broadcast %eq3A_334 : i32 to vector<16xi32>
        %eq3A_336 = arith.cmpi eq, %iota3A, %eq3A_335 : vector<16xi32>
        tpu.vector_store_idx %arg13[%get3A_315], %broadcast_in_dim3A_59 masked %eq3A_336 {add = true} : memref<10240xf32, #tpu.memory_space<vmem>>[vector<16xi32>], vector<16xf32>, vector<16xi1>
        %eq3A_337 = arith.constant 7 : i32
        %eq3A_338 = vector.broadcast %eq3A_337 : i32 to vector<16xi32>
        %eq3A_339 = arith.cmpi eq, %iota3A, %eq3A_338 : vector<16xi32>
        tpu.vector_store_idx %arg13[%get3A_315], %broadcast_in_dim3A_59 masked %eq3A_339 {add = true} : memref<10240xf32, #tpu.memory_space<vmem>>[vector<16xi32>], vector<16xf32>, vector<16xi1>
        %eq3A_340 = arith.constant 8 : i32
        %eq3A_341 = vector.broadcast %eq3A_340 : i32 to vector<16xi32>
        %eq3A_342 = arith.cmpi eq, %iota3A, %eq3A_341 : vector<16xi32>
        tpu.vector_store_idx %arg13[%get3A_315], %broadcast_in_dim3A_59 masked %eq3A_342 {add = true} : memref<10240xf32, #tpu.memory_space<vmem>>[vector<16xi32>], vector<16xf32>, vector<16xi1>
        %eq3A_343 = arith.constant 9 : i32
        %eq3A_344 = vector.broadcast %eq3A_343 : i32 to vector<16xi32>
        %eq3A_345 = arith.cmpi eq, %iota3A, %eq3A_344 : vector<16xi32>
        tpu.vector_store_idx %arg13[%get3A_315], %broadcast_in_dim3A_59 masked %eq3A_345 {add = true} : memref<10240xf32, #tpu.memory_space<vmem>>[vector<16xi32>], vector<16xf32>, vector<16xi1>
        %eq3A_346 = arith.constant 10 : i32
        %eq3A_347 = vector.broadcast %eq3A_346 : i32 to vector<16xi32>
        %eq3A_348 = arith.cmpi eq, %iota3A, %eq3A_347 : vector<16xi32>
        tpu.vector_store_idx %arg13[%get3A_315], %broadcast_in_dim3A_59 masked %eq3A_348 {add = true} : memref<10240xf32, #tpu.memory_space<vmem>>[vector<16xi32>], vector<16xf32>, vector<16xi1>
        %eq3A_349 = arith.constant 11 : i32
        %eq3A_350 = vector.broadcast %eq3A_349 : i32 to vector<16xi32>
        %eq3A_351 = arith.cmpi eq, %iota3A, %eq3A_350 : vector<16xi32>
        tpu.vector_store_idx %arg13[%get3A_315], %broadcast_in_dim3A_59 masked %eq3A_351 {add = true} : memref<10240xf32, #tpu.memory_space<vmem>>[vector<16xi32>], vector<16xf32>, vector<16xi1>
        %eq3A_352 = arith.constant 12 : i32
        %eq3A_353 = vector.broadcast %eq3A_352 : i32 to vector<16xi32>
        %eq3A_354 = arith.cmpi eq, %iota3A, %eq3A_353 : vector<16xi32>
        tpu.vector_store_idx %arg13[%get3A_315], %broadcast_in_dim3A_59 masked %eq3A_354 {add = true} : memref<10240xf32, #tpu.memory_space<vmem>>[vector<16xi32>], vector<16xf32>, vector<16xi1>
        %eq3A_355 = arith.constant 13 : i32
        %eq3A_356 = vector.broadcast %eq3A_355 : i32 to vector<16xi32>
        %eq3A_357 = arith.cmpi eq, %iota3A, %eq3A_356 : vector<16xi32>
        tpu.vector_store_idx %arg13[%get3A_315], %broadcast_in_dim3A_59 masked %eq3A_357 {add = true} : memref<10240xf32, #tpu.memory_space<vmem>>[vector<16xi32>], vector<16xf32>, vector<16xi1>
        %eq3A_358 = arith.constant 14 : i32
        %eq3A_359 = vector.broadcast %eq3A_358 : i32 to vector<16xi32>
        %eq3A_360 = arith.cmpi eq, %iota3A, %eq3A_359 : vector<16xi32>
        tpu.vector_store_idx %arg13[%get3A_315], %broadcast_in_dim3A_59 masked %eq3A_360 {add = true} : memref<10240xf32, #tpu.memory_space<vmem>>[vector<16xi32>], vector<16xf32>, vector<16xi1>
        %eq3A_361 = arith.constant 15 : i32
        %eq3A_362 = vector.broadcast %eq3A_361 : i32 to vector<16xi32>
        %eq3A_363 = arith.cmpi eq, %iota3A, %eq3A_362 : vector<16xi32>
        tpu.vector_store_idx %arg13[%get3A_315], %broadcast_in_dim3A_59 masked %eq3A_363 {add = true} : memref<10240xf32, #tpu.memory_space<vmem>>[vector<16xi32>], vector<16xf32>, vector<16xi1>
        %get3A_364 = arith.index_cast %add3A_45 : i32 to index
        %get3A_365 = arith.constant 96 : index
        %get3A_366 = tpu.vector_load %arg10[%get3A_364, %get3A_365] {strides = array<i32>} : memref<16x128xi32, #tpu.memory_space<vmem>>, vector<16xi32>,
        %eq3A_367 = arith.constant 0 : i32
        %eq3A_368 = vector.broadcast %eq3A_367 : i32 to vector<16xi32>
        %eq3A_369 = arith.cmpi eq, %iota3A, %eq3A_368 : vector<16xi32>
        tpu.vector_store_idx %arg13[%get3A_366], %broadcast_in_dim3A_59 masked %eq3A_369 {add = true} : memref<10240xf32, #tpu.memory_space<vmem>>[vector<16xi32>], vector<16xf32>, vector<16xi1>
        %eq3A_370 = arith.constant 1 : i32
        %eq3A_371 = vector.broadcast %eq3A_370 : i32 to vector<16xi32>
        %eq3A_372 = arith.cmpi eq, %iota3A, %eq3A_371 : vector<16xi32>
        tpu.vector_store_idx %arg13[%get3A_366], %broadcast_in_dim3A_59 masked %eq3A_372 {add = true} : memref<10240xf32, #tpu.memory_space<vmem>>[vector<16xi32>], vector<16xf32>, vector<16xi1>
        %eq3A_373 = arith.constant 2 : i32
        %eq3A_374 = vector.broadcast %eq3A_373 : i32 to vector<16xi32>
        %eq3A_375 = arith.cmpi eq, %iota3A, %eq3A_374 : vector<16xi32>
        tpu.vector_store_idx %arg13[%get3A_366], %broadcast_in_dim3A_59 masked %eq3A_375 {add = true} : memref<10240xf32, #tpu.memory_space<vmem>>[vector<16xi32>], vector<16xf32>, vector<16xi1>
        %eq3A_376 = arith.constant 3 : i32
        %eq3A_377 = vector.broadcast %eq3A_376 : i32 to vector<16xi32>
        %eq3A_378 = arith.cmpi eq, %iota3A, %eq3A_377 : vector<16xi32>
        tpu.vector_store_idx %arg13[%get3A_366], %broadcast_in_dim3A_59 masked %eq3A_378 {add = true} : memref<10240xf32, #tpu.memory_space<vmem>>[vector<16xi32>], vector<16xf32>, vector<16xi1>
        %eq3A_379 = arith.constant 4 : i32
        %eq3A_380 = vector.broadcast %eq3A_379 : i32 to vector<16xi32>
        %eq3A_381 = arith.cmpi eq, %iota3A, %eq3A_380 : vector<16xi32>
        tpu.vector_store_idx %arg13[%get3A_366], %broadcast_in_dim3A_59 masked %eq3A_381 {add = true} : memref<10240xf32, #tpu.memory_space<vmem>>[vector<16xi32>], vector<16xf32>, vector<16xi1>
        %eq3A_382 = arith.constant 5 : i32
        %eq3A_383 = vector.broadcast %eq3A_382 : i32 to vector<16xi32>
        %eq3A_384 = arith.cmpi eq, %iota3A, %eq3A_383 : vector<16xi32>
        tpu.vector_store_idx %arg13[%get3A_366], %broadcast_in_dim3A_59 masked %eq3A_384 {add = true} : memref<10240xf32, #tpu.memory_space<vmem>>[vector<16xi32>], vector<16xf32>, vector<16xi1>
        %eq3A_385 = arith.constant 6 : i32
        %eq3A_386 = vector.broadcast %eq3A_385 : i32 to vector<16xi32>
        %eq3A_387 = arith.cmpi eq, %iota3A, %eq3A_386 : vector<16xi32>
        tpu.vector_store_idx %arg13[%get3A_366], %broadcast_in_dim3A_59 masked %eq3A_387 {add = true} : memref<10240xf32, #tpu.memory_space<vmem>>[vector<16xi32>], vector<16xf32>, vector<16xi1>
        %eq3A_388 = arith.constant 7 : i32
        %eq3A_389 = vector.broadcast %eq3A_388 : i32 to vector<16xi32>
        %eq3A_390 = arith.cmpi eq, %iota3A, %eq3A_389 : vector<16xi32>
        tpu.vector_store_idx %arg13[%get3A_366], %broadcast_in_dim3A_59 masked %eq3A_390 {add = true} : memref<10240xf32, #tpu.memory_space<vmem>>[vector<16xi32>], vector<16xf32>, vector<16xi1>
        %eq3A_391 = arith.constant 8 : i32
        %eq3A_392 = vector.broadcast %eq3A_391 : i32 to vector<16xi32>
        %eq3A_393 = arith.cmpi eq, %iota3A, %eq3A_392 : vector<16xi32>
        tpu.vector_store_idx %arg13[%get3A_366], %broadcast_in_dim3A_59 masked %eq3A_393 {add = true} : memref<10240xf32, #tpu.memory_space<vmem>>[vector<16xi32>], vector<16xf32>, vector<16xi1>
        %eq3A_394 = arith.constant 9 : i32
        %eq3A_395 = vector.broadcast %eq3A_394 : i32 to vector<16xi32>
        %eq3A_396 = arith.cmpi eq, %iota3A, %eq3A_395 : vector<16xi32>
        tpu.vector_store_idx %arg13[%get3A_366], %broadcast_in_dim3A_59 masked %eq3A_396 {add = true} : memref<10240xf32, #tpu.memory_space<vmem>>[vector<16xi32>], vector<16xf32>, vector<16xi1>
        %eq3A_397 = arith.constant 10 : i32
        %eq3A_398 = vector.broadcast %eq3A_397 : i32 to vector<16xi32>
        %eq3A_399 = arith.cmpi eq, %iota3A, %eq3A_398 : vector<16xi32>
        tpu.vector_store_idx %arg13[%get3A_366], %broadcast_in_dim3A_59 masked %eq3A_399 {add = true} : memref<10240xf32, #tpu.memory_space<vmem>>[vector<16xi32>], vector<16xf32>, vector<16xi1>
        %eq3A_400 = arith.constant 11 : i32
        %eq3A_401 = vector.broadcast %eq3A_400 : i32 to vector<16xi32>
        %eq3A_402 = arith.cmpi eq, %iota3A, %eq3A_401 : vector<16xi32>
        tpu.vector_store_idx %arg13[%get3A_366], %broadcast_in_dim3A_59 masked %eq3A_402 {add = true} : memref<10240xf32, #tpu.memory_space<vmem>>[vector<16xi32>], vector<16xf32>, vector<16xi1>
        %eq3A_403 = arith.constant 12 : i32
        %eq3A_404 = vector.broadcast %eq3A_403 : i32 to vector<16xi32>
        %eq3A_405 = arith.cmpi eq, %iota3A, %eq3A_404 : vector<16xi32>
        tpu.vector_store_idx %arg13[%get3A_366], %broadcast_in_dim3A_59 masked %eq3A_405 {add = true} : memref<10240xf32, #tpu.memory_space<vmem>>[vector<16xi32>], vector<16xf32>, vector<16xi1>
        %eq3A_406 = arith.constant 13 : i32
        %eq3A_407 = vector.broadcast %eq3A_406 : i32 to vector<16xi32>
        %eq3A_408 = arith.cmpi eq, %iota3A, %eq3A_407 : vector<16xi32>
        tpu.vector_store_idx %arg13[%get3A_366], %broadcast_in_dim3A_59 masked %eq3A_408 {add = true} : memref<10240xf32, #tpu.memory_space<vmem>>[vector<16xi32>], vector<16xf32>, vector<16xi1>
        %eq3A_409 = arith.constant 14 : i32
        %eq3A_410 = vector.broadcast %eq3A_409 : i32 to vector<16xi32>
        %eq3A_411 = arith.cmpi eq, %iota3A, %eq3A_410 : vector<16xi32>
        tpu.vector_store_idx %arg13[%get3A_366], %broadcast_in_dim3A_59 masked %eq3A_411 {add = true} : memref<10240xf32, #tpu.memory_space<vmem>>[vector<16xi32>], vector<16xf32>, vector<16xi1>
        %eq3A_412 = arith.constant 15 : i32
        %eq3A_413 = vector.broadcast %eq3A_412 : i32 to vector<16xi32>
        %eq3A_414 = arith.cmpi eq, %iota3A, %eq3A_413 : vector<16xi32>
        tpu.vector_store_idx %arg13[%get3A_366], %broadcast_in_dim3A_59 masked %eq3A_414 {add = true} : memref<10240xf32, #tpu.memory_space<vmem>>[vector<16xi32>], vector<16xf32>, vector<16xi1>
        %get3A_415 = arith.index_cast %add3A_45 : i32 to index
        %get3A_416 = arith.constant 112 : index
        %get3A_417 = tpu.vector_load %arg10[%get3A_415, %get3A_416] {strides = array<i32>} : memref<16x128xi32, #tpu.memory_space<vmem>>, vector<16xi32>,
        %eq3A_418 = arith.constant 0 : i32
        %eq3A_419 = vector.broadcast %eq3A_418 : i32 to vector<16xi32>
        %eq3A_420 = arith.cmpi eq, %iota3A, %eq3A_419 : vector<16xi32>
        tpu.vector_store_idx %arg13[%get3A_417], %broadcast_in_dim3A_59 masked %eq3A_420 {add = true} : memref<10240xf32, #tpu.memory_space<vmem>>[vector<16xi32>], vector<16xf32>, vector<16xi1>
        %eq3A_421 = arith.constant 1 : i32
        %eq3A_422 = vector.broadcast %eq3A_421 : i32 to vector<16xi32>
        %eq3A_423 = arith.cmpi eq, %iota3A, %eq3A_422 : vector<16xi32>
        tpu.vector_store_idx %arg13[%get3A_417], %broadcast_in_dim3A_59 masked %eq3A_423 {add = true} : memref<10240xf32, #tpu.memory_space<vmem>>[vector<16xi32>], vector<16xf32>, vector<16xi1>
        %eq3A_424 = arith.constant 2 : i32
        %eq3A_425 = vector.broadcast %eq3A_424 : i32 to vector<16xi32>
        %eq3A_426 = arith.cmpi eq, %iota3A, %eq3A_425 : vector<16xi32>
        tpu.vector_store_idx %arg13[%get3A_417], %broadcast_in_dim3A_59 masked %eq3A_426 {add = true} : memref<10240xf32, #tpu.memory_space<vmem>>[vector<16xi32>], vector<16xf32>, vector<16xi1>
        %eq3A_427 = arith.constant 3 : i32
        %eq3A_428 = vector.broadcast %eq3A_427 : i32 to vector<16xi32>
        %eq3A_429 = arith.cmpi eq, %iota3A, %eq3A_428 : vector<16xi32>
        tpu.vector_store_idx %arg13[%get3A_417], %broadcast_in_dim3A_59 masked %eq3A_429 {add = true} : memref<10240xf32, #tpu.memory_space<vmem>>[vector<16xi32>], vector<16xf32>, vector<16xi1>
        %eq3A_430 = arith.constant 4 : i32
        %eq3A_431 = vector.broadcast %eq3A_430 : i32 to vector<16xi32>
        %eq3A_432 = arith.cmpi eq, %iota3A, %eq3A_431 : vector<16xi32>
        tpu.vector_store_idx %arg13[%get3A_417], %broadcast_in_dim3A_59 masked %eq3A_432 {add = true} : memref<10240xf32, #tpu.memory_space<vmem>>[vector<16xi32>], vector<16xf32>, vector<16xi1>
        %eq3A_433 = arith.constant 5 : i32
        %eq3A_434 = vector.broadcast %eq3A_433 : i32 to vector<16xi32>
        %eq3A_435 = arith.cmpi eq, %iota3A, %eq3A_434 : vector<16xi32>
        tpu.vector_store_idx %arg13[%get3A_417], %broadcast_in_dim3A_59 masked %eq3A_435 {add = true} : memref<10240xf32, #tpu.memory_space<vmem>>[vector<16xi32>], vector<16xf32>, vector<16xi1>
        %eq3A_436 = arith.constant 6 : i32
        %eq3A_437 = vector.broadcast %eq3A_436 : i32 to vector<16xi32>
        %eq3A_438 = arith.cmpi eq, %iota3A, %eq3A_437 : vector<16xi32>
        tpu.vector_store_idx %arg13[%get3A_417], %broadcast_in_dim3A_59 masked %eq3A_438 {add = true} : memref<10240xf32, #tpu.memory_space<vmem>>[vector<16xi32>], vector<16xf32>, vector<16xi1>
        %eq3A_439 = arith.constant 7 : i32
        %eq3A_440 = vector.broadcast %eq3A_439 : i32 to vector<16xi32>
        %eq3A_441 = arith.cmpi eq, %iota3A, %eq3A_440 : vector<16xi32>
        tpu.vector_store_idx %arg13[%get3A_417], %broadcast_in_dim3A_59 masked %eq3A_441 {add = true} : memref<10240xf32, #tpu.memory_space<vmem>>[vector<16xi32>], vector<16xf32>, vector<16xi1>
        %eq3A_442 = arith.constant 8 : i32
        %eq3A_443 = vector.broadcast %eq3A_442 : i32 to vector<16xi32>
        %eq3A_444 = arith.cmpi eq, %iota3A, %eq3A_443 : vector<16xi32>
        tpu.vector_store_idx %arg13[%get3A_417], %broadcast_in_dim3A_59 masked %eq3A_444 {add = true} : memref<10240xf32, #tpu.memory_space<vmem>>[vector<16xi32>], vector<16xf32>, vector<16xi1>
        %eq3A_445 = arith.constant 9 : i32
        %eq3A_446 = vector.broadcast %eq3A_445 : i32 to vector<16xi32>
        %eq3A_447 = arith.cmpi eq, %iota3A, %eq3A_446 : vector<16xi32>
        tpu.vector_store_idx %arg13[%get3A_417], %broadcast_in_dim3A_59 masked %eq3A_447 {add = true} : memref<10240xf32, #tpu.memory_space<vmem>>[vector<16xi32>], vector<16xf32>, vector<16xi1>
        %eq3A_448 = arith.constant 10 : i32
        %eq3A_449 = vector.broadcast %eq3A_448 : i32 to vector<16xi32>
        %eq3A_450 = arith.cmpi eq, %iota3A, %eq3A_449 : vector<16xi32>
        tpu.vector_store_idx %arg13[%get3A_417], %broadcast_in_dim3A_59 masked %eq3A_450 {add = true} : memref<10240xf32, #tpu.memory_space<vmem>>[vector<16xi32>], vector<16xf32>, vector<16xi1>
        %eq3A_451 = arith.constant 11 : i32
        %eq3A_452 = vector.broadcast %eq3A_451 : i32 to vector<16xi32>
        %eq3A_453 = arith.cmpi eq, %iota3A, %eq3A_452 : vector<16xi32>
        tpu.vector_store_idx %arg13[%get3A_417], %broadcast_in_dim3A_59 masked %eq3A_453 {add = true} : memref<10240xf32, #tpu.memory_space<vmem>>[vector<16xi32>], vector<16xf32>, vector<16xi1>
        %eq3A_454 = arith.constant 12 : i32
        %eq3A_455 = vector.broadcast %eq3A_454 : i32 to vector<16xi32>
        %eq3A_456 = arith.cmpi eq, %iota3A, %eq3A_455 : vector<16xi32>
        tpu.vector_store_idx %arg13[%get3A_417], %broadcast_in_dim3A_59 masked %eq3A_456 {add = true} : memref<10240xf32, #tpu.memory_space<vmem>>[vector<16xi32>], vector<16xf32>, vector<16xi1>
        %eq3A_457 = arith.constant 13 : i32
        %eq3A_458 = vector.broadcast %eq3A_457 : i32 to vector<16xi32>
        %eq3A_459 = arith.cmpi eq, %iota3A, %eq3A_458 : vector<16xi32>
        tpu.vector_store_idx %arg13[%get3A_417], %broadcast_in_dim3A_59 masked %eq3A_459 {add = true} : memref<10240xf32, #tpu.memory_space<vmem>>[vector<16xi32>], vector<16xf32>, vector<16xi1>
        %eq3A_460 = arith.constant 14 : i32
        %eq3A_461 = vector.broadcast %eq3A_460 : i32 to vector<16xi32>
        %eq3A_462 = arith.cmpi eq, %iota3A, %eq3A_461 : vector<16xi32>
        tpu.vector_store_idx %arg13[%get3A_417], %broadcast_in_dim3A_59 masked %eq3A_462 {add = true} : memref<10240xf32, #tpu.memory_space<vmem>>[vector<16xi32>], vector<16xf32>, vector<16xi1>
        %eq3A_463 = arith.constant 15 : i32
        %eq3A_464 = vector.broadcast %eq3A_463 : i32 to vector<16xi32>
        %eq3A_465 = arith.cmpi eq, %iota3A, %eq3A_464 : vector<16xi32>
        tpu.vector_store_idx %arg13[%get3A_417], %broadcast_in_dim3A_59 masked %eq3A_465 {add = true} : memref<10240xf32, #tpu.memory_space<vmem>>[vector<16xi32>], vector<16xf32>, vector<16xi1>
        %add3A_466 = arith.constant 1 : i32
        %add3A_467 = arith.addi %add3A_45, %add3A_466 : i32
        %dma_wait3A_468 = arith.constant 0 : i32
        %dma_wait3A_469 = tpu.memref_slice %arg9[%add3A_467, %dma_wait3A_468] : memref<16x128xi32, #tpu.memory_space<vmem>> -> memref<1x128xi32, #tpu.memory_space<vmem>>
        %dma_wait3A_470 = tpu.memref_squeeze %dma_wait3A_469 : memref<1x128xi32, #tpu.memory_space<vmem>> -> memref<128xi32, #tpu.memory_space<vmem>>
        %dma_wait3A_471 = arith.constant 0 : i32
        %dma_wait3A_472 = arith.constant 0 : i32
        %dma_wait3A_473 = tpu.memref_slice %arg2[%dma_wait3A_471, %dma_wait3A_472] : memref<10000x128xf32, #tpu.memory_space<hbm>> -> memref<10000x128xf32, #tpu.memory_space<hbm>>
        tpu.wait_indirect_dma semaphore(%arg15 : memref<!tpu.dma_semaphore, #tpu.memory_space<semaphore_mem>>) src(%dma_wait3A_473 : memref<10000x128xf32, #tpu.memory_space<hbm>>) dst(%arg12 : memref<128x128xf32, #tpu.memory_space<vmem>>)
        %add3A_474 = arith.constant 2 : i32
        %add3A_475 = arith.addi %add3A_45, %add3A_474 : i32
        %lt3A = arith.constant 16 : i32
        %lt3A_476 = arith.cmpi slt, %add3A_475, %lt3A : i32
        %convert_element_type3A = arith.extui %lt3A_476 : i1 to i32
        %cond3A = arith.constant 0 : i32
        %cond3A_477 = arith.cmpi ne, %convert_element_type3A, %cond3A : i32
        scf.if %cond3A_477 {
          %add3A_893 = arith.constant 2 : i32
          %add3A_894 = arith.addi %add3A_45, %add3A_893 : i32
          %dma_start3A_895 = arith.constant 0 : i32
          %dma_start3A_896 = tpu.memref_slice %arg9[%add3A_894, %dma_start3A_895] : memref<16x128xi32, #tpu.memory_space<vmem>> -> memref<1x128xi32, #tpu.memory_space<vmem>>
          %dma_start3A_897 = tpu.memref_squeeze %dma_start3A_896 : memref<1x128xi32, #tpu.memory_space<vmem>> -> memref<128xi32, #tpu.memory_space<vmem>>
          %dma_start3A_898 = arith.constant 0 : i32
          %dma_start3A_899 = arith.constant 0 : i32
          %dma_start3A_900 = tpu.memref_slice %arg2[%dma_start3A_898, %dma_start3A_899] : memref<10000x128xf32, #tpu.memory_space<hbm>> -> memref<10000x128xf32, #tpu.memory_space<hbm>>
          tpu.enqueue_indirect_dma source(%dma_start3A_900 : memref<10000x128xf32, #tpu.memory_space<hbm>>) target(%arg11 : memref<128x128xf32, #tpu.memory_space<vmem>>) offsets(%dma_start3A_897 : memref<128xi32, #tpu.memory_space<vmem>>) semaphore(%arg14 : memref<!tpu.dma_semaphore, #tpu.memory_space<semaphore_mem>>)
        } else {
        }
        %add3A_478 = arith.constant 1 : i32
        %add3A_479 = arith.addi %add3A_45, %add3A_478 : i32
        "tpu.region"() ({
          %run_scoped3A = tpu.sem_alloc : memref<!tpu.dma_semaphore, #tpu.memory_space<semaphore_mem>>
          %dma_start3A_893 = arith.constant 0 : i32
          %dma_start3A_894 = tpu.memref_slice %arg10[%add3A_479, %dma_start3A_893] : memref<16x128xi32, #tpu.memory_space<vmem>> -> memref<1x128xi32, #tpu.memory_space<vmem>>
          %dma_start3A_895 = tpu.memref_squeeze %dma_start3A_894 : memref<1x128xi32, #tpu.memory_space<vmem>> -> memref<128xi32, #tpu.memory_space<vmem>>
          %dma_start3A_896 = arith.constant 0 : i32
          %dma_start3A_897 = arith.constant 0 : i32
          %dma_start3A_898 = tpu.memref_slice %arg8[%dma_start3A_896, %dma_start3A_897] : memref<10240x128xf32, #tpu.memory_space<vmem_shared>> -> memref<10240x128xf32, #tpu.memory_space<vmem_shared>>
          tpu.enqueue_indirect_dma source(%arg12 : memref<128x128xf32, #tpu.memory_space<vmem>>) target(%dma_start3A_898 : memref<10240x128xf32, #tpu.memory_space<vmem_shared>>) offsets(%dma_start3A_895 : memref<128xi32, #tpu.memory_space<vmem>>) semaphore(%run_scoped3A : memref<!tpu.dma_semaphore, #tpu.memory_space<semaphore_mem>>) {add = true}
          %dma_wait3A_899 = arith.constant 0 : i32
          %dma_wait3A_900 = tpu.memref_slice %arg10[%add3A_479, %dma_wait3A_899] : memref<16x128xi32, #tpu.memory_space<vmem>> -> memref<1x128xi32, #tpu.memory_space<vmem>>
          %dma_wait3A_901 = tpu.memref_squeeze %dma_wait3A_900 : memref<1x128xi32, #tpu.memory_space<vmem>> -> memref<128xi32, #tpu.memory_space<vmem>>
          %dma_wait3A_902 = arith.constant 0 : i32
          %dma_wait3A_903 = arith.constant 0 : i32
          %dma_wait3A_904 = tpu.memref_slice %arg8[%dma_wait3A_902, %dma_wait3A_903] : memref<10240x128xf32, #tpu.memory_space<vmem_shared>> -> memref<10240x128xf32, #tpu.memory_space<vmem_shared>>
          tpu.wait_indirect_dma semaphore(%run_scoped3A : memref<!tpu.dma_semaphore, #tpu.memory_space<semaphore_mem>>) src(%arg12 : memref<128x128xf32, #tpu.memory_space<vmem>>) dst(%dma_wait3A_904 : memref<10240x128xf32, #tpu.memory_space<vmem_shared>>)
          tpu.yield
        }) : () -> ()
        %add3A_480 = arith.constant 1 : i32
        %add3A_481 = arith.addi %add3A_45, %add3A_480 : i32
        %broadcast_in_dim3A_482 = arith.constant 1.000000e+00 : f32
        %broadcast_in_dim3A_483 = vector.broadcast %broadcast_in_dim3A_482 : f32 to vector<16xf32>
        %iota3A_484 = tpu.iota {dimensions = array<i32: 0>} : vector<16xi32>
        %get3A_485 = arith.index_cast %add3A_481 : i32 to index
        %get3A_486 = arith.constant 0 : index
        %get3A_487 = tpu.vector_load %arg10[%get3A_485, %get3A_486] {strides = array<i32>} : memref<16x128xi32, #tpu.memory_space<vmem>>, vector<16xi32>,
        %eq3A_488 = arith.constant 0 : i32
        %eq3A_489 = vector.broadcast %eq3A_488 : i32 to vector<16xi32>
        %eq3A_490 = arith.cmpi eq, %iota3A_484, %eq3A_489 : vector<16xi32>
        tpu.vector_store_idx %arg13[%get3A_487], %broadcast_in_dim3A_483 masked %eq3A_490 {add = true} : memref<10240xf32, #tpu.memory_space<vmem>>[vector<16xi32>], vector<16xf32>, vector<16xi1>
        %eq3A_491 = arith.constant 1 : i32
        %eq3A_492 = vector.broadcast %eq3A_491 : i32 to vector<16xi32>
        %eq3A_493 = arith.cmpi eq, %iota3A_484, %eq3A_492 : vector<16xi32>
        tpu.vector_store_idx %arg13[%get3A_487], %broadcast_in_dim3A_483 masked %eq3A_493 {add = true} : memref<10240xf32, #tpu.memory_space<vmem>>[vector<16xi32>], vector<16xf32>, vector<16xi1>
        %eq3A_494 = arith.constant 2 : i32
        %eq3A_495 = vector.broadcast %eq3A_494 : i32 to vector<16xi32>
        %eq3A_496 = arith.cmpi eq, %iota3A_484, %eq3A_495 : vector<16xi32>
        tpu.vector_store_idx %arg13[%get3A_487], %broadcast_in_dim3A_483 masked %eq3A_496 {add = true} : memref<10240xf32, #tpu.memory_space<vmem>>[vector<16xi32>], vector<16xf32>, vector<16xi1>
        %eq3A_497 = arith.constant 3 : i32
        %eq3A_498 = vector.broadcast %eq3A_497 : i32 to vector<16xi32>
        %eq3A_499 = arith.cmpi eq, %iota3A_484, %eq3A_498 : vector<16xi32>
        tpu.vector_store_idx %arg13[%get3A_487], %broadcast_in_dim3A_483 masked %eq3A_499 {add = true} : memref<10240xf32, #tpu.memory_space<vmem>>[vector<16xi32>], vector<16xf32>, vector<16xi1>
        %eq3A_500 = arith.constant 4 : i32
        %eq3A_501 = vector.broadcast %eq3A_500 : i32 to vector<16xi32>
        %eq3A_502 = arith.cmpi eq, %iota3A_484, %eq3A_501 : vector<16xi32>
        tpu.vector_store_idx %arg13[%get3A_487], %broadcast_in_dim3A_483 masked %eq3A_502 {add = true} : memref<10240xf32, #tpu.memory_space<vmem>>[vector<16xi32>], vector<16xf32>, vector<16xi1>
        %eq3A_503 = arith.constant 5 : i32
        %eq3A_504 = vector.broadcast %eq3A_503 : i32 to vector<16xi32>
        %eq3A_505 = arith.cmpi eq, %iota3A_484, %eq3A_504 : vector<16xi32>
        tpu.vector_store_idx %arg13[%get3A_487], %broadcast_in_dim3A_483 masked %eq3A_505 {add = true} : memref<10240xf32, #tpu.memory_space<vmem>>[vector<16xi32>], vector<16xf32>, vector<16xi1>
        %eq3A_506 = arith.constant 6 : i32
        %eq3A_507 = vector.broadcast %eq3A_506 : i32 to vector<16xi32>
        %eq3A_508 = arith.cmpi eq, %iota3A_484, %eq3A_507 : vector<16xi32>
        tpu.vector_store_idx %arg13[%get3A_487], %broadcast_in_dim3A_483 masked %eq3A_508 {add = true} : memref<10240xf32, #tpu.memory_space<vmem>>[vector<16xi32>], vector<16xf32>, vector<16xi1>
        %eq3A_509 = arith.constant 7 : i32
        %eq3A_510 = vector.broadcast %eq3A_509 : i32 to vector<16xi32>
        %eq3A_511 = arith.cmpi eq, %iota3A_484, %eq3A_510 : vector<16xi32>
        tpu.vector_store_idx %arg13[%get3A_487], %broadcast_in_dim3A_483 masked %eq3A_511 {add = true} : memref<10240xf32, #tpu.memory_space<vmem>>[vector<16xi32>], vector<16xf32>, vector<16xi1>
        %eq3A_512 = arith.constant 8 : i32
        %eq3A_513 = vector.broadcast %eq3A_512 : i32 to vector<16xi32>
        %eq3A_514 = arith.cmpi eq, %iota3A_484, %eq3A_513 : vector<16xi32>
        tpu.vector_store_idx %arg13[%get3A_487], %broadcast_in_dim3A_483 masked %eq3A_514 {add = true} : memref<10240xf32, #tpu.memory_space<vmem>>[vector<16xi32>], vector<16xf32>, vector<16xi1>
        %eq3A_515 = arith.constant 9 : i32
        %eq3A_516 = vector.broadcast %eq3A_515 : i32 to vector<16xi32>
        %eq3A_517 = arith.cmpi eq, %iota3A_484, %eq3A_516 : vector<16xi32>
        tpu.vector_store_idx %arg13[%get3A_487], %broadcast_in_dim3A_483 masked %eq3A_517 {add = true} : memref<10240xf32, #tpu.memory_space<vmem>>[vector<16xi32>], vector<16xf32>, vector<16xi1>
        %eq3A_518 = arith.constant 10 : i32
        %eq3A_519 = vector.broadcast %eq3A_518 : i32 to vector<16xi32>
        %eq3A_520 = arith.cmpi eq, %iota3A_484, %eq3A_519 : vector<16xi32>
        tpu.vector_store_idx %arg13[%get3A_487], %broadcast_in_dim3A_483 masked %eq3A_520 {add = true} : memref<10240xf32, #tpu.memory_space<vmem>>[vector<16xi32>], vector<16xf32>, vector<16xi1>
        %eq3A_521 = arith.constant 11 : i32
        %eq3A_522 = vector.broadcast %eq3A_521 : i32 to vector<16xi32>
        %eq3A_523 = arith.cmpi eq, %iota3A_484, %eq3A_522 : vector<16xi32>
        tpu.vector_store_idx %arg13[%get3A_487], %broadcast_in_dim3A_483 masked %eq3A_523 {add = true} : memref<10240xf32, #tpu.memory_space<vmem>>[vector<16xi32>], vector<16xf32>, vector<16xi1>
        %eq3A_524 = arith.constant 12 : i32
        %eq3A_525 = vector.broadcast %eq3A_524 : i32 to vector<16xi32>
        %eq3A_526 = arith.cmpi eq, %iota3A_484, %eq3A_525 : vector<16xi32>
        tpu.vector_store_idx %arg13[%get3A_487], %broadcast_in_dim3A_483 masked %eq3A_526 {add = true} : memref<10240xf32, #tpu.memory_space<vmem>>[vector<16xi32>], vector<16xf32>, vector<16xi1>
        %eq3A_527 = arith.constant 13 : i32
        %eq3A_528 = vector.broadcast %eq3A_527 : i32 to vector<16xi32>
        %eq3A_529 = arith.cmpi eq, %iota3A_484, %eq3A_528 : vector<16xi32>
        tpu.vector_store_idx %arg13[%get3A_487], %broadcast_in_dim3A_483 masked %eq3A_529 {add = true} : memref<10240xf32, #tpu.memory_space<vmem>>[vector<16xi32>], vector<16xf32>, vector<16xi1>
        %eq3A_530 = arith.constant 14 : i32
        %eq3A_531 = vector.broadcast %eq3A_530 : i32 to vector<16xi32>
        %eq3A_532 = arith.cmpi eq, %iota3A_484, %eq3A_531 : vector<16xi32>
        tpu.vector_store_idx %arg13[%get3A_487], %broadcast_in_dim3A_483 masked %eq3A_532 {add = true} : memref<10240xf32, #tpu.memory_space<vmem>>[vector<16xi32>], vector<16xf32>, vector<16xi1>
        %eq3A_533 = arith.constant 15 : i32
        %eq3A_534 = vector.broadcast %eq3A_533 : i32 to vector<16xi32>
        %eq3A_535 = arith.cmpi eq, %iota3A_484, %eq3A_534 : vector<16xi32>
        tpu.vector_store_idx %arg13[%get3A_487], %broadcast_in_dim3A_483 masked %eq3A_535 {add = true} : memref<10240xf32, #tpu.memory_space<vmem>>[vector<16xi32>], vector<16xf32>, vector<16xi1>
        %get3A_536 = arith.index_cast %add3A_481 : i32 to index
        %get3A_537 = arith.constant 16 : index
        %get3A_538 = tpu.vector_load %arg10[%get3A_536, %get3A_537] {strides = array<i32>} : memref<16x128xi32, #tpu.memory_space<vmem>>, vector<16xi32>,
        %eq3A_539 = arith.constant 0 : i32
        %eq3A_540 = vector.broadcast %eq3A_539 : i32 to vector<16xi32>
        %eq3A_541 = arith.cmpi eq, %iota3A_484, %eq3A_540 : vector<16xi32>
        tpu.vector_store_idx %arg13[%get3A_538], %broadcast_in_dim3A_483 masked %eq3A_541 {add = true} : memref<10240xf32, #tpu.memory_space<vmem>>[vector<16xi32>], vector<16xf32>, vector<16xi1>
        %eq3A_542 = arith.constant 1 : i32
        %eq3A_543 = vector.broadcast %eq3A_542 : i32 to vector<16xi32>
        %eq3A_544 = arith.cmpi eq, %iota3A_484, %eq3A_543 : vector<16xi32>
        tpu.vector_store_idx %arg13[%get3A_538], %broadcast_in_dim3A_483 masked %eq3A_544 {add = true} : memref<10240xf32, #tpu.memory_space<vmem>>[vector<16xi32>], vector<16xf32>, vector<16xi1>
        %eq3A_545 = arith.constant 2 : i32
        %eq3A_546 = vector.broadcast %eq3A_545 : i32 to vector<16xi32>
        %eq3A_547 = arith.cmpi eq, %iota3A_484, %eq3A_546 : vector<16xi32>
        tpu.vector_store_idx %arg13[%get3A_538], %broadcast_in_dim3A_483 masked %eq3A_547 {add = true} : memref<10240xf32, #tpu.memory_space<vmem>>[vector<16xi32>], vector<16xf32>, vector<16xi1>
        %eq3A_548 = arith.constant 3 : i32
        %eq3A_549 = vector.broadcast %eq3A_548 : i32 to vector<16xi32>
        %eq3A_550 = arith.cmpi eq, %iota3A_484, %eq3A_549 : vector<16xi32>
        tpu.vector_store_idx %arg13[%get3A_538], %broadcast_in_dim3A_483 masked %eq3A_550 {add = true} : memref<10240xf32, #tpu.memory_space<vmem>>[vector<16xi32>], vector<16xf32>, vector<16xi1>
        %eq3A_551 = arith.constant 4 : i32
        %eq3A_552 = vector.broadcast %eq3A_551 : i32 to vector<16xi32>
        %eq3A_553 = arith.cmpi eq, %iota3A_484, %eq3A_552 : vector<16xi32>
        tpu.vector_store_idx %arg13[%get3A_538], %broadcast_in_dim3A_483 masked %eq3A_553 {add = true} : memref<10240xf32, #tpu.memory_space<vmem>>[vector<16xi32>], vector<16xf32>, vector<16xi1>
        %eq3A_554 = arith.constant 5 : i32
        %eq3A_555 = vector.broadcast %eq3A_554 : i32 to vector<16xi32>
        %eq3A_556 = arith.cmpi eq, %iota3A_484, %eq3A_555 : vector<16xi32>
        tpu.vector_store_idx %arg13[%get3A_538], %broadcast_in_dim3A_483 masked %eq3A_556 {add = true} : memref<10240xf32, #tpu.memory_space<vmem>>[vector<16xi32>], vector<16xf32>, vector<16xi1>
        %eq3A_557 = arith.constant 6 : i32
        %eq3A_558 = vector.broadcast %eq3A_557 : i32 to vector<16xi32>
        %eq3A_559 = arith.cmpi eq, %iota3A_484, %eq3A_558 : vector<16xi32>
        tpu.vector_store_idx %arg13[%get3A_538], %broadcast_in_dim3A_483 masked %eq3A_559 {add = true} : memref<10240xf32, #tpu.memory_space<vmem>>[vector<16xi32>], vector<16xf32>, vector<16xi1>
        %eq3A_560 = arith.constant 7 : i32
        %eq3A_561 = vector.broadcast %eq3A_560 : i32 to vector<16xi32>
        %eq3A_562 = arith.cmpi eq, %iota3A_484, %eq3A_561 : vector<16xi32>
        tpu.vector_store_idx %arg13[%get3A_538], %broadcast_in_dim3A_483 masked %eq3A_562 {add = true} : memref<10240xf32, #tpu.memory_space<vmem>>[vector<16xi32>], vector<16xf32>, vector<16xi1>
        %eq3A_563 = arith.constant 8 : i32
        %eq3A_564 = vector.broadcast %eq3A_563 : i32 to vector<16xi32>
        %eq3A_565 = arith.cmpi eq, %iota3A_484, %eq3A_564 : vector<16xi32>
        tpu.vector_store_idx %arg13[%get3A_538], %broadcast_in_dim3A_483 masked %eq3A_565 {add = true} : memref<10240xf32, #tpu.memory_space<vmem>>[vector<16xi32>], vector<16xf32>, vector<16xi1>
        %eq3A_566 = arith.constant 9 : i32
        %eq3A_567 = vector.broadcast %eq3A_566 : i32 to vector<16xi32>
        %eq3A_568 = arith.cmpi eq, %iota3A_484, %eq3A_567 : vector<16xi32>
        tpu.vector_store_idx %arg13[%get3A_538], %broadcast_in_dim3A_483 masked %eq3A_568 {add = true} : memref<10240xf32, #tpu.memory_space<vmem>>[vector<16xi32>], vector<16xf32>, vector<16xi1>
        %eq3A_569 = arith.constant 10 : i32
        %eq3A_570 = vector.broadcast %eq3A_569 : i32 to vector<16xi32>
        %eq3A_571 = arith.cmpi eq, %iota3A_484, %eq3A_570 : vector<16xi32>
        tpu.vector_store_idx %arg13[%get3A_538], %broadcast_in_dim3A_483 masked %eq3A_571 {add = true} : memref<10240xf32, #tpu.memory_space<vmem>>[vector<16xi32>], vector<16xf32>, vector<16xi1>
        %eq3A_572 = arith.constant 11 : i32
        %eq3A_573 = vector.broadcast %eq3A_572 : i32 to vector<16xi32>
        %eq3A_574 = arith.cmpi eq, %iota3A_484, %eq3A_573 : vector<16xi32>
        tpu.vector_store_idx %arg13[%get3A_538], %broadcast_in_dim3A_483 masked %eq3A_574 {add = true} : memref<10240xf32, #tpu.memory_space<vmem>>[vector<16xi32>], vector<16xf32>, vector<16xi1>
        %eq3A_575 = arith.constant 12 : i32
        %eq3A_576 = vector.broadcast %eq3A_575 : i32 to vector<16xi32>
        %eq3A_577 = arith.cmpi eq, %iota3A_484, %eq3A_576 : vector<16xi32>
        tpu.vector_store_idx %arg13[%get3A_538], %broadcast_in_dim3A_483 masked %eq3A_577 {add = true} : memref<10240xf32, #tpu.memory_space<vmem>>[vector<16xi32>], vector<16xf32>, vector<16xi1>
        %eq3A_578 = arith.constant 13 : i32
        %eq3A_579 = vector.broadcast %eq3A_578 : i32 to vector<16xi32>
        %eq3A_580 = arith.cmpi eq, %iota3A_484, %eq3A_579 : vector<16xi32>
        tpu.vector_store_idx %arg13[%get3A_538], %broadcast_in_dim3A_483 masked %eq3A_580 {add = true} : memref<10240xf32, #tpu.memory_space<vmem>>[vector<16xi32>], vector<16xf32>, vector<16xi1>
        %eq3A_581 = arith.constant 14 : i32
        %eq3A_582 = vector.broadcast %eq3A_581 : i32 to vector<16xi32>
        %eq3A_583 = arith.cmpi eq, %iota3A_484, %eq3A_582 : vector<16xi32>
        tpu.vector_store_idx %arg13[%get3A_538], %broadcast_in_dim3A_483 masked %eq3A_583 {add = true} : memref<10240xf32, #tpu.memory_space<vmem>>[vector<16xi32>], vector<16xf32>, vector<16xi1>
        %eq3A_584 = arith.constant 15 : i32
        %eq3A_585 = vector.broadcast %eq3A_584 : i32 to vector<16xi32>
        %eq3A_586 = arith.cmpi eq, %iota3A_484, %eq3A_585 : vector<16xi32>
        tpu.vector_store_idx %arg13[%get3A_538], %broadcast_in_dim3A_483 masked %eq3A_586 {add = true} : memref<10240xf32, #tpu.memory_space<vmem>>[vector<16xi32>], vector<16xf32>, vector<16xi1>
        %get3A_587 = arith.index_cast %add3A_481 : i32 to index
        %get3A_588 = arith.constant 32 : index
        %get3A_589 = tpu.vector_load %arg10[%get3A_587, %get3A_588] {strides = array<i32>} : memref<16x128xi32, #tpu.memory_space<vmem>>, vector<16xi32>,
        %eq3A_590 = arith.constant 0 : i32
        %eq3A_591 = vector.broadcast %eq3A_590 : i32 to vector<16xi32>
        %eq3A_592 = arith.cmpi eq, %iota3A_484, %eq3A_591 : vector<16xi32>
        tpu.vector_store_idx %arg13[%get3A_589], %broadcast_in_dim3A_483 masked %eq3A_592 {add = true} : memref<10240xf32, #tpu.memory_space<vmem>>[vector<16xi32>], vector<16xf32>, vector<16xi1>
        %eq3A_593 = arith.constant 1 : i32
        %eq3A_594 = vector.broadcast %eq3A_593 : i32 to vector<16xi32>
        %eq3A_595 = arith.cmpi eq, %iota3A_484, %eq3A_594 : vector<16xi32>
        tpu.vector_store_idx %arg13[%get3A_589], %broadcast_in_dim3A_483 masked %eq3A_595 {add = true} : memref<10240xf32, #tpu.memory_space<vmem>>[vector<16xi32>], vector<16xf32>, vector<16xi1>
        %eq3A_596 = arith.constant 2 : i32
        %eq3A_597 = vector.broadcast %eq3A_596 : i32 to vector<16xi32>
        %eq3A_598 = arith.cmpi eq, %iota3A_484, %eq3A_597 : vector<16xi32>
        tpu.vector_store_idx %arg13[%get3A_589], %broadcast_in_dim3A_483 masked %eq3A_598 {add = true} : memref<10240xf32, #tpu.memory_space<vmem>>[vector<16xi32>], vector<16xf32>, vector<16xi1>
        %eq3A_599 = arith.constant 3 : i32
        %eq3A_600 = vector.broadcast %eq3A_599 : i32 to vector<16xi32>
        %eq3A_601 = arith.cmpi eq, %iota3A_484, %eq3A_600 : vector<16xi32>
        tpu.vector_store_idx %arg13[%get3A_589], %broadcast_in_dim3A_483 masked %eq3A_601 {add = true} : memref<10240xf32, #tpu.memory_space<vmem>>[vector<16xi32>], vector<16xf32>, vector<16xi1>
        %eq3A_602 = arith.constant 4 : i32
        %eq3A_603 = vector.broadcast %eq3A_602 : i32 to vector<16xi32>
        %eq3A_604 = arith.cmpi eq, %iota3A_484, %eq3A_603 : vector<16xi32>
        tpu.vector_store_idx %arg13[%get3A_589], %broadcast_in_dim3A_483 masked %eq3A_604 {add = true} : memref<10240xf32, #tpu.memory_space<vmem>>[vector<16xi32>], vector<16xf32>, vector<16xi1>
        %eq3A_605 = arith.constant 5 : i32
        %eq3A_606 = vector.broadcast %eq3A_605 : i32 to vector<16xi32>
        %eq3A_607 = arith.cmpi eq, %iota3A_484, %eq3A_606 : vector<16xi32>
        tpu.vector_store_idx %arg13[%get3A_589], %broadcast_in_dim3A_483 masked %eq3A_607 {add = true} : memref<10240xf32, #tpu.memory_space<vmem>>[vector<16xi32>], vector<16xf32>, vector<16xi1>
        %eq3A_608 = arith.constant 6 : i32
        %eq3A_609 = vector.broadcast %eq3A_608 : i32 to vector<16xi32>
        %eq3A_610 = arith.cmpi eq, %iota3A_484, %eq3A_609 : vector<16xi32>
        tpu.vector_store_idx %arg13[%get3A_589], %broadcast_in_dim3A_483 masked %eq3A_610 {add = true} : memref<10240xf32, #tpu.memory_space<vmem>>[vector<16xi32>], vector<16xf32>, vector<16xi1>
        %eq3A_611 = arith.constant 7 : i32
        %eq3A_612 = vector.broadcast %eq3A_611 : i32 to vector<16xi32>
        %eq3A_613 = arith.cmpi eq, %iota3A_484, %eq3A_612 : vector<16xi32>
        tpu.vector_store_idx %arg13[%get3A_589], %broadcast_in_dim3A_483 masked %eq3A_613 {add = true} : memref<10240xf32, #tpu.memory_space<vmem>>[vector<16xi32>], vector<16xf32>, vector<16xi1>
        %eq3A_614 = arith.constant 8 : i32
        %eq3A_615 = vector.broadcast %eq3A_614 : i32 to vector<16xi32>
        %eq3A_616 = arith.cmpi eq, %iota3A_484, %eq3A_615 : vector<16xi32>
        tpu.vector_store_idx %arg13[%get3A_589], %broadcast_in_dim3A_483 masked %eq3A_616 {add = true} : memref<10240xf32, #tpu.memory_space<vmem>>[vector<16xi32>], vector<16xf32>, vector<16xi1>
        %eq3A_617 = arith.constant 9 : i32
        %eq3A_618 = vector.broadcast %eq3A_617 : i32 to vector<16xi32>
        %eq3A_619 = arith.cmpi eq, %iota3A_484, %eq3A_618 : vector<16xi32>
        tpu.vector_store_idx %arg13[%get3A_589], %broadcast_in_dim3A_483 masked %eq3A_619 {add = true} : memref<10240xf32, #tpu.memory_space<vmem>>[vector<16xi32>], vector<16xf32>, vector<16xi1>
        %eq3A_620 = arith.constant 10 : i32
        %eq3A_621 = vector.broadcast %eq3A_620 : i32 to vector<16xi32>
        %eq3A_622 = arith.cmpi eq, %iota3A_484, %eq3A_621 : vector<16xi32>
        tpu.vector_store_idx %arg13[%get3A_589], %broadcast_in_dim3A_483 masked %eq3A_622 {add = true} : memref<10240xf32, #tpu.memory_space<vmem>>[vector<16xi32>], vector<16xf32>, vector<16xi1>
        %eq3A_623 = arith.constant 11 : i32
        %eq3A_624 = vector.broadcast %eq3A_623 : i32 to vector<16xi32>
        %eq3A_625 = arith.cmpi eq, %iota3A_484, %eq3A_624 : vector<16xi32>
        tpu.vector_store_idx %arg13[%get3A_589], %broadcast_in_dim3A_483 masked %eq3A_625 {add = true} : memref<10240xf32, #tpu.memory_space<vmem>>[vector<16xi32>], vector<16xf32>, vector<16xi1>
        %eq3A_626 = arith.constant 12 : i32
        %eq3A_627 = vector.broadcast %eq3A_626 : i32 to vector<16xi32>
        %eq3A_628 = arith.cmpi eq, %iota3A_484, %eq3A_627 : vector<16xi32>
        tpu.vector_store_idx %arg13[%get3A_589], %broadcast_in_dim3A_483 masked %eq3A_628 {add = true} : memref<10240xf32, #tpu.memory_space<vmem>>[vector<16xi32>], vector<16xf32>, vector<16xi1>
        %eq3A_629 = arith.constant 13 : i32
        %eq3A_630 = vector.broadcast %eq3A_629 : i32 to vector<16xi32>
        %eq3A_631 = arith.cmpi eq, %iota3A_484, %eq3A_630 : vector<16xi32>
        tpu.vector_store_idx %arg13[%get3A_589], %broadcast_in_dim3A_483 masked %eq3A_631 {add = true} : memref<10240xf32, #tpu.memory_space<vmem>>[vector<16xi32>], vector<16xf32>, vector<16xi1>
        %eq3A_632 = arith.constant 14 : i32
        %eq3A_633 = vector.broadcast %eq3A_632 : i32 to vector<16xi32>
        %eq3A_634 = arith.cmpi eq, %iota3A_484, %eq3A_633 : vector<16xi32>
        tpu.vector_store_idx %arg13[%get3A_589], %broadcast_in_dim3A_483 masked %eq3A_634 {add = true} : memref<10240xf32, #tpu.memory_space<vmem>>[vector<16xi32>], vector<16xf32>, vector<16xi1>
        %eq3A_635 = arith.constant 15 : i32
        %eq3A_636 = vector.broadcast %eq3A_635 : i32 to vector<16xi32>
        %eq3A_637 = arith.cmpi eq, %iota3A_484, %eq3A_636 : vector<16xi32>
        tpu.vector_store_idx %arg13[%get3A_589], %broadcast_in_dim3A_483 masked %eq3A_637 {add = true} : memref<10240xf32, #tpu.memory_space<vmem>>[vector<16xi32>], vector<16xf32>, vector<16xi1>
        %get3A_638 = arith.index_cast %add3A_481 : i32 to index
        %get3A_639 = arith.constant 48 : index
        %get3A_640 = tpu.vector_load %arg10[%get3A_638, %get3A_639] {strides = array<i32>} : memref<16x128xi32, #tpu.memory_space<vmem>>, vector<16xi32>,
        %eq3A_641 = arith.constant 0 : i32
        %eq3A_642 = vector.broadcast %eq3A_641 : i32 to vector<16xi32>
        %eq3A_643 = arith.cmpi eq, %iota3A_484, %eq3A_642 : vector<16xi32>
        tpu.vector_store_idx %arg13[%get3A_640], %broadcast_in_dim3A_483 masked %eq3A_643 {add = true} : memref<10240xf32, #tpu.memory_space<vmem>>[vector<16xi32>], vector<16xf32>, vector<16xi1>
        %eq3A_644 = arith.constant 1 : i32
        %eq3A_645 = vector.broadcast %eq3A_644 : i32 to vector<16xi32>
        %eq3A_646 = arith.cmpi eq, %iota3A_484, %eq3A_645 : vector<16xi32>
        tpu.vector_store_idx %arg13[%get3A_640], %broadcast_in_dim3A_483 masked %eq3A_646 {add = true} : memref<10240xf32, #tpu.memory_space<vmem>>[vector<16xi32>], vector<16xf32>, vector<16xi1>
        %eq3A_647 = arith.constant 2 : i32
        %eq3A_648 = vector.broadcast %eq3A_647 : i32 to vector<16xi32>
        %eq3A_649 = arith.cmpi eq, %iota3A_484, %eq3A_648 : vector<16xi32>
        tpu.vector_store_idx %arg13[%get3A_640], %broadcast_in_dim3A_483 masked %eq3A_649 {add = true} : memref<10240xf32, #tpu.memory_space<vmem>>[vector<16xi32>], vector<16xf32>, vector<16xi1>
        %eq3A_650 = arith.constant 3 : i32
        %eq3A_651 = vector.broadcast %eq3A_650 : i32 to vector<16xi32>
        %eq3A_652 = arith.cmpi eq, %iota3A_484, %eq3A_651 : vector<16xi32>
        tpu.vector_store_idx %arg13[%get3A_640], %broadcast_in_dim3A_483 masked %eq3A_652 {add = true} : memref<10240xf32, #tpu.memory_space<vmem>>[vector<16xi32>], vector<16xf32>, vector<16xi1>
        %eq3A_653 = arith.constant 4 : i32
        %eq3A_654 = vector.broadcast %eq3A_653 : i32 to vector<16xi32>
        %eq3A_655 = arith.cmpi eq, %iota3A_484, %eq3A_654 : vector<16xi32>
        tpu.vector_store_idx %arg13[%get3A_640], %broadcast_in_dim3A_483 masked %eq3A_655 {add = true} : memref<10240xf32, #tpu.memory_space<vmem>>[vector<16xi32>], vector<16xf32>, vector<16xi1>
        %eq3A_656 = arith.constant 5 : i32
        %eq3A_657 = vector.broadcast %eq3A_656 : i32 to vector<16xi32>
        %eq3A_658 = arith.cmpi eq, %iota3A_484, %eq3A_657 : vector<16xi32>
        tpu.vector_store_idx %arg13[%get3A_640], %broadcast_in_dim3A_483 masked %eq3A_658 {add = true} : memref<10240xf32, #tpu.memory_space<vmem>>[vector<16xi32>], vector<16xf32>, vector<16xi1>
        %eq3A_659 = arith.constant 6 : i32
        %eq3A_660 = vector.broadcast %eq3A_659 : i32 to vector<16xi32>
        %eq3A_661 = arith.cmpi eq, %iota3A_484, %eq3A_660 : vector<16xi32>
        tpu.vector_store_idx %arg13[%get3A_640], %broadcast_in_dim3A_483 masked %eq3A_661 {add = true} : memref<10240xf32, #tpu.memory_space<vmem>>[vector<16xi32>], vector<16xf32>, vector<16xi1>
        %eq3A_662 = arith.constant 7 : i32
        %eq3A_663 = vector.broadcast %eq3A_662 : i32 to vector<16xi32>
        %eq3A_664 = arith.cmpi eq, %iota3A_484, %eq3A_663 : vector<16xi32>
        tpu.vector_store_idx %arg13[%get3A_640], %broadcast_in_dim3A_483 masked %eq3A_664 {add = true} : memref<10240xf32, #tpu.memory_space<vmem>>[vector<16xi32>], vector<16xf32>, vector<16xi1>
        %eq3A_665 = arith.constant 8 : i32
        %eq3A_666 = vector.broadcast %eq3A_665 : i32 to vector<16xi32>
        %eq3A_667 = arith.cmpi eq, %iota3A_484, %eq3A_666 : vector<16xi32>
        tpu.vector_store_idx %arg13[%get3A_640], %broadcast_in_dim3A_483 masked %eq3A_667 {add = true} : memref<10240xf32, #tpu.memory_space<vmem>>[vector<16xi32>], vector<16xf32>, vector<16xi1>
        %eq3A_668 = arith.constant 9 : i32
        %eq3A_669 = vector.broadcast %eq3A_668 : i32 to vector<16xi32>
        %eq3A_670 = arith.cmpi eq, %iota3A_484, %eq3A_669 : vector<16xi32>
        tpu.vector_store_idx %arg13[%get3A_640], %broadcast_in_dim3A_483 masked %eq3A_670 {add = true} : memref<10240xf32, #tpu.memory_space<vmem>>[vector<16xi32>], vector<16xf32>, vector<16xi1>
        %eq3A_671 = arith.constant 10 : i32
        %eq3A_672 = vector.broadcast %eq3A_671 : i32 to vector<16xi32>
        %eq3A_673 = arith.cmpi eq, %iota3A_484, %eq3A_672 : vector<16xi32>
        tpu.vector_store_idx %arg13[%get3A_640], %broadcast_in_dim3A_483 masked %eq3A_673 {add = true} : memref<10240xf32, #tpu.memory_space<vmem>>[vector<16xi32>], vector<16xf32>, vector<16xi1>
        %eq3A_674 = arith.constant 11 : i32
        %eq3A_675 = vector.broadcast %eq3A_674 : i32 to vector<16xi32>
        %eq3A_676 = arith.cmpi eq, %iota3A_484, %eq3A_675 : vector<16xi32>
        tpu.vector_store_idx %arg13[%get3A_640], %broadcast_in_dim3A_483 masked %eq3A_676 {add = true} : memref<10240xf32, #tpu.memory_space<vmem>>[vector<16xi32>], vector<16xf32>, vector<16xi1>
        %eq3A_677 = arith.constant 12 : i32
        %eq3A_678 = vector.broadcast %eq3A_677 : i32 to vector<16xi32>
        %eq3A_679 = arith.cmpi eq, %iota3A_484, %eq3A_678 : vector<16xi32>
        tpu.vector_store_idx %arg13[%get3A_640], %broadcast_in_dim3A_483 masked %eq3A_679 {add = true} : memref<10240xf32, #tpu.memory_space<vmem>>[vector<16xi32>], vector<16xf32>, vector<16xi1>
        %eq3A_680 = arith.constant 13 : i32
        %eq3A_681 = vector.broadcast %eq3A_680 : i32 to vector<16xi32>
        %eq3A_682 = arith.cmpi eq, %iota3A_484, %eq3A_681 : vector<16xi32>
        tpu.vector_store_idx %arg13[%get3A_640], %broadcast_in_dim3A_483 masked %eq3A_682 {add = true} : memref<10240xf32, #tpu.memory_space<vmem>>[vector<16xi32>], vector<16xf32>, vector<16xi1>
        %eq3A_683 = arith.constant 14 : i32
        %eq3A_684 = vector.broadcast %eq3A_683 : i32 to vector<16xi32>
        %eq3A_685 = arith.cmpi eq, %iota3A_484, %eq3A_684 : vector<16xi32>
        tpu.vector_store_idx %arg13[%get3A_640], %broadcast_in_dim3A_483 masked %eq3A_685 {add = true} : memref<10240xf32, #tpu.memory_space<vmem>>[vector<16xi32>], vector<16xf32>, vector<16xi1>
        %eq3A_686 = arith.constant 15 : i32
        %eq3A_687 = vector.broadcast %eq3A_686 : i32 to vector<16xi32>
        %eq3A_688 = arith.cmpi eq, %iota3A_484, %eq3A_687 : vector<16xi32>
        tpu.vector_store_idx %arg13[%get3A_640], %broadcast_in_dim3A_483 masked %eq3A_688 {add = true} : memref<10240xf32, #tpu.memory_space<vmem>>[vector<16xi32>], vector<16xf32>, vector<16xi1>
        %get3A_689 = arith.index_cast %add3A_481 : i32 to index
        %get3A_690 = arith.constant 64 : index
        %get3A_691 = tpu.vector_load %arg10[%get3A_689, %get3A_690] {strides = array<i32>} : memref<16x128xi32, #tpu.memory_space<vmem>>, vector<16xi32>,
        %eq3A_692 = arith.constant 0 : i32
        %eq3A_693 = vector.broadcast %eq3A_692 : i32 to vector<16xi32>
        %eq3A_694 = arith.cmpi eq, %iota3A_484, %eq3A_693 : vector<16xi32>
        tpu.vector_store_idx %arg13[%get3A_691], %broadcast_in_dim3A_483 masked %eq3A_694 {add = true} : memref<10240xf32, #tpu.memory_space<vmem>>[vector<16xi32>], vector<16xf32>, vector<16xi1>
        %eq3A_695 = arith.constant 1 : i32
        %eq3A_696 = vector.broadcast %eq3A_695 : i32 to vector<16xi32>
        %eq3A_697 = arith.cmpi eq, %iota3A_484, %eq3A_696 : vector<16xi32>
        tpu.vector_store_idx %arg13[%get3A_691], %broadcast_in_dim3A_483 masked %eq3A_697 {add = true} : memref<10240xf32, #tpu.memory_space<vmem>>[vector<16xi32>], vector<16xf32>, vector<16xi1>
        %eq3A_698 = arith.constant 2 : i32
        %eq3A_699 = vector.broadcast %eq3A_698 : i32 to vector<16xi32>
        %eq3A_700 = arith.cmpi eq, %iota3A_484, %eq3A_699 : vector<16xi32>
        tpu.vector_store_idx %arg13[%get3A_691], %broadcast_in_dim3A_483 masked %eq3A_700 {add = true} : memref<10240xf32, #tpu.memory_space<vmem>>[vector<16xi32>], vector<16xf32>, vector<16xi1>
        %eq3A_701 = arith.constant 3 : i32
        %eq3A_702 = vector.broadcast %eq3A_701 : i32 to vector<16xi32>
        %eq3A_703 = arith.cmpi eq, %iota3A_484, %eq3A_702 : vector<16xi32>
        tpu.vector_store_idx %arg13[%get3A_691], %broadcast_in_dim3A_483 masked %eq3A_703 {add = true} : memref<10240xf32, #tpu.memory_space<vmem>>[vector<16xi32>], vector<16xf32>, vector<16xi1>
        %eq3A_704 = arith.constant 4 : i32
        %eq3A_705 = vector.broadcast %eq3A_704 : i32 to vector<16xi32>
        %eq3A_706 = arith.cmpi eq, %iota3A_484, %eq3A_705 : vector<16xi32>
        tpu.vector_store_idx %arg13[%get3A_691], %broadcast_in_dim3A_483 masked %eq3A_706 {add = true} : memref<10240xf32, #tpu.memory_space<vmem>>[vector<16xi32>], vector<16xf32>, vector<16xi1>
        %eq3A_707 = arith.constant 5 : i32
        %eq3A_708 = vector.broadcast %eq3A_707 : i32 to vector<16xi32>
        %eq3A_709 = arith.cmpi eq, %iota3A_484, %eq3A_708 : vector<16xi32>
        tpu.vector_store_idx %arg13[%get3A_691], %broadcast_in_dim3A_483 masked %eq3A_709 {add = true} : memref<10240xf32, #tpu.memory_space<vmem>>[vector<16xi32>], vector<16xf32>, vector<16xi1>
        %eq3A_710 = arith.constant 6 : i32
        %eq3A_711 = vector.broadcast %eq3A_710 : i32 to vector<16xi32>
        %eq3A_712 = arith.cmpi eq, %iota3A_484, %eq3A_711 : vector<16xi32>
        tpu.vector_store_idx %arg13[%get3A_691], %broadcast_in_dim3A_483 masked %eq3A_712 {add = true} : memref<10240xf32, #tpu.memory_space<vmem>>[vector<16xi32>], vector<16xf32>, vector<16xi1>
        %eq3A_713 = arith.constant 7 : i32
        %eq3A_714 = vector.broadcast %eq3A_713 : i32 to vector<16xi32>
        %eq3A_715 = arith.cmpi eq, %iota3A_484, %eq3A_714 : vector<16xi32>
        tpu.vector_store_idx %arg13[%get3A_691], %broadcast_in_dim3A_483 masked %eq3A_715 {add = true} : memref<10240xf32, #tpu.memory_space<vmem>>[vector<16xi32>], vector<16xf32>, vector<16xi1>
        %eq3A_716 = arith.constant 8 : i32
        %eq3A_717 = vector.broadcast %eq3A_716 : i32 to vector<16xi32>
        %eq3A_718 = arith.cmpi eq, %iota3A_484, %eq3A_717 : vector<16xi32>
        tpu.vector_store_idx %arg13[%get3A_691], %broadcast_in_dim3A_483 masked %eq3A_718 {add = true} : memref<10240xf32, #tpu.memory_space<vmem>>[vector<16xi32>], vector<16xf32>, vector<16xi1>
        %eq3A_719 = arith.constant 9 : i32
        %eq3A_720 = vector.broadcast %eq3A_719 : i32 to vector<16xi32>
        %eq3A_721 = arith.cmpi eq, %iota3A_484, %eq3A_720 : vector<16xi32>
        tpu.vector_store_idx %arg13[%get3A_691], %broadcast_in_dim3A_483 masked %eq3A_721 {add = true} : memref<10240xf32, #tpu.memory_space<vmem>>[vector<16xi32>], vector<16xf32>, vector<16xi1>
        %eq3A_722 = arith.constant 10 : i32
        %eq3A_723 = vector.broadcast %eq3A_722 : i32 to vector<16xi32>
        %eq3A_724 = arith.cmpi eq, %iota3A_484, %eq3A_723 : vector<16xi32>
        tpu.vector_store_idx %arg13[%get3A_691], %broadcast_in_dim3A_483 masked %eq3A_724 {add = true} : memref<10240xf32, #tpu.memory_space<vmem>>[vector<16xi32>], vector<16xf32>, vector<16xi1>
        %eq3A_725 = arith.constant 11 : i32
        %eq3A_726 = vector.broadcast %eq3A_725 : i32 to vector<16xi32>
        %eq3A_727 = arith.cmpi eq, %iota3A_484, %eq3A_726 : vector<16xi32>
        tpu.vector_store_idx %arg13[%get3A_691], %broadcast_in_dim3A_483 masked %eq3A_727 {add = true} : memref<10240xf32, #tpu.memory_space<vmem>>[vector<16xi32>], vector<16xf32>, vector<16xi1>
        %eq3A_728 = arith.constant 12 : i32
        %eq3A_729 = vector.broadcast %eq3A_728 : i32 to vector<16xi32>
        %eq3A_730 = arith.cmpi eq, %iota3A_484, %eq3A_729 : vector<16xi32>
        tpu.vector_store_idx %arg13[%get3A_691], %broadcast_in_dim3A_483 masked %eq3A_730 {add = true} : memref<10240xf32, #tpu.memory_space<vmem>>[vector<16xi32>], vector<16xf32>, vector<16xi1>
        %eq3A_731 = arith.constant 13 : i32
        %eq3A_732 = vector.broadcast %eq3A_731 : i32 to vector<16xi32>
        %eq3A_733 = arith.cmpi eq, %iota3A_484, %eq3A_732 : vector<16xi32>
        tpu.vector_store_idx %arg13[%get3A_691], %broadcast_in_dim3A_483 masked %eq3A_733 {add = true} : memref<10240xf32, #tpu.memory_space<vmem>>[vector<16xi32>], vector<16xf32>, vector<16xi1>
        %eq3A_734 = arith.constant 14 : i32
        %eq3A_735 = vector.broadcast %eq3A_734 : i32 to vector<16xi32>
        %eq3A_736 = arith.cmpi eq, %iota3A_484, %eq3A_735 : vector<16xi32>
        tpu.vector_store_idx %arg13[%get3A_691], %broadcast_in_dim3A_483 masked %eq3A_736 {add = true} : memref<10240xf32, #tpu.memory_space<vmem>>[vector<16xi32>], vector<16xf32>, vector<16xi1>
        %eq3A_737 = arith.constant 15 : i32
        %eq3A_738 = vector.broadcast %eq3A_737 : i32 to vector<16xi32>
        %eq3A_739 = arith.cmpi eq, %iota3A_484, %eq3A_738 : vector<16xi32>
        tpu.vector_store_idx %arg13[%get3A_691], %broadcast_in_dim3A_483 masked %eq3A_739 {add = true} : memref<10240xf32, #tpu.memory_space<vmem>>[vector<16xi32>], vector<16xf32>, vector<16xi1>
        %get3A_740 = arith.index_cast %add3A_481 : i32 to index
        %get3A_741 = arith.constant 80 : index
        %get3A_742 = tpu.vector_load %arg10[%get3A_740, %get3A_741] {strides = array<i32>} : memref<16x128xi32, #tpu.memory_space<vmem>>, vector<16xi32>,
        %eq3A_743 = arith.constant 0 : i32
        %eq3A_744 = vector.broadcast %eq3A_743 : i32 to vector<16xi32>
        %eq3A_745 = arith.cmpi eq, %iota3A_484, %eq3A_744 : vector<16xi32>
        tpu.vector_store_idx %arg13[%get3A_742], %broadcast_in_dim3A_483 masked %eq3A_745 {add = true} : memref<10240xf32, #tpu.memory_space<vmem>>[vector<16xi32>], vector<16xf32>, vector<16xi1>
        %eq3A_746 = arith.constant 1 : i32
        %eq3A_747 = vector.broadcast %eq3A_746 : i32 to vector<16xi32>
        %eq3A_748 = arith.cmpi eq, %iota3A_484, %eq3A_747 : vector<16xi32>
        tpu.vector_store_idx %arg13[%get3A_742], %broadcast_in_dim3A_483 masked %eq3A_748 {add = true} : memref<10240xf32, #tpu.memory_space<vmem>>[vector<16xi32>], vector<16xf32>, vector<16xi1>
        %eq3A_749 = arith.constant 2 : i32
        %eq3A_750 = vector.broadcast %eq3A_749 : i32 to vector<16xi32>
        %eq3A_751 = arith.cmpi eq, %iota3A_484, %eq3A_750 : vector<16xi32>
        tpu.vector_store_idx %arg13[%get3A_742], %broadcast_in_dim3A_483 masked %eq3A_751 {add = true} : memref<10240xf32, #tpu.memory_space<vmem>>[vector<16xi32>], vector<16xf32>, vector<16xi1>
        %eq3A_752 = arith.constant 3 : i32
        %eq3A_753 = vector.broadcast %eq3A_752 : i32 to vector<16xi32>
        %eq3A_754 = arith.cmpi eq, %iota3A_484, %eq3A_753 : vector<16xi32>
        tpu.vector_store_idx %arg13[%get3A_742], %broadcast_in_dim3A_483 masked %eq3A_754 {add = true} : memref<10240xf32, #tpu.memory_space<vmem>>[vector<16xi32>], vector<16xf32>, vector<16xi1>
        %eq3A_755 = arith.constant 4 : i32
        %eq3A_756 = vector.broadcast %eq3A_755 : i32 to vector<16xi32>
        %eq3A_757 = arith.cmpi eq, %iota3A_484, %eq3A_756 : vector<16xi32>
        tpu.vector_store_idx %arg13[%get3A_742], %broadcast_in_dim3A_483 masked %eq3A_757 {add = true} : memref<10240xf32, #tpu.memory_space<vmem>>[vector<16xi32>], vector<16xf32>, vector<16xi1>
        %eq3A_758 = arith.constant 5 : i32
        %eq3A_759 = vector.broadcast %eq3A_758 : i32 to vector<16xi32>
        %eq3A_760 = arith.cmpi eq, %iota3A_484, %eq3A_759 : vector<16xi32>
        tpu.vector_store_idx %arg13[%get3A_742], %broadcast_in_dim3A_483 masked %eq3A_760 {add = true} : memref<10240xf32, #tpu.memory_space<vmem>>[vector<16xi32>], vector<16xf32>, vector<16xi1>
        %eq3A_761 = arith.constant 6 : i32
        %eq3A_762 = vector.broadcast %eq3A_761 : i32 to vector<16xi32>
        %eq3A_763 = arith.cmpi eq, %iota3A_484, %eq3A_762 : vector<16xi32>
        tpu.vector_store_idx %arg13[%get3A_742], %broadcast_in_dim3A_483 masked %eq3A_763 {add = true} : memref<10240xf32, #tpu.memory_space<vmem>>[vector<16xi32>], vector<16xf32>, vector<16xi1>
        %eq3A_764 = arith.constant 7 : i32
        %eq3A_765 = vector.broadcast %eq3A_764 : i32 to vector<16xi32>
        %eq3A_766 = arith.cmpi eq, %iota3A_484, %eq3A_765 : vector<16xi32>
        tpu.vector_store_idx %arg13[%get3A_742], %broadcast_in_dim3A_483 masked %eq3A_766 {add = true} : memref<10240xf32, #tpu.memory_space<vmem>>[vector<16xi32>], vector<16xf32>, vector<16xi1>
        %eq3A_767 = arith.constant 8 : i32
        %eq3A_768 = vector.broadcast %eq3A_767 : i32 to vector<16xi32>
        %eq3A_769 = arith.cmpi eq, %iota3A_484, %eq3A_768 : vector<16xi32>
        tpu.vector_store_idx %arg13[%get3A_742], %broadcast_in_dim3A_483 masked %eq3A_769 {add = true} : memref<10240xf32, #tpu.memory_space<vmem>>[vector<16xi32>], vector<16xf32>, vector<16xi1>
        %eq3A_770 = arith.constant 9 : i32
        %eq3A_771 = vector.broadcast %eq3A_770 : i32 to vector<16xi32>
        %eq3A_772 = arith.cmpi eq, %iota3A_484, %eq3A_771 : vector<16xi32>
        tpu.vector_store_idx %arg13[%get3A_742], %broadcast_in_dim3A_483 masked %eq3A_772 {add = true} : memref<10240xf32, #tpu.memory_space<vmem>>[vector<16xi32>], vector<16xf32>, vector<16xi1>
        %eq3A_773 = arith.constant 10 : i32
        %eq3A_774 = vector.broadcast %eq3A_773 : i32 to vector<16xi32>
        %eq3A_775 = arith.cmpi eq, %iota3A_484, %eq3A_774 : vector<16xi32>
        tpu.vector_store_idx %arg13[%get3A_742], %broadcast_in_dim3A_483 masked %eq3A_775 {add = true} : memref<10240xf32, #tpu.memory_space<vmem>>[vector<16xi32>], vector<16xf32>, vector<16xi1>
        %eq3A_776 = arith.constant 11 : i32
        %eq3A_777 = vector.broadcast %eq3A_776 : i32 to vector<16xi32>
        %eq3A_778 = arith.cmpi eq, %iota3A_484, %eq3A_777 : vector<16xi32>
        tpu.vector_store_idx %arg13[%get3A_742], %broadcast_in_dim3A_483 masked %eq3A_778 {add = true} : memref<10240xf32, #tpu.memory_space<vmem>>[vector<16xi32>], vector<16xf32>, vector<16xi1>
        %eq3A_779 = arith.constant 12 : i32
        %eq3A_780 = vector.broadcast %eq3A_779 : i32 to vector<16xi32>
        %eq3A_781 = arith.cmpi eq, %iota3A_484, %eq3A_780 : vector<16xi32>
        tpu.vector_store_idx %arg13[%get3A_742], %broadcast_in_dim3A_483 masked %eq3A_781 {add = true} : memref<10240xf32, #tpu.memory_space<vmem>>[vector<16xi32>], vector<16xf32>, vector<16xi1>
        %eq3A_782 = arith.constant 13 : i32
        %eq3A_783 = vector.broadcast %eq3A_782 : i32 to vector<16xi32>
        %eq3A_784 = arith.cmpi eq, %iota3A_484, %eq3A_783 : vector<16xi32>
        tpu.vector_store_idx %arg13[%get3A_742], %broadcast_in_dim3A_483 masked %eq3A_784 {add = true} : memref<10240xf32, #tpu.memory_space<vmem>>[vector<16xi32>], vector<16xf32>, vector<16xi1>
        %eq3A_785 = arith.constant 14 : i32
        %eq3A_786 = vector.broadcast %eq3A_785 : i32 to vector<16xi32>
        %eq3A_787 = arith.cmpi eq, %iota3A_484, %eq3A_786 : vector<16xi32>
        tpu.vector_store_idx %arg13[%get3A_742], %broadcast_in_dim3A_483 masked %eq3A_787 {add = true} : memref<10240xf32, #tpu.memory_space<vmem>>[vector<16xi32>], vector<16xf32>, vector<16xi1>
        %eq3A_788 = arith.constant 15 : i32
        %eq3A_789 = vector.broadcast %eq3A_788 : i32 to vector<16xi32>
        %eq3A_790 = arith.cmpi eq, %iota3A_484, %eq3A_789 : vector<16xi32>
        tpu.vector_store_idx %arg13[%get3A_742], %broadcast_in_dim3A_483 masked %eq3A_790 {add = true} : memref<10240xf32, #tpu.memory_space<vmem>>[vector<16xi32>], vector<16xf32>, vector<16xi1>
        %get3A_791 = arith.index_cast %add3A_481 : i32 to index
        %get3A_792 = arith.constant 96 : index
        %get3A_793 = tpu.vector_load %arg10[%get3A_791, %get3A_792] {strides = array<i32>} : memref<16x128xi32, #tpu.memory_space<vmem>>, vector<16xi32>,
        %eq3A_794 = arith.constant 0 : i32
        %eq3A_795 = vector.broadcast %eq3A_794 : i32 to vector<16xi32>
        %eq3A_796 = arith.cmpi eq, %iota3A_484, %eq3A_795 : vector<16xi32>
        tpu.vector_store_idx %arg13[%get3A_793], %broadcast_in_dim3A_483 masked %eq3A_796 {add = true} : memref<10240xf32, #tpu.memory_space<vmem>>[vector<16xi32>], vector<16xf32>, vector<16xi1>
        %eq3A_797 = arith.constant 1 : i32
        %eq3A_798 = vector.broadcast %eq3A_797 : i32 to vector<16xi32>
        %eq3A_799 = arith.cmpi eq, %iota3A_484, %eq3A_798 : vector<16xi32>
        tpu.vector_store_idx %arg13[%get3A_793], %broadcast_in_dim3A_483 masked %eq3A_799 {add = true} : memref<10240xf32, #tpu.memory_space<vmem>>[vector<16xi32>], vector<16xf32>, vector<16xi1>
        %eq3A_800 = arith.constant 2 : i32
        %eq3A_801 = vector.broadcast %eq3A_800 : i32 to vector<16xi32>
        %eq3A_802 = arith.cmpi eq, %iota3A_484, %eq3A_801 : vector<16xi32>
        tpu.vector_store_idx %arg13[%get3A_793], %broadcast_in_dim3A_483 masked %eq3A_802 {add = true} : memref<10240xf32, #tpu.memory_space<vmem>>[vector<16xi32>], vector<16xf32>, vector<16xi1>
        %eq3A_803 = arith.constant 3 : i32
        %eq3A_804 = vector.broadcast %eq3A_803 : i32 to vector<16xi32>
        %eq3A_805 = arith.cmpi eq, %iota3A_484, %eq3A_804 : vector<16xi32>
        tpu.vector_store_idx %arg13[%get3A_793], %broadcast_in_dim3A_483 masked %eq3A_805 {add = true} : memref<10240xf32, #tpu.memory_space<vmem>>[vector<16xi32>], vector<16xf32>, vector<16xi1>
        %eq3A_806 = arith.constant 4 : i32
        %eq3A_807 = vector.broadcast %eq3A_806 : i32 to vector<16xi32>
        %eq3A_808 = arith.cmpi eq, %iota3A_484, %eq3A_807 : vector<16xi32>
        tpu.vector_store_idx %arg13[%get3A_793], %broadcast_in_dim3A_483 masked %eq3A_808 {add = true} : memref<10240xf32, #tpu.memory_space<vmem>>[vector<16xi32>], vector<16xf32>, vector<16xi1>
        %eq3A_809 = arith.constant 5 : i32
        %eq3A_810 = vector.broadcast %eq3A_809 : i32 to vector<16xi32>
        %eq3A_811 = arith.cmpi eq, %iota3A_484, %eq3A_810 : vector<16xi32>
        tpu.vector_store_idx %arg13[%get3A_793], %broadcast_in_dim3A_483 masked %eq3A_811 {add = true} : memref<10240xf32, #tpu.memory_space<vmem>>[vector<16xi32>], vector<16xf32>, vector<16xi1>
        %eq3A_812 = arith.constant 6 : i32
        %eq3A_813 = vector.broadcast %eq3A_812 : i32 to vector<16xi32>
        %eq3A_814 = arith.cmpi eq, %iota3A_484, %eq3A_813 : vector<16xi32>
        tpu.vector_store_idx %arg13[%get3A_793], %broadcast_in_dim3A_483 masked %eq3A_814 {add = true} : memref<10240xf32, #tpu.memory_space<vmem>>[vector<16xi32>], vector<16xf32>, vector<16xi1>
        %eq3A_815 = arith.constant 7 : i32
        %eq3A_816 = vector.broadcast %eq3A_815 : i32 to vector<16xi32>
        %eq3A_817 = arith.cmpi eq, %iota3A_484, %eq3A_816 : vector<16xi32>
        tpu.vector_store_idx %arg13[%get3A_793], %broadcast_in_dim3A_483 masked %eq3A_817 {add = true} : memref<10240xf32, #tpu.memory_space<vmem>>[vector<16xi32>], vector<16xf32>, vector<16xi1>
        %eq3A_818 = arith.constant 8 : i32
        %eq3A_819 = vector.broadcast %eq3A_818 : i32 to vector<16xi32>
        %eq3A_820 = arith.cmpi eq, %iota3A_484, %eq3A_819 : vector<16xi32>
        tpu.vector_store_idx %arg13[%get3A_793], %broadcast_in_dim3A_483 masked %eq3A_820 {add = true} : memref<10240xf32, #tpu.memory_space<vmem>>[vector<16xi32>], vector<16xf32>, vector<16xi1>
        %eq3A_821 = arith.constant 9 : i32
        %eq3A_822 = vector.broadcast %eq3A_821 : i32 to vector<16xi32>
        %eq3A_823 = arith.cmpi eq, %iota3A_484, %eq3A_822 : vector<16xi32>
        tpu.vector_store_idx %arg13[%get3A_793], %broadcast_in_dim3A_483 masked %eq3A_823 {add = true} : memref<10240xf32, #tpu.memory_space<vmem>>[vector<16xi32>], vector<16xf32>, vector<16xi1>
        %eq3A_824 = arith.constant 10 : i32
        %eq3A_825 = vector.broadcast %eq3A_824 : i32 to vector<16xi32>
        %eq3A_826 = arith.cmpi eq, %iota3A_484, %eq3A_825 : vector<16xi32>
        tpu.vector_store_idx %arg13[%get3A_793], %broadcast_in_dim3A_483 masked %eq3A_826 {add = true} : memref<10240xf32, #tpu.memory_space<vmem>>[vector<16xi32>], vector<16xf32>, vector<16xi1>
        %eq3A_827 = arith.constant 11 : i32
        %eq3A_828 = vector.broadcast %eq3A_827 : i32 to vector<16xi32>
        %eq3A_829 = arith.cmpi eq, %iota3A_484, %eq3A_828 : vector<16xi32>
        tpu.vector_store_idx %arg13[%get3A_793], %broadcast_in_dim3A_483 masked %eq3A_829 {add = true} : memref<10240xf32, #tpu.memory_space<vmem>>[vector<16xi32>], vector<16xf32>, vector<16xi1>
        %eq3A_830 = arith.constant 12 : i32
        %eq3A_831 = vector.broadcast %eq3A_830 : i32 to vector<16xi32>
        %eq3A_832 = arith.cmpi eq, %iota3A_484, %eq3A_831 : vector<16xi32>
        tpu.vector_store_idx %arg13[%get3A_793], %broadcast_in_dim3A_483 masked %eq3A_832 {add = true} : memref<10240xf32, #tpu.memory_space<vmem>>[vector<16xi32>], vector<16xf32>, vector<16xi1>
        %eq3A_833 = arith.constant 13 : i32
        %eq3A_834 = vector.broadcast %eq3A_833 : i32 to vector<16xi32>
        %eq3A_835 = arith.cmpi eq, %iota3A_484, %eq3A_834 : vector<16xi32>
        tpu.vector_store_idx %arg13[%get3A_793], %broadcast_in_dim3A_483 masked %eq3A_835 {add = true} : memref<10240xf32, #tpu.memory_space<vmem>>[vector<16xi32>], vector<16xf32>, vector<16xi1>
        %eq3A_836 = arith.constant 14 : i32
        %eq3A_837 = vector.broadcast %eq3A_836 : i32 to vector<16xi32>
        %eq3A_838 = arith.cmpi eq, %iota3A_484, %eq3A_837 : vector<16xi32>
        tpu.vector_store_idx %arg13[%get3A_793], %broadcast_in_dim3A_483 masked %eq3A_838 {add = true} : memref<10240xf32, #tpu.memory_space<vmem>>[vector<16xi32>], vector<16xf32>, vector<16xi1>
        %eq3A_839 = arith.constant 15 : i32
        %eq3A_840 = vector.broadcast %eq3A_839 : i32 to vector<16xi32>
        %eq3A_841 = arith.cmpi eq, %iota3A_484, %eq3A_840 : vector<16xi32>
        tpu.vector_store_idx %arg13[%get3A_793], %broadcast_in_dim3A_483 masked %eq3A_841 {add = true} : memref<10240xf32, #tpu.memory_space<vmem>>[vector<16xi32>], vector<16xf32>, vector<16xi1>
        %get3A_842 = arith.index_cast %add3A_481 : i32 to index
        %get3A_843 = arith.constant 112 : index
        %get3A_844 = tpu.vector_load %arg10[%get3A_842, %get3A_843] {strides = array<i32>} : memref<16x128xi32, #tpu.memory_space<vmem>>, vector<16xi32>,
        %eq3A_845 = arith.constant 0 : i32
        %eq3A_846 = vector.broadcast %eq3A_845 : i32 to vector<16xi32>
        %eq3A_847 = arith.cmpi eq, %iota3A_484, %eq3A_846 : vector<16xi32>
        tpu.vector_store_idx %arg13[%get3A_844], %broadcast_in_dim3A_483 masked %eq3A_847 {add = true} : memref<10240xf32, #tpu.memory_space<vmem>>[vector<16xi32>], vector<16xf32>, vector<16xi1>
        %eq3A_848 = arith.constant 1 : i32
        %eq3A_849 = vector.broadcast %eq3A_848 : i32 to vector<16xi32>
        %eq3A_850 = arith.cmpi eq, %iota3A_484, %eq3A_849 : vector<16xi32>
        tpu.vector_store_idx %arg13[%get3A_844], %broadcast_in_dim3A_483 masked %eq3A_850 {add = true} : memref<10240xf32, #tpu.memory_space<vmem>>[vector<16xi32>], vector<16xf32>, vector<16xi1>
        %eq3A_851 = arith.constant 2 : i32
        %eq3A_852 = vector.broadcast %eq3A_851 : i32 to vector<16xi32>
        %eq3A_853 = arith.cmpi eq, %iota3A_484, %eq3A_852 : vector<16xi32>
        tpu.vector_store_idx %arg13[%get3A_844], %broadcast_in_dim3A_483 masked %eq3A_853 {add = true} : memref<10240xf32, #tpu.memory_space<vmem>>[vector<16xi32>], vector<16xf32>, vector<16xi1>
        %eq3A_854 = arith.constant 3 : i32
        %eq3A_855 = vector.broadcast %eq3A_854 : i32 to vector<16xi32>
        %eq3A_856 = arith.cmpi eq, %iota3A_484, %eq3A_855 : vector<16xi32>
        tpu.vector_store_idx %arg13[%get3A_844], %broadcast_in_dim3A_483 masked %eq3A_856 {add = true} : memref<10240xf32, #tpu.memory_space<vmem>>[vector<16xi32>], vector<16xf32>, vector<16xi1>
        %eq3A_857 = arith.constant 4 : i32
        %eq3A_858 = vector.broadcast %eq3A_857 : i32 to vector<16xi32>
        %eq3A_859 = arith.cmpi eq, %iota3A_484, %eq3A_858 : vector<16xi32>
        tpu.vector_store_idx %arg13[%get3A_844], %broadcast_in_dim3A_483 masked %eq3A_859 {add = true} : memref<10240xf32, #tpu.memory_space<vmem>>[vector<16xi32>], vector<16xf32>, vector<16xi1>
        %eq3A_860 = arith.constant 5 : i32
        %eq3A_861 = vector.broadcast %eq3A_860 : i32 to vector<16xi32>
        %eq3A_862 = arith.cmpi eq, %iota3A_484, %eq3A_861 : vector<16xi32>
        tpu.vector_store_idx %arg13[%get3A_844], %broadcast_in_dim3A_483 masked %eq3A_862 {add = true} : memref<10240xf32, #tpu.memory_space<vmem>>[vector<16xi32>], vector<16xf32>, vector<16xi1>
        %eq3A_863 = arith.constant 6 : i32
        %eq3A_864 = vector.broadcast %eq3A_863 : i32 to vector<16xi32>
        %eq3A_865 = arith.cmpi eq, %iota3A_484, %eq3A_864 : vector<16xi32>
        tpu.vector_store_idx %arg13[%get3A_844], %broadcast_in_dim3A_483 masked %eq3A_865 {add = true} : memref<10240xf32, #tpu.memory_space<vmem>>[vector<16xi32>], vector<16xf32>, vector<16xi1>
        %eq3A_866 = arith.constant 7 : i32
        %eq3A_867 = vector.broadcast %eq3A_866 : i32 to vector<16xi32>
        %eq3A_868 = arith.cmpi eq, %iota3A_484, %eq3A_867 : vector<16xi32>
        tpu.vector_store_idx %arg13[%get3A_844], %broadcast_in_dim3A_483 masked %eq3A_868 {add = true} : memref<10240xf32, #tpu.memory_space<vmem>>[vector<16xi32>], vector<16xf32>, vector<16xi1>
        %eq3A_869 = arith.constant 8 : i32
        %eq3A_870 = vector.broadcast %eq3A_869 : i32 to vector<16xi32>
        %eq3A_871 = arith.cmpi eq, %iota3A_484, %eq3A_870 : vector<16xi32>
        tpu.vector_store_idx %arg13[%get3A_844], %broadcast_in_dim3A_483 masked %eq3A_871 {add = true} : memref<10240xf32, #tpu.memory_space<vmem>>[vector<16xi32>], vector<16xf32>, vector<16xi1>
        %eq3A_872 = arith.constant 9 : i32
        %eq3A_873 = vector.broadcast %eq3A_872 : i32 to vector<16xi32>
        %eq3A_874 = arith.cmpi eq, %iota3A_484, %eq3A_873 : vector<16xi32>
        tpu.vector_store_idx %arg13[%get3A_844], %broadcast_in_dim3A_483 masked %eq3A_874 {add = true} : memref<10240xf32, #tpu.memory_space<vmem>>[vector<16xi32>], vector<16xf32>, vector<16xi1>
        %eq3A_875 = arith.constant 10 : i32
        %eq3A_876 = vector.broadcast %eq3A_875 : i32 to vector<16xi32>
        %eq3A_877 = arith.cmpi eq, %iota3A_484, %eq3A_876 : vector<16xi32>
        tpu.vector_store_idx %arg13[%get3A_844], %broadcast_in_dim3A_483 masked %eq3A_877 {add = true} : memref<10240xf32, #tpu.memory_space<vmem>>[vector<16xi32>], vector<16xf32>, vector<16xi1>
        %eq3A_878 = arith.constant 11 : i32
        %eq3A_879 = vector.broadcast %eq3A_878 : i32 to vector<16xi32>
        %eq3A_880 = arith.cmpi eq, %iota3A_484, %eq3A_879 : vector<16xi32>
        tpu.vector_store_idx %arg13[%get3A_844], %broadcast_in_dim3A_483 masked %eq3A_880 {add = true} : memref<10240xf32, #tpu.memory_space<vmem>>[vector<16xi32>], vector<16xf32>, vector<16xi1>
        %eq3A_881 = arith.constant 12 : i32
        %eq3A_882 = vector.broadcast %eq3A_881 : i32 to vector<16xi32>
        %eq3A_883 = arith.cmpi eq, %iota3A_484, %eq3A_882 : vector<16xi32>
        tpu.vector_store_idx %arg13[%get3A_844], %broadcast_in_dim3A_483 masked %eq3A_883 {add = true} : memref<10240xf32, #tpu.memory_space<vmem>>[vector<16xi32>], vector<16xf32>, vector<16xi1>
        %eq3A_884 = arith.constant 13 : i32
        %eq3A_885 = vector.broadcast %eq3A_884 : i32 to vector<16xi32>
        %eq3A_886 = arith.cmpi eq, %iota3A_484, %eq3A_885 : vector<16xi32>
        tpu.vector_store_idx %arg13[%get3A_844], %broadcast_in_dim3A_483 masked %eq3A_886 {add = true} : memref<10240xf32, #tpu.memory_space<vmem>>[vector<16xi32>], vector<16xf32>, vector<16xi1>
        %eq3A_887 = arith.constant 14 : i32
        %eq3A_888 = vector.broadcast %eq3A_887 : i32 to vector<16xi32>
        %eq3A_889 = arith.cmpi eq, %iota3A_484, %eq3A_888 : vector<16xi32>
        tpu.vector_store_idx %arg13[%get3A_844], %broadcast_in_dim3A_483 masked %eq3A_889 {add = true} : memref<10240xf32, #tpu.memory_space<vmem>>[vector<16xi32>], vector<16xf32>, vector<16xi1>
        %eq3A_890 = arith.constant 15 : i32
        %eq3A_891 = vector.broadcast %eq3A_890 : i32 to vector<16xi32>
        %eq3A_892 = arith.cmpi eq, %iota3A_484, %eq3A_891 : vector<16xi32>
        tpu.vector_store_idx %arg13[%get3A_844], %broadcast_in_dim3A_483 masked %eq3A_892 {add = true} : memref<10240xf32, #tpu.memory_space<vmem>>[vector<16xi32>], vector<16xf32>, vector<16xi1>
      }
      %scan3A_40 = arith.constant 8 : i32
    }
    %scan3A_16 = arith.constant 5 : i32
    %barrier3A_17 = arith.constant 0 : index
    tpu.barrier barrier_id(%barrier3A_17)
    "tpu.region"() ({
      %run_scoped3A = tpu.sem_alloc : memref<!tpu.dma_semaphore, #tpu.memory_space<semaphore_mem>>
      %dma_start3A = arith.constant 0 : i32
      %dma_start3A_20 = tpu.memref_slice %arg6[%add3A_7, %dma_start3A] : memref<20480x128xf32, #tpu.memory_space<hbm>> -> memref<640x128xf32, #tpu.memory_space<hbm>>
      %dma_start3A_21 = arith.constant 0 : i32
      %dma_start3A_22 = tpu.memref_slice %arg8[%mul3A_2, %dma_start3A_21] : memref<10240x128xf32, #tpu.memory_space<vmem_shared>> -> memref<640x128xf32, #tpu.memory_space<vmem_shared>>
      tpu.enqueue_dma source(%dma_start3A_22 : memref<640x128xf32, #tpu.memory_space<vmem_shared>>) target(%dma_start3A_20 : memref<640x128xf32, #tpu.memory_space<hbm>>) target_semaphore(%run_scoped3A : memref<!tpu.dma_semaphore, #tpu.memory_space<semaphore_mem>>)
      %dma_wait3A = arith.constant 0 : i32
      %dma_wait3A_23 = tpu.memref_slice %arg6[%add3A_7, %dma_wait3A] : memref<20480x128xf32, #tpu.memory_space<hbm>> -> memref<640x128xf32, #tpu.memory_space<hbm>>
      %dma_wait3A_24 = arith.constant 0 : i32
      %dma_wait3A_25 = tpu.memref_slice %arg8[%mul3A_2, %dma_wait3A_24] : memref<10240x128xf32, #tpu.memory_space<vmem_shared>> -> memref<640x128xf32, #tpu.memory_space<vmem_shared>>
      tpu.wait_dma2 semaphore(%run_scoped3A : memref<!tpu.dma_semaphore, #tpu.memory_space<semaphore_mem>>) src(%dma_wait3A_25 : memref<640x128xf32, #tpu.memory_space<vmem_shared>>) dst(%dma_wait3A_23 : memref<640x128xf32, #tpu.memory_space<hbm>>)
      tpu.yield
    }) : () -> ()
    %mul3A_18 = arith.constant 10240 : i32
    %mul3A_19 = arith.muli %add3A, %mul3A_18 : i32
    "tpu.region"() ({
      %run_scoped3A = tpu.sem_alloc : memref<!tpu.dma_semaphore, #tpu.memory_space<semaphore_mem>>
      %dma_start3A = tpu.memref_slice %arg7[%mul3A_19] : memref<327680xf32, #tpu.memory_space<hbm>> -> memref<10240xf32, #tpu.memory_space<hbm>>
      %dma_start3A_20 = tpu.memref_slice %arg7[%mul3A_19] : memref<327680xf32, #tpu.memory_space<hbm>> -> memref<10240xf32, #tpu.memory_space<hbm>>
      tpu.enqueue_dma source(%arg13 : memref<10240xf32, #tpu.memory_space<vmem>>) target(%dma_start3A_20 : memref<10240xf32, #tpu.memory_space<hbm>>) target_semaphore(%run_scoped3A : memref<!tpu.dma_semaphore, #tpu.memory_space<semaphore_mem>>)
      %dma_wait3A = tpu.memref_slice %arg7[%mul3A_19] : memref<327680xf32, #tpu.memory_space<hbm>> -> memref<10240xf32, #tpu.memory_space<hbm>>
      %dma_wait3A_21 = tpu.memref_slice %arg7[%mul3A_19] : memref<327680xf32, #tpu.memory_space<hbm>> -> memref<10240xf32, #tpu.memory_space<hbm>>
      tpu.wait_dma2 semaphore(%run_scoped3A : memref<!tpu.dma_semaphore, #tpu.memory_space<semaphore_mem>>) src(%arg13 : memref<10240xf32, #tpu.memory_space<vmem>>) dst(%dma_wait3A_21 : memref<10240xf32, #tpu.memory_space<hbm>>)
      tpu.yield
    }) : () -> ()
    return
  }
}

module attributes {stable_mosaic.version = 14 : i64} {
  func.func @_tc_right_body(%arg0: i32, %arg1: memref<2000x128xf32, #tpu.memory_space<vmem>>, %arg2: memref<128x128xf32, #tpu.memory_space<vmem>>, %arg3: memref<1x128xf32, #tpu.memory_space<vmem>>, %arg4: memref<2000x128xf32, #tpu.memory_space<vmem>>) attributes {dimension_semantics = [#tpu.dimension_semantics<arbitrary>], iteration_bounds = array<i64: 5>, scalar_prefetch = 0 : i64, scratch_operands = 0 : i64, tpu.core_type = #tpu.core_type<tc>, window_params = [{transform_indices = @transform_0, window_bounds = array<i64: 2000, 128>}, {pipeline_mode = #tpu.pipeline_mode<synchronous>, transform_indices = @transform_1, window_bounds = array<i64: 128, 128>}, {pipeline_mode = #tpu.pipeline_mode<synchronous>, transform_indices = @transform_2, window_bounds = array<i64: 1, 128>}, {transform_indices = @transform_3, window_bounds = array<i64: 2000, 128>}]} {
    %get3A = arith.constant 0 : index
    %get3A_0 = arith.constant 0 : index
    %get3A_1 = vector.load %arg1[%get3A, %get3A_0] : memref<2000x128xf32, #tpu.memory_space<vmem>>, vector<2000x128xf32>
    %get3A_2 = arith.constant 0 : index
    %get3A_3 = arith.constant 0 : index
    %get3A_4 = vector.load %arg2[%get3A_2, %get3A_3] : memref<128x128xf32, #tpu.memory_space<vmem>>, vector<128x128xf32>
    %dot_general3A = arith.constant dense<0.000000e+00> : vector<2000x128xf32>
    %dot_general3A_5 = tpu.matmul %get3A_1, %get3A_4, %dot_general3A {dimension_numbers = #tpu.dot_dimension_numbers<[1], [0], [0], [1], [0, 0, 1, 1], [], []>, transpose_lhs_hint = false} : vector<2000x128xf32>, vector<128x128xf32>, vector<2000x128xf32> -> vector<2000x128xf32>
    %get3A_6 = arith.constant 0 : index
    %get3A_7 = arith.constant 0 : index
    %get3A_8 = vector.load %arg3[%get3A_6, %get3A_7] : memref<1x128xf32, #tpu.memory_space<vmem>>, vector<1x128xf32>
    %add3A = vector.broadcast %get3A_8 : vector<1x128xf32> to vector<2000x128xf32>
    %add3A_9 = arith.addf %dot_general3A_5, %add3A : vector<2000x128xf32>
    %swap3A = arith.constant 0 : index
    %swap3A_10 = arith.constant 0 : index
    %swap3A_11 = vector.load %arg4[%swap3A, %swap3A_10] : memref<2000x128xf32, #tpu.memory_space<vmem>>, vector<2000x128xf32>
    tpu.vector_store %arg4[%swap3A, %swap3A_10], %add3A_9 {strides = array<i32>} : memref<2000x128xf32, #tpu.memory_space<vmem>>, vector<2000x128xf32>,
    return
  }
  func.func @transform_0(%arg0: i32) -> (i32, i32) {
    %c0_i32 = arith.constant 0 : i32
    %c0_i32_0 = arith.constant 0 : i32
    return %arg0, %c0_i32 : i32, i32
  }
  func.func @transform_1(%arg0: i32) -> (i32, i32) {
    %c0_i32 = arith.constant 0 : i32
    %c0_i32_0 = arith.constant 0 : i32
    %c0_i32_1 = arith.constant 0 : i32
    return %c0_i32, %c0_i32_0 : i32, i32
  }
  func.func @transform_2(%arg0: i32) -> (i32, i32) {
    %c0_i32 = arith.constant 0 : i32
    %c0_i32_0 = arith.constant 0 : i32
    %c0_i32_1 = arith.constant 0 : i32
    return %c0_i32, %c0_i32_0 : i32, i32
  }
  func.func @transform_3(%arg0: i32) -> (i32, i32) {
    %c0_i32 = arith.constant 0 : i32
    %c0_i32_0 = arith.constant 0 : i32
    return %arg0, %c0_i32 : i32, i32
  }
}

module attributes {stable_mosaic.version = 14 : i64} {
  func.func @_tc_mid_body(%arg0: i32, %arg1: memref<2x2000x128xf32, #tpu.memory_space<vmem>>, %arg2: memref<2000x32xf32, #tpu.memory_space<vmem>>, %arg3: memref<2000x128xf32, #tpu.memory_space<vmem>>, %arg4: memref<128x128xf32, #tpu.memory_space<vmem>>, %arg5: memref<128x128xf32, #tpu.memory_space<vmem>>, %arg6: memref<1x128xf32, #tpu.memory_space<vmem>>, %arg7: memref<2000x128xf32, #tpu.memory_space<vmem>>, %arg8: memref<2000x128xf32, #tpu.memory_space<vmem>>) attributes {dimension_semantics = [#tpu.dimension_semantics<arbitrary>], iteration_bounds = array<i64: 5>, scalar_prefetch = 0 : i64, scratch_operands = 0 : i64, tpu.core_type = #tpu.core_type<tc>, window_params = [{transform_indices = @transform_0, window_bounds = array<i64: 2, 2000, 128>}, {transform_indices = @transform_1, window_bounds = array<i64: 2000, 32>}, {transform_indices = @transform_2, window_bounds = array<i64: 2000, 128>}, {pipeline_mode = #tpu.pipeline_mode<synchronous>, transform_indices = @transform_3, window_bounds = array<i64: 128, 128>}, {pipeline_mode = #tpu.pipeline_mode<synchronous>, transform_indices = @transform_4, window_bounds = array<i64: 128, 128>}, {pipeline_mode = #tpu.pipeline_mode<synchronous>, transform_indices = @transform_5, window_bounds = array<i64: 1, 128>}, {transform_indices = @transform_6, window_bounds = array<i64: 2000, 128>}, {transform_indices = @transform_7, window_bounds = array<i64: 2000, 128>}]} {
    %get3A = arith.constant 0 : index
    %get3A_0 = arith.constant 0 : index
    %get3A_1 = arith.constant 0 : index
    %get3A_2 = vector.load %arg1[%get3A, %get3A_0, %get3A_1] : memref<2x2000x128xf32, #tpu.memory_space<vmem>>, vector<1x2000x128xf32>
    %get3A_3 = vector.shape_cast %get3A_2 : vector<1x2000x128xf32> to vector<2000x128xf32>
    %get3A_4 = arith.constant 1 : index
    %get3A_5 = arith.constant 0 : index
    %get3A_6 = arith.constant 0 : index
    %get3A_7 = vector.load %arg1[%get3A_4, %get3A_5, %get3A_6] : memref<2x2000x128xf32, #tpu.memory_space<vmem>>, vector<1x2000x128xf32>
    %get3A_8 = vector.shape_cast %get3A_7 : vector<1x2000x128xf32> to vector<2000x128xf32>
    %add3A = arith.addf %get3A_3, %get3A_8 : vector<2000x128xf32>
    %get3A_9 = arith.constant 0 : index
    %get3A_10 = arith.constant 0 : index
    %get3A_11 = vector.load %arg2[%get3A_9, %get3A_10] : memref<2000x32xf32, #tpu.memory_space<vmem>>, vector<2000x32xf32>
    %reduce_sum3A = arith.constant dense<0.000000e+00> : vector<2000xf32>
    %reduce_sum3A_12 = vector.multi_reduction <add>, %get3A_11, %reduce_sum3A [1] : vector<2000x32xf32> to vector<2000xf32>
    %max3A = arith.constant 1.000000e+00 : f32
    %max3A_13 = vector.broadcast %max3A : f32 to vector<2000xf32>
    %max3A_14 = arith.maximumf %reduce_sum3A_12, %max3A_13 : vector<2000xf32>
    %div3A = arith.constant 1.000000e+00 : f32
    %div3A_15 = vector.broadcast %div3A : f32 to vector<2000xf32>
    %div3A_16 = arith.divf %div3A_15, %max3A_14 : vector<2000xf32>
    %broadcast_in_dim3A = vector.shape_cast %div3A_16 : vector<2000xf32> to vector<2000x1xf32>
    %mul3A = vector.broadcast %broadcast_in_dim3A : vector<2000x1xf32> to vector<2000x128xf32>
    %mul3A_17 = arith.mulf %add3A, %mul3A : vector<2000x128xf32>
    %get3A_18 = arith.constant 0 : index
    %get3A_19 = arith.constant 0 : index
    %get3A_20 = vector.load %arg4[%get3A_18, %get3A_19] : memref<128x128xf32, #tpu.memory_space<vmem>>, vector<128x128xf32>
    %dot_general3A = arith.constant dense<0.000000e+00> : vector<2000x128xf32>
    %dot_general3A_21 = tpu.matmul %mul3A_17, %get3A_20, %dot_general3A {dimension_numbers = #tpu.dot_dimension_numbers<[1], [0], [0], [1], [0, 0, 1, 1], [], []>, transpose_lhs_hint = false} : vector<2000x128xf32>, vector<128x128xf32>, vector<2000x128xf32> -> vector<2000x128xf32>
    %get3A_22 = arith.constant 0 : index
    %get3A_23 = arith.constant 0 : index
    %get3A_24 = vector.load %arg3[%get3A_22, %get3A_23] : memref<2000x128xf32, #tpu.memory_space<vmem>>, vector<2000x128xf32>
    %add3A_25 = arith.addf %dot_general3A_21, %get3A_24 : vector<2000x128xf32>
    %max3A_26 = arith.constant 0.000000e+00 : f32
    %max3A_27 = vector.broadcast %max3A_26 : f32 to vector<2000x128xf32>
    %max3A_28 = arith.maximumf %add3A_25, %max3A_27 : vector<2000x128xf32>
    %swap3A = arith.constant 0 : index
    %swap3A_29 = arith.constant 0 : index
    %swap3A_30 = vector.load %arg7[%swap3A, %swap3A_29] : memref<2000x128xf32, #tpu.memory_space<vmem>>, vector<2000x128xf32>
    tpu.vector_store %arg7[%swap3A, %swap3A_29], %max3A_28 {strides = array<i32>} : memref<2000x128xf32, #tpu.memory_space<vmem>>, vector<2000x128xf32>,
    %get3A_31 = arith.constant 0 : index
    %get3A_32 = arith.constant 0 : index
    %get3A_33 = vector.load %arg5[%get3A_31, %get3A_32] : memref<128x128xf32, #tpu.memory_space<vmem>>, vector<128x128xf32>
    %dot_general3A_34 = arith.constant dense<0.000000e+00> : vector<2000x128xf32>
    %dot_general3A_35 = tpu.matmul %max3A_28, %get3A_33, %dot_general3A_34 {dimension_numbers = #tpu.dot_dimension_numbers<[1], [0], [0], [1], [0, 0, 1, 1], [], []>, transpose_lhs_hint = false} : vector<2000x128xf32>, vector<128x128xf32>, vector<2000x128xf32> -> vector<2000x128xf32>
    %get3A_36 = arith.constant 0 : index
    %get3A_37 = arith.constant 0 : index
    %get3A_38 = vector.load %arg6[%get3A_36, %get3A_37] : memref<1x128xf32, #tpu.memory_space<vmem>>, vector<1x128xf32>
    %add3A_39 = vector.broadcast %get3A_38 : vector<1x128xf32> to vector<2000x128xf32>
    %add3A_40 = arith.addf %dot_general3A_35, %add3A_39 : vector<2000x128xf32>
    %swap3A_41 = arith.constant 0 : index
    %swap3A_42 = arith.constant 0 : index
    %swap3A_43 = vector.load %arg8[%swap3A_41, %swap3A_42] : memref<2000x128xf32, #tpu.memory_space<vmem>>, vector<2000x128xf32>
    tpu.vector_store %arg8[%swap3A_41, %swap3A_42], %add3A_40 {strides = array<i32>} : memref<2000x128xf32, #tpu.memory_space<vmem>>, vector<2000x128xf32>,
    return
  }
  func.func @transform_0(%arg0: i32) -> (i32, i32, i32) {
    %c0_i32 = arith.constant 0 : i32
    %c0_i32_0 = arith.constant 0 : i32
    %c0_i32_1 = arith.constant 0 : i32
    return %c0_i32, %arg0, %c0_i32_0 : i32, i32, i32
  }
  func.func @transform_1(%arg0: i32) -> (i32, i32) {
    %c0_i32 = arith.constant 0 : i32
    %c0_i32_0 = arith.constant 0 : i32
    return %arg0, %c0_i32 : i32, i32
  }
  func.func @transform_2(%arg0: i32) -> (i32, i32) {
    %c0_i32 = arith.constant 0 : i32
    %c0_i32_0 = arith.constant 0 : i32
    return %arg0, %c0_i32 : i32, i32
  }
  func.func @transform_3(%arg0: i32) -> (i32, i32) {
    %c0_i32 = arith.constant 0 : i32
    %c0_i32_0 = arith.constant 0 : i32
    %c0_i32_1 = arith.constant 0 : i32
    return %c0_i32, %c0_i32_0 : i32, i32
  }
  func.func @transform_4(%arg0: i32) -> (i32, i32) {
    %c0_i32 = arith.constant 0 : i32
    %c0_i32_0 = arith.constant 0 : i32
    %c0_i32_1 = arith.constant 0 : i32
    return %c0_i32, %c0_i32_0 : i32, i32
  }
  func.func @transform_5(%arg0: i32) -> (i32, i32) {
    %c0_i32 = arith.constant 0 : i32
    %c0_i32_0 = arith.constant 0 : i32
    %c0_i32_1 = arith.constant 0 : i32
    return %c0_i32, %c0_i32_0 : i32, i32
  }
  func.func @transform_6(%arg0: i32) -> (i32, i32) {
    %c0_i32 = arith.constant 0 : i32
    %c0_i32_0 = arith.constant 0 : i32
    return %arg0, %c0_i32 : i32, i32
  }
  func.func @transform_7(%arg0: i32) -> (i32, i32) {
    %c0_i32 = arith.constant 0 : i32
    %c0_i32_0 = arith.constant 0 : i32
    return %arg0, %c0_i32 : i32, i32
  }
}

module attributes {stable_mosaic.version = 14 : i64} {
  func.func @_tc_final_body(%arg0: i32, %arg1: memref<2x2000x128xf32, #tpu.memory_space<vmem>>, %arg2: memref<2000x32xf32, #tpu.memory_space<vmem>>, %arg3: memref<2000x128xf32, #tpu.memory_space<vmem>>, %arg4: memref<128x128xf32, #tpu.memory_space<vmem>>, %arg5: memref<128x128xf32, #tpu.memory_space<vmem>>, %arg6: memref<1x128xf32, #tpu.memory_space<vmem>>, %arg7: memref<2000x128xf32, #tpu.memory_space<vmem>>) attributes {dimension_semantics = [#tpu.dimension_semantics<arbitrary>], iteration_bounds = array<i64: 5>, scalar_prefetch = 0 : i64, scratch_operands = 0 : i64, tpu.core_type = #tpu.core_type<tc>, window_params = [{transform_indices = @transform_0, window_bounds = array<i64: 2, 2000, 128>}, {transform_indices = @transform_1, window_bounds = array<i64: 2000, 32>}, {transform_indices = @transform_2, window_bounds = array<i64: 2000, 128>}, {pipeline_mode = #tpu.pipeline_mode<synchronous>, transform_indices = @transform_3, window_bounds = array<i64: 128, 128>}, {pipeline_mode = #tpu.pipeline_mode<synchronous>, transform_indices = @transform_4, window_bounds = array<i64: 128, 128>}, {pipeline_mode = #tpu.pipeline_mode<synchronous>, transform_indices = @transform_5, window_bounds = array<i64: 1, 128>}, {transform_indices = @transform_6, window_bounds = array<i64: 2000, 128>}]} {
    %get3A = arith.constant 0 : index
    %get3A_0 = arith.constant 0 : index
    %get3A_1 = arith.constant 0 : index
    %get3A_2 = vector.load %arg1[%get3A, %get3A_0, %get3A_1] : memref<2x2000x128xf32, #tpu.memory_space<vmem>>, vector<1x2000x128xf32>
    %get3A_3 = vector.shape_cast %get3A_2 : vector<1x2000x128xf32> to vector<2000x128xf32>
    %get3A_4 = arith.constant 1 : index
    %get3A_5 = arith.constant 0 : index
    %get3A_6 = arith.constant 0 : index
    %get3A_7 = vector.load %arg1[%get3A_4, %get3A_5, %get3A_6] : memref<2x2000x128xf32, #tpu.memory_space<vmem>>, vector<1x2000x128xf32>
    %get3A_8 = vector.shape_cast %get3A_7 : vector<1x2000x128xf32> to vector<2000x128xf32>
    %add3A = arith.addf %get3A_3, %get3A_8 : vector<2000x128xf32>
    %get3A_9 = arith.constant 0 : index
    %get3A_10 = arith.constant 0 : index
    %get3A_11 = vector.load %arg2[%get3A_9, %get3A_10] : memref<2000x32xf32, #tpu.memory_space<vmem>>, vector<2000x32xf32>
    %reduce_sum3A = arith.constant dense<0.000000e+00> : vector<2000xf32>
    %reduce_sum3A_12 = vector.multi_reduction <add>, %get3A_11, %reduce_sum3A [1] : vector<2000x32xf32> to vector<2000xf32>
    %max3A = arith.constant 1.000000e+00 : f32
    %max3A_13 = vector.broadcast %max3A : f32 to vector<2000xf32>
    %max3A_14 = arith.maximumf %reduce_sum3A_12, %max3A_13 : vector<2000xf32>
    %div3A = arith.constant 1.000000e+00 : f32
    %div3A_15 = vector.broadcast %div3A : f32 to vector<2000xf32>
    %div3A_16 = arith.divf %div3A_15, %max3A_14 : vector<2000xf32>
    %broadcast_in_dim3A = vector.shape_cast %div3A_16 : vector<2000xf32> to vector<2000x1xf32>
    %mul3A = vector.broadcast %broadcast_in_dim3A : vector<2000x1xf32> to vector<2000x128xf32>
    %mul3A_17 = arith.mulf %add3A, %mul3A : vector<2000x128xf32>
    %get3A_18 = arith.constant 0 : index
    %get3A_19 = arith.constant 0 : index
    %get3A_20 = vector.load %arg4[%get3A_18, %get3A_19] : memref<128x128xf32, #tpu.memory_space<vmem>>, vector<128x128xf32>
    %dot_general3A = arith.constant dense<0.000000e+00> : vector<2000x128xf32>
    %dot_general3A_21 = tpu.matmul %mul3A_17, %get3A_20, %dot_general3A {dimension_numbers = #tpu.dot_dimension_numbers<[1], [0], [0], [1], [0, 0, 1, 1], [], []>, transpose_lhs_hint = false} : vector<2000x128xf32>, vector<128x128xf32>, vector<2000x128xf32> -> vector<2000x128xf32>
    %get3A_22 = arith.constant 0 : index
    %get3A_23 = arith.constant 0 : index
    %get3A_24 = vector.load %arg3[%get3A_22, %get3A_23] : memref<2000x128xf32, #tpu.memory_space<vmem>>, vector<2000x128xf32>
    %add3A_25 = arith.addf %dot_general3A_21, %get3A_24 : vector<2000x128xf32>
    %max3A_26 = arith.constant 0.000000e+00 : f32
    %max3A_27 = vector.broadcast %max3A_26 : f32 to vector<2000x128xf32>
    %max3A_28 = arith.maximumf %add3A_25, %max3A_27 : vector<2000x128xf32>
    %get3A_29 = arith.constant 0 : index
    %get3A_30 = arith.constant 0 : index
    %get3A_31 = vector.load %arg5[%get3A_29, %get3A_30] : memref<128x128xf32, #tpu.memory_space<vmem>>, vector<128x128xf32>
    %dot_general3A_32 = arith.constant dense<0.000000e+00> : vector<2000x128xf32>
    %dot_general3A_33 = tpu.matmul %max3A_28, %get3A_31, %dot_general3A_32 {dimension_numbers = #tpu.dot_dimension_numbers<[1], [0], [0], [1], [0, 0, 1, 1], [], []>, transpose_lhs_hint = false} : vector<2000x128xf32>, vector<128x128xf32>, vector<2000x128xf32> -> vector<2000x128xf32>
    %get3A_34 = arith.constant 0 : index
    %get3A_35 = arith.constant 0 : index
    %get3A_36 = vector.load %arg6[%get3A_34, %get3A_35] : memref<1x128xf32, #tpu.memory_space<vmem>>, vector<1x128xf32>
    %add3A_37 = vector.broadcast %get3A_36 : vector<1x128xf32> to vector<2000x128xf32>
    %add3A_38 = arith.addf %dot_general3A_33, %add3A_37 : vector<2000x128xf32>
    %max3A_39 = arith.constant 0.000000e+00 : f32
    %max3A_40 = vector.broadcast %max3A_39 : f32 to vector<2000x128xf32>
    %max3A_41 = arith.maximumf %add3A_38, %max3A_40 : vector<2000x128xf32>
    %swap3A = arith.constant 0 : index
    %swap3A_42 = arith.constant 0 : index
    %swap3A_43 = vector.load %arg7[%swap3A, %swap3A_42] : memref<2000x128xf32, #tpu.memory_space<vmem>>, vector<2000x128xf32>
    tpu.vector_store %arg7[%swap3A, %swap3A_42], %max3A_41 {strides = array<i32>} : memref<2000x128xf32, #tpu.memory_space<vmem>>, vector<2000x128xf32>,
    return
  }
  func.func @transform_0(%arg0: i32) -> (i32, i32, i32) {
    %c0_i32 = arith.constant 0 : i32
    %c0_i32_0 = arith.constant 0 : i32
    %c0_i32_1 = arith.constant 0 : i32
    return %c0_i32, %arg0, %c0_i32_0 : i32, i32, i32
  }
  func.func @transform_1(%arg0: i32) -> (i32, i32) {
    %c0_i32 = arith.constant 0 : i32
    %c0_i32_0 = arith.constant 0 : i32
    return %arg0, %c0_i32 : i32, i32
  }
  func.func @transform_2(%arg0: i32) -> (i32, i32) {
    %c0_i32 = arith.constant 0 : i32
    %c0_i32_0 = arith.constant 0 : i32
    return %arg0, %c0_i32 : i32, i32
  }
  func.func @transform_3(%arg0: i32) -> (i32, i32) {
    %c0_i32 = arith.constant 0 : i32
    %c0_i32_0 = arith.constant 0 : i32
    %c0_i32_1 = arith.constant 0 : i32
    return %c0_i32, %c0_i32_0 : i32, i32
  }
  func.func @transform_4(%arg0: i32) -> (i32, i32) {
    %c0_i32 = arith.constant 0 : i32
    %c0_i32_0 = arith.constant 0 : i32
    %c0_i32_1 = arith.constant 0 : i32
    return %c0_i32, %c0_i32_0 : i32, i32
  }
  func.func @transform_5(%arg0: i32) -> (i32, i32) {
    %c0_i32 = arith.constant 0 : i32
    %c0_i32_0 = arith.constant 0 : i32
    %c0_i32_1 = arith.constant 0 : i32
    return %c0_i32, %c0_i32_0 : i32, i32
  }
  func.func @transform_6(%arg0: i32) -> (i32, i32) {
    %c0_i32 = arith.constant 0 : i32
    %c0_i32_0 = arith.constant 0 : i32
    return %arg0, %c0_i32 : i32, i32
  }
}

</mosaic_0001>

<sc_bundles>
// kernel: kernel.10.cloned.1.call-start
scs
__scs_entry_jumppad:
0x0: {  	(pc) =	sbr.rel $0x88, $3  }
0x1: {  	(tag) =	ssettag $0x0;
	lr =	simm.s32 $0x1  }
0x2: {  	[smem:$0x3F97] =	sst lr;
	_ =	strace $0xD0000000  }
0x3: {  	_ = 	snop  }
0x4: {  	_ = 	snop  }
0x5: {  	_ = 	snop  }
0x6: {  	_ = 	snop  }
0x7: {  	_ = 	snop  }
__scs_overlays_trampoline_lowered:
0x8: {  	[smem:$0x3FA6] =	sst s0  }
0x9: {  	[smem:$0x3FA7] =	sst s1  }
0xa: {  	[smem:$0x3FA8] =	sst s2  }
0xb: {  	[smem:$0x3FA9] =	sst s3  }
0xc: {  	[smem:$0x3FAA] =	sst s4  }
0xd: {  	[smem:$0x3FAB] =	sst s5  }
0xe: {  	[smem:$0x3FAC] =	sst s6  }
0xf: {  	[smem:$0x3FAD] =	sst s7  }
0x10: {  	[smem:$0x3FAE] =	sst s8  }
0x11: {  	[smem:$0x3FAF] =	sst s9;
	s0 =	simm.s32 @!p0 $0x0  }
0x12: {  	s1 =	sld [smem:$0x3F95];
	s0 =	simm.s32 @p0 $0x1  }
0x13: {  	[smem:$0x3FB0] =	sst s0;
	s0 =	simm.s32 @!p1 $0x0  }
0x14: {  	s2 =	sld [smem:$0x3F94];
	s0 =	simm.s32 @p1 $0x1  }
0x15: {  	[smem:$0x3FB1] =	sst s0;
	s0 =	simm.s32 @!p2 $0x0  }
0x16: {  	s3 =	sld [smem:$0x3FDB];
	s0 =	simm.s32 @p2 $0x1  }
0x17: {  	s4 =	simm.s32 $0x1BF5;
	[smem:$0x3FB3] =	sst s0  }
0x18: {  	s0 =	sld [smem:$0x3F96];
	_ =	swait.ge [sflag:s4], $0x0  }
0x19: {  	s7 =	sld [smem:$0x3F97]  }
0x1a: {  	s8 =	sadd.s32 $0xFFFFE003, lr  }
0x1b: {  	s9 =	sadd.s32 $0xFFFFFEF7, lr;
	s5 =	simm.s32 $0xFFFFFFFF;
	p2 =	slt.u32 s8, $0xFFFFF086  }
0x1c: {  	p1 =	slt.u32 s9, $0xF7A;
	s5 =	simm.s32 @!p2 $0x0  }
0x1d: {  	s5 =	simm.s32 @p1 $0x1;
	p0 =	seq.s32 s7, s2  }
0x1e: {  	s7 =	smul.u32 @!p0 $0xF7A, s2;
	p2 =	seq.s32 @!p0 s5, $0x0  }
0x1f: {  	s9 =	smul.u32 $0xF7A, s1;
	s8 =	simm.s32 @!p0 $0x1BF5;
	p2 =	por !p2, p0  }
0x20: {  	[sflag:s8] =	ssyncset.s32 @!p0 $0xFFFFF086;
	s6 =	sadd.s32 @!p0 s3, s7;
	s7 =	simm.s32 @!p0 $0x108  }
0x21: {  	s3 =	sadd.s32 s3, s9;
	s6 =	sadd.s32 @!p0 $0x88, s6;
	s7 =	simm.s32 @p2 $0x1082  }
0x22: {  	[simem:s7], [sflag:s8] =	dma.local @!p0 [hbm:s6], $0xF7A  }
0x23: {  	s9 =	sor.u32 $0xD0000000, s2;
	s6 =	simm.s32 $0x108;
	_ =	swait.ge @!p0 [sflag:s8], $0x0  }
0x24: {  	s3 =	sadd.s32 $0x88, s3;
	s6 =	simm.s32 @!p1 $0x1082;
	[sflag:s4] =	ssyncset.s32 $0xFFFFF086  }
0x25: {  	[simem:s6], [sflag:s4] =	dma.local [hbm:s3], $0xF7A  }
0x26: {  	[smem:$0x3F97] =	sst s1;
	(tag) =	ssettag s2;
	_ =	strace s9  }
0x27: {  	s1 =	sld [smem:$0x3FA7]  }
0x28: {  	s2 =	sld [smem:$0x3FA8]  }
0x29: {  	s4 =	sld [smem:$0x3FAA]  }
0x2a: {  	p0 =	seq.s32 s5, $0x0;
	s5 =	sld [smem:$0x3FAB]  }
0x2b: {  	s6 =	sld [smem:$0x3FAC]  }
0x2c: {  	s7 =	sld [smem:$0x3FAD]  }
0x2d: {  	s3 =	simm.s32 $0x108;
	s8 =	sld [smem:$0x3FAE]  }
0x2e: {  	s3 =	simm.s32 @!p0 $0x1082;
	s9 =	sld [smem:$0x3FAF]  }
0x2f: {  	lr =	sadd.s32 s0, s3;
	s0 =	sld [smem:$0x3FA6]  }
0x30: {  	s3 =	sld [smem:$0x3FA9]  }
0x31: {  	[smem:$0x3FB2] =	sst s10  }
0x32: {  	s10 =	sld [smem:$0x3FB0];
	_ =	sdelay $0x3  }
0x33: {  	p0 =	seq.s32 s10, $0x1;
	s10 =	sld [smem:$0x3FB2];
	_ =	sdelay $0x3  }
0x34: {  	[smem:$0x3FB2] =	sst s10  }
0x35: {  	s10 =	sld [smem:$0x3FB1];
	_ =	sdelay $0x3  }
0x36: {  	p1 =	seq.s32 s10, $0x1;
	s10 =	sld [smem:$0x3FB2];
	_ =	sdelay $0x3  }
0x37: {  	[smem:$0x3FB2] =	sst s10  }
0x38: {  	s10 =	sld [smem:$0x3FB3]  }
0x39: {  	_ = 	snop;
	(pc) =	sbr.ind lr, $3  }
0x3a: {  	_ = 	snop  }
0x3b: {  	_ = 	snop  }
0x3c: {  	p2 =	seq.s32 s10, $0x1;
	s10 =	sld [smem:$0x3FB2]  }
0x3d: {  	_ =	shalt  }
0x3e: {  	_ =	shalt  }
0x3f: {  	_ =	shalt  }
0x40: {  	_ =	shalt  }
0x41: {  	_ =	shalt  }
0x42: {  	_ =	shalt  }
0x43: {  	_ =	shalt  }
0x44: {  	_ =	shalt  }
0x45: {  	_ =	shalt  }
0x46: {  	_ =	shalt  }
0x47: {  	_ =	shalt  }
0x48: {  	_ =	shalt  }
0x49: {  	_ =	shalt  }
0x4a: {  	_ =	shalt  }
0x4b: {  	_ =	shalt  }
0x4c: {  	_ =	shalt  }
0x4d: {  	_ =	shalt  }
0x4e: {  	_ =	shalt  }
0x4f: {  	_ =	shalt  }
0x50: {  	_ =	shalt  }
0x51: {  	_ =	shalt  }
0x52: {  	_ =	shalt  }
0x53: {  	_ =	shalt  }
0x54: {  	_ =	shalt  }
0x55: {  	_ =	shalt  }
0x56: {  	_ =	shalt  }
0x57: {  	_ =	shalt  }
0x58: {  	_ =	shalt  }
0x59: {  	_ =	shalt  }
0x5a: {  	_ =	shalt  }
0x5b: {  	_ =	shalt  }
0x5c: {  	_ =	shalt  }
0x5d: {  	_ =	shalt  }
0x5e: {  	_ =	shalt  }
0x5f: {  	_ =	shalt  }
0x60: {  	_ =	shalt  }
0x61: {  	_ =	shalt  }
0x62: {  	_ =	shalt  }
0x63: {  	_ =	shalt  }
0x64: {  	_ =	shalt  }
0x65: {  	_ =	shalt  }
0x66: {  	_ =	shalt  }
0x67: {  	_ =	shalt  }
0x68: {  	_ =	shalt  }
0x69: {  	_ =	shalt  }
0x6a: {  	_ =	shalt  }
0x6b: {  	_ =	shalt  }
0x6c: {  	_ =	shalt  }
0x6d: {  	_ =	shalt  }
0x6e: {  	_ =	shalt  }
0x6f: {  	_ =	shalt  }
0x70: {  	_ =	shalt  }
0x71: {  	_ =	shalt  }
0x72: {  	_ =	shalt  }
0x73: {  	_ =	shalt  }
0x74: {  	_ =	shalt  }
0x75: {  	_ =	shalt  }
0x76: {  	_ =	shalt  }
0x77: {  	_ =	shalt  }
0x78: {  	_ =	shalt  }
0x79: {  	_ =	shalt  }
0x7a: {  	_ =	shalt  }
0x7b: {  	_ =	shalt  }
0x7c: {  	_ =	shalt  }
0x7d: {  	_ =	shalt  }
0x7e: {  	_ =	shalt  }
0x7f: {  	_ =	shalt  }
0x80: {  	_ =	shalt  }
0x81: {  	_ =	shalt  }
0x82: {  	_ =	shalt  }
0x83: {  	_ =	shalt  }
0x84: {  	_ =	shalt  }
0x85: {  	_ =	shalt  }
0x86: {  	_ =	shalt  }
0x87: {  	_ =	shalt  }
.Lfunc_end0:
.L_simem_size_0:
called_computation.1_lowered:
.L_overlay_start_0:
0x88: {  	s2 =	sld [smem:$0x3FD9]  }
0x89: {  	s3 =	sld [smem:$0x3FFE];
	_ =	sdelay $0x1  }
0x8a: {  	s1 =	srdreg.scid  }
0x8b: {  	s0 =	sand.u32 $0x1, s1  }
0x8c: {  	s17 =	sshll.u32 s0, $0xA;
	s2 =	sadd.s32 s3, s2  }
0x8d: {  	s2 =	sadd.s32 s2, s17  }
0x8e: {  	[smem:$0x3FBE] =	sst s2  }
0x8f: {  	_ = 	snop  }
0x90: {  	s2 =	sld [smem:$0x3FD0];
	(tm) =	ssettm $0x1  }
0x91: {  	s18 =	sld [smem:$0x3FFB];
	_ =	sdelay $0x3  }
0x92: {  	_ =	strace s18  }
0x93: {  	s3 =	sld [smem:$0x3FFC];
	_ =	sdelay $0x3  }
0x94: {  	_ =	strace s3  }
0x95: {  	s3 =	sld [smem:$0x3FFD];
	_ =	sdelay $0x3  }
0x96: {  	_ =	strace s3  }
0x97: {  	_ =	strace $0x8FFFFFFF  }
0x98: {  	s19 =	sld [smem:$0x3FDB];
	_ =	sdelay $0x1  }
0x99: {  	s4 =	simm.s32 $_scs_section_size  }
0x9a: {  	s5 =	simm.s32 $_size__tile_overlayer_lowered;
	s6 =	simm.s32 $_tile_overlayer_lowered  }
0x9b: {  	s22 =	simm.s32 $0x1BFF;
	s21 =	sshll.u32 s6, $0x1;
	s3 =	sadd.s32 s4, s19  }
0x9c: {  	s7 =	simm.s32 $0x0;
	s20 =	sshll.u32 s5, $0x1;
	s5 =	sadd.s32 s21, s3  }
0x9d: {  	[timem:s7], [sflag:s22] =	dma.local [hbm:s5], s20  }
0x9e: {  	_ =	swait.ge [sflag:s22], s20  }
0x9f: {  	s4 =	ssub.s32 $0x0, s20;
	[sflag:s22] =	ssyncset.done $0x0  }
0xa0: {  	[sflag:s22] =	ssyncadd.s32 s4;
	_ =	sdelay $0x1  }
0xa1: {  	s23 =	simm.s32 $0x1B8B  }
0xa2: {  	_ =	swait.ge [sflag:s23], $0x1  }
0xa3: {  	[sflag:s23] =	ssyncset.done $0x0  }
0xa4: {  	s25 =	simm.s32 $0x1B8E;
	s24 =	sld [smem:$0x3FFE];
	[sflag:s23] =	ssyncadd.s32 $0xFFFFFFFF  }
0xa5: {  	s26 =	simm.s32 $execute0_lowered;
	[smem:$0x3FD2] =	sst s25  }
0xa6: {  	s5 =	sshll.u32 s26, $0x1;
	_ =	strace $0x80000049;
	[dreg:$0x1] =	wrdreg $0xFFFFFFFF  }
0xa7: {  	s28 =	simm.s32 $_size_execute0_lowered;
	s3 =	sadd.s32 s3, s5;
	[dreg:$0x0] =	wrdreg $0x0  }
0xa8: {  	s5 =	sshll.u32 s28, $0x1;
	[dreg:$0x2] =	wrdreg s3  }
0xa9: {  	[dreg:$0x3] =	wrdreg s5  }
0xaa: {  	[dreg:$0x4] =	wrdreg $0xC0  }
0xab: {  	_ =	task [dreg:s7], $0x5FFFF  }
0xac: {  	[dreg:$0x1] =	wrdreg $0xFFFFFFFF  }
0xad: {  	[dreg:$0x0] =	wrdreg $0x60  }
0xae: {  	[dreg:$0x2] =	wrdreg s2  }
0xaf: {  	[dreg:$0x3] =	wrdreg s24  }
0xb0: {  	[dreg:$0x4] =	wrdreg $0x0  }
0xb1: {  	[dreg:$0x5] =	wrdreg $0x9  }
0xb2: {  	_ =	task.clear_ibuf [dreg:s7], $0x6FFFF;
	_ =	strace $0x90000049  }
0xb3: {  	s29 =	simm.s32 $0x9;
	_ =	strace $0x8000004B  }
0xb4: {  	_ =	swait.ge [sflag:s29], $0x1  }
0xb5: {  	[sflag:s29] =	ssyncadd.s32 $0xFFFFFFFF  }
0xb6: {  	_ =	strace $0x9000004B  }
0xb7: {  	_ =	sfence  }
0xb8: {  	s30 =	sld [smem:$0x0];
	_ =	sdelay $0x2  }
0xb9: {  	s31 =	sshll.u32 s1, $0xD;
	s1 =	sshrl.u32 s1, $0x2  }
0xba: {  	s3 =	sand.u32 $0x4000, s31;
	s1 =	sadd.s32 s1, s30  }
0xbb: {  	s0 =	sor.u32 s3, s0;
	s1 =	sshll.u32 s1, $0x11  }
0xbc: {  	s0 =	sor.u32 s1, s0  }
0xbd: {  	s0 =	sadd.s32 $0x8F2B, s0  }
0xbe: {  	[sflag:s0] =	ssyncadd.remote.s32 $0x1  }
0xbf: {  	_ =	sfence.sel $0xFFFF  }
0xc0: {  	[dreg:$0x0] =	wrdreg $0xFFFFFFFF;
	(pc) =	sbr.abs _section_cstart, $3  }
0xc1: {  	[dreg:$0x1] =	wrdreg $0xFFFFFFFF  }
0xc2: {  	_ =	task.clear_ibuf [dreg:s7], $0x2FFFF;
	_ =	strace $0x9FFFFFFF  }
0xc3: {  	(tm) =	ssettm $0x7FFFFFFF  }
tec
execute0_lowered:
.L_overlay_start_1:
0x0: {  	(tag) =	ssettag $0x1  }
0x1: {  	s2 =	rddreg [dreg:$0x0]  }
0x2: {  	s0 =	srdreg.scid;
	s5 =	rddreg [dreg:$0x1]  }
0x3: {  	s9 =	stileid.u32;
	s3 =	rddreg [dreg:$0x2]  }
0x4: {  	s4 =	simm.s32 $0x0;
	s12 =	simm.s32 $0x14080;
	s14 =	simm.s32 $0x14100  }
0x5: {  	s15 =	simm.s32 $0x14880;
	[smem:$0x7FF] =	sst s4;
	s7 =	sadd.s32 $0x16800, s5  }
0x6: {  	s16 =	simm.s32 $0x14180;
	_ =	strace $0x8000004A;
	[dreg:$0x14] =	wrdreg s7  }
0x7: {  	s17 =	simm.s32 $0x14900;
	s18 =	simm.s32 $0x14200;
	[dreg:$0x6] =	wrdreg s12  }
0x8: {  	s19 =	simm.s32 $0x14980;
	s20 =	simm.s32 $0x14280;
	[dreg:$0x7] =	wrdreg s14  }
0x9: {  	s21 =	simm.s32 $0x14A00;
	s22 =	simm.s32 $0x14300;
	[dreg:$0x8] =	wrdreg s15  }
0xa: {  	s23 =	simm.s32 $0x14A80;
	s24 =	simm.s32 $0x14380;
	[dreg:$0x9] =	wrdreg s16  }
0xb: {  	s25 =	simm.s32 $0x14B00;
	s28 =	simm.s32 $0x14680;
	[dreg:$0xa] =	wrdreg s17  }
0xc: {  	s29 =	simm.s32 $0x14E00;
	s30 =	simm.s32 $0x14700;
	[dreg:$0xb] =	wrdreg s18  }
0xd: {  	s31 =	simm.s32 $0x14E80;
	s1 =	smul.u32 $0x2800, s9;
	[dreg:$0xc] =	wrdreg s19  }
0xe: {  	s0 =	sand.u32 $0x1, s0;
	s8 =	smul.u32 $0x50000, s9;
	[dreg:$0xd] =	wrdreg s20  }
0xf: {  	s13 =	sshll.u32 s9, $0x6;
	s9 =	simm.s32 $0x0;
	[dreg:$0xe] =	wrdreg s21  }
0x10: {  	s6 =	smul.u32 $0x28000, s0;
	s0 =	ssub.s32 $0x2, s0;
	[dreg:$0xf] =	wrdreg s22  }
0x11: {  	s12 =	simm.s32 $0x14800;
	s14 =	simm.s32 $0x15000;
	[dreg:$0x10] =	wrdreg s23  }
0x12: {  	s15 =	simm.s32 $0x1;
	s16 =	simm.s32 $0x19000;
	[dreg:$0x11] =	wrdreg s24  }
0x13: {  	s17 =	simm.s32 $0x2;
	[dreg:$0x12] =	wrdreg s25;
	s18 =	simm.s32 $0x14B80  }
0x14: {  	s19 =	simm.s32 $0x14480;
	s20 =	simm.s32 $0x14C00;
	s21 =	simm.s32 $0x14500  }
0x15: {  	s22 =	simm.s32 $0x14C80;
	s23 =	simm.s32 $0x14580;
	s24 =	simm.s32 $0x14D00  }
0x16: {  	s25 =	simm.s32 $0x14600;
	s26 =	sshrl.u32 s0, $0x1;
	s8 =	sshrl.u32 s8, $0x2  }
0x17: {  	s1 =	sadd.s32 s1, s6;
	s0 =	ssub.s32 s0, s26;
	s11 =	sadd.s32 s8, s3  }
0x18: {  	s26 =	simm.s32 $0x14400;
	s6 =	sshrl.u32 s1, $0x3;
	s1 =	sadd.s32 s1, s5  }
0x19: {  	s0 =	smax.u32 s0, $0x1;
	s8 =	sshrl.u32 s11, $0x3;
	[dreg:$0x13] =	wrdreg s26  }
0x1a: {  	s11 =	simm.s32 $0x14000;
	s26 =	simm.s32 $0x14D80;
	[dreg:$0x17] =	wrdreg s0  }
0x1b: {  	s6 =	sadd.s32 s6, s5;
	s1 =	sadd.s32 $0x19000, s1;
	[dreg:$0x18] =	wrdreg s8  }
0x1c: {  	s0 =	simm.s32 $0x14F00;
	s7 =	sadd.s32 $0xC800, s6;
	[dreg:$0x16] =	wrdreg s1  }
0x1d: {  	s5 =	simm.s32 $0x14F80;
	s10 =	sadd.s32 $0x2800, s6;
	[dreg:$0x4] =	wrdreg s7  }
0x1e: {  	s1 =	simm.s32 $0x14780;
	[dreg:$0x5] =	wrdreg s10;
	s7 =	sor.u32 $0x1C03, s13  }
0x1f: {  	s10 =	simm.s32 $0x3;
	s13 =	simm.s32 $0x80;
	[dreg:$0x15] =	wrdreg s7  }
.LBB2_1:
0x20: {  	[dreg:$0x19] =	wrdreg s9  }
0x21: {  	s6 =	rddreg [dreg:$0x14]  }
0x22: {  	[spmem:s8], [sflag:s7] =	dma.local [hbm:s6], $0x2800  }
0x23: {  	_ =	swait.ge [sflag:s10], $0x2800  }
0x24: {  	[sflag:s10] =	ssyncset.done $0x0  }
0x25: {  	[sflag:s10] =	ssyncadd.s32 $0xFFFFD800  }
0x26: {  	[bflag:$0x0] =	sbarrier.arrive $0xFFFF  }
0x27: {  	s9 =	rddreg [dreg:$0x5]  }
0x28: {  	s6 =	sadd.s32 $0x0, s9  }
0x29: {  	[tilespmem:s11], [sflag:$0x3] =	stream.linear.gather [hbm4b:s6+s4], $0x800, $0x38;
	[tilespmem:$0x1D000] =	vst v63  }
0x2a: {  	_ =	swait.ge [sflag:s10], $0x800  }
0x2b: {  	s7 =	rddreg [dreg:$0x4];
	[sflag:s10] =	ssyncset.done $0x0  }
0x2c: {  	[sflag:s10] =	ssyncadd.s32 $0xFFFFF800;
	s6 =	sadd.s32 $0x0, s7  }
0x2d: {  	[tilespmem:s12], [sflag:$0x3] =	stream.linear.gather [hbm4b:s6+s4], $0x800, $0x38;
	[tilespmem:$0x1D000] =	vst v63  }
0x2e: {  	_ =	swait.ge [sflag:s10], $0x800  }
0x2f: {  	[sflag:s10] =	ssyncset.done $0x0  }
0x30: {  	[sflag:s10] =	ssyncadd.s32 $0xFFFFF800  }
0x31: {  	[tilespmem:s14], [sflag:$0x1] =	stream.indirect.gather [hbm4b:s2+s13], $0x80, s11, s13, $0xb8;
	[tilespmem:$0x1D000] =	vst v63  }
0x32: {  	_ =	swait.ge [sflag:s15], $0x4000  }
0x33: {  	[sflag:s15] =	ssyncset.done $0x0  }
0x34: {  	s8 =	rddreg [dreg:$0x6];
	[sflag:s15] =	ssyncadd.s32 $0xFFFFC000  }
0x35: {  	[tilespmem:s16], [sflag:$0x2] =	stream.indirect.gather [hbm4b:s2+s13], $0x80, s8, s13, $0xb8;
	[tilespmem:$0x1D000] =	vst v63  }
0x36: {  	_ = 	snop  }
0x37: {  	[spmem:s3] =	stream.indirect.scatter.add.f32 [tilespmem:s14], [sflag:$0x3], $0x80, s12, s13, $0xb8;
	[tilespmem:$0x1D000] =	vst v63  }
0x38: {  	_ =	swait.ge [sflag:s10], $0x4000  }
0x39: {  	[sflag:s10] =	ssyncset.done $0x0  }
0x3a: {  	[sflag:s10] =	ssyncadd.s32 $0xFFFFC000  }
0x3b: {  	_ =	swait.ge [sflag:s17], $0x4000  }
0x3c: {  	[sflag:s17] =	ssyncset.done $0x0  }
0x3d: {  	s9 =	rddreg [dreg:$0x7];
	[sflag:s17] =	ssyncadd.s32 $0xFFFFC000  }
0x3e: {  	[tilespmem:s14], [sflag:$0x1] =	stream.indirect.gather [hbm4b:s2+s13], $0x80, s9, s13, $0xb8;
	[tilespmem:$0x1D000] =	vst v63  }
0x3f: {  	s7 =	rddreg [dreg:$0x8]  }
0x40: {  	[spmem:s3] =	stream.indirect.scatter.add.f32 [tilespmem:s16], [sflag:$0x3], $0x80, s7, s13, $0xb8;
	[tilespmem:$0x1D000] =	vst v63  }
0x41: {  	_ =	swait.ge [sflag:s10], $0x4000  }
0x42: {  	[sflag:s10] =	ssyncset.done $0x0  }
0x43: {  	[sflag:s10] =	ssyncadd.s32 $0xFFFFC000  }
0x44: {  	_ =	swait.ge [sflag:s15], $0x4000  }
0x45: {  	[sflag:s15] =	ssyncset.done $0x0  }
0x46: {  	s9 =	rddreg [dreg:$0x9];
	[sflag:s15] =	ssyncadd.s32 $0xFFFFC000  }
0x47: {  	[tilespmem:s16], [sflag:$0x2] =	stream.indirect.gather [hbm4b:s2+s13], $0x80, s9, s13, $0xb8;
	[tilespmem:$0x1D000] =	vst v63  }
0x48: {  	s7 =	rddreg [dreg:$0xa]  }
0x49: {  	[spmem:s3] =	stream.indirect.scatter.add.f32 [tilespmem:s14], [sflag:$0x3], $0x80, s7, s13, $0xb8;
	[tilespmem:$0x1D000] =	vst v63  }
0x4a: {  	_ =	swait.ge [sflag:s10], $0x4000  }
0x4b: {  	[sflag:s10] =	ssyncset.done $0x0  }
0x4c: {  	[sflag:s10] =	ssyncadd.s32 $0xFFFFC000  }
0x4d: {  	_ =	swait.ge [sflag:s17], $0x4000  }
0x4e: {  	[sflag:s17] =	ssyncset.done $0x0  }
0x4f: {  	s9 =	rddreg [dreg:$0xb];
	[sflag:s17] =	ssyncadd.s32 $0xFFFFC000  }
0x50: {  	[tilespmem:s14], [sflag:$0x1] =	stream.indirect.gather [hbm4b:s2+s13], $0x80, s9, s13, $0xb8;
	[tilespmem:$0x1D000] =	vst v63  }
0x51: {  	s7 =	rddreg [dreg:$0xc]  }
0x52: {  	[spmem:s3] =	stream.indirect.scatter.add.f32 [tilespmem:s16], [sflag:$0x3], $0x80, s7, s13, $0xb8;
	[tilespmem:$0x1D000] =	vst v63  }
0x53: {  	_ =	swait.ge [sflag:s10], $0x4000  }
0x54: {  	[sflag:s10] =	ssyncset.done $0x0  }
0x55: {  	[sflag:s10] =	ssyncadd.s32 $0xFFFFC000  }
0x56: {  	_ =	swait.ge [sflag:s15], $0x4000  }
0x57: {  	[sflag:s15] =	ssyncset.done $0x0  }
0x58: {  	s9 =	rddreg [dreg:$0xd];
	[sflag:s15] =	ssyncadd.s32 $0xFFFFC000  }
0x59: {  	[tilespmem:s16], [sflag:$0x2] =	stream.indirect.gather [hbm4b:s2+s13], $0x80, s9, s13, $0xb8;
	[tilespmem:$0x1D000] =	vst v63  }
0x5a: {  	s7 =	rddreg [dreg:$0xe]  }
0x5b: {  	[spmem:s3] =	stream.indirect.scatter.add.f32 [tilespmem:s14], [sflag:$0x3], $0x80, s7, s13, $0xb8;
	[tilespmem:$0x1D000] =	vst v63  }
0x5c: {  	_ =	swait.ge [sflag:s10], $0x4000  }
0x5d: {  	[sflag:s10] =	ssyncset.done $0x0  }
0x5e: {  	[sflag:s10] =	ssyncadd.s32 $0xFFFFC000  }
0x5f: {  	_ =	swait.ge [sflag:s17], $0x4000  }
0x60: {  	[sflag:s17] =	ssyncset.done $0x0  }
0x61: {  	s9 =	rddreg [dreg:$0xf];
	[sflag:s17] =	ssyncadd.s32 $0xFFFFC000  }
0x62: {  	[tilespmem:s14], [sflag:$0x1] =	stream.indirect.gather [hbm4b:s2+s13], $0x80, s9, s13, $0xb8;
	[tilespmem:$0x1D000] =	vst v63  }
0x63: {  	s7 =	rddreg [dreg:$0x10]  }
0x64: {  	[spmem:s3] =	stream.indirect.scatter.add.f32 [tilespmem:s16], [sflag:$0x3], $0x80, s7, s13, $0xb8;
	[tilespmem:$0x1D000] =	vst v63  }
0x65: {  	_ =	swait.ge [sflag:s10], $0x4000  }
0x66: {  	[sflag:s10] =	ssyncset.done $0x0  }
0x67: {  	[sflag:s10] =	ssyncadd.s32 $0xFFFFC000  }
0x68: {  	_ =	swait.ge [sflag:s15], $0x4000  }
0x69: {  	[sflag:s15] =	ssyncset.done $0x0  }
0x6a: {  	s9 =	rddreg [dreg:$0x11];
	[sflag:s15] =	ssyncadd.s32 $0xFFFFC000  }
0x6b: {  	[tilespmem:s16], [sflag:$0x2] =	stream.indirect.gather [hbm4b:s2+s13], $0x80, s9, s13, $0xb8;
	[tilespmem:$0x1D000] =	vst v63  }
0x6c: {  	s7 =	rddreg [dreg:$0x12]  }
0x6d: {  	[spmem:s3] =	stream.indirect.scatter.add.f32 [tilespmem:s14], [sflag:$0x3], $0x80, s7, s13, $0xb8;
	[tilespmem:$0x1D000] =	vst v63  }
0x6e: {  	_ =	swait.ge [sflag:s10], $0x4000  }
0x6f: {  	[sflag:s10] =	ssyncset.done $0x0  }
0x70: {  	[sflag:s10] =	ssyncadd.s32 $0xFFFFC000  }
0x71: {  	_ =	swait.ge [sflag:s17], $0x4000  }
0x72: {  	[sflag:s17] =	ssyncset.done $0x0  }
0x73: {  	s9 =	rddreg [dreg:$0x13];
	[sflag:s17] =	ssyncadd.s32 $0xFFFFC000  }
0x74: {  	[tilespmem:s14], [sflag:$0x1] =	stream.indirect.gather [hbm4b:s2+s13], $0x80, s9, s13, $0xb8;
	[tilespmem:$0x1D000] =	vst v63  }
0x75: {  	_ = 	snop  }
0x76: {  	[spmem:s3] =	stream.indirect.scatter.add.f32 [tilespmem:s16], [sflag:$0x3], $0x80, s18, s13, $0xb8;
	[tilespmem:$0x1D000] =	vst v63  }
0x77: {  	_ =	swait.ge [sflag:s10], $0x4000  }
0x78: {  	[sflag:s10] =	ssyncset.done $0x0  }
0x79: {  	[sflag:s10] =	ssyncadd.s32 $0xFFFFC000  }
0x7a: {  	_ =	swait.ge [sflag:s15], $0x4000  }
0x7b: {  	[sflag:s15] =	ssyncset.done $0x0  }
0x7c: {  	[sflag:s15] =	ssyncadd.s32 $0xFFFFC000  }
0x7d: {  	[tilespmem:s16], [sflag:$0x2] =	stream.indirect.gather [hbm4b:s2+s13], $0x80, s19, s13, $0xb8;
	[tilespmem:$0x1D000] =	vst v63  }
0x7e: {  	_ = 	snop  }
0x7f: {  	[spmem:s3] =	stream.indirect.scatter.add.f32 [tilespmem:s14], [sflag:$0x3], $0x80, s20, s13, $0xb8;
	[tilespmem:$0x1D000] =	vst v63  }
0x80: {  	_ =	swait.ge [sflag:s10], $0x4000  }
0x81: {  	[sflag:s10] =	ssyncset.done $0x0  }
0x82: {  	[sflag:s10] =	ssyncadd.s32 $0xFFFFC000  }
0x83: {  	_ =	swait.ge [sflag:s17], $0x4000  }
0x84: {  	[sflag:s17] =	ssyncset.done $0x0  }
0x85: {  	[sflag:s17] =	ssyncadd.s32 $0xFFFFC000  }
0x86: {  	[tilespmem:s14], [sflag:$0x1] =	stream.indirect.gather [hbm4b:s2+s13], $0x80, s21, s13, $0xb8;
	[tilespmem:$0x1D000] =	vst v63  }
0x87: {  	_ = 	snop  }
0x88: {  	[spmem:s3] =	stream.indirect.scatter.add.f32 [tilespmem:s16], [sflag:$0x3], $0x80, s22, s13, $0xb8;
	[tilespmem:$0x1D000] =	vst v63  }
0x89: {  	_ =	swait.ge [sflag:s10], $0x4000  }
0x8a: {  	[sflag:s10] =	ssyncset.done $0x0  }
0x8b: {  	[sflag:s10] =	ssyncadd.s32 $0xFFFFC000  }
0x8c: {  	_ =	swait.ge [sflag:s15], $0x4000  }
0x8d: {  	[sflag:s15] =	ssyncset.done $0x0  }
0x8e: {  	[sflag:s15] =	ssyncadd.s32 $0xFFFFC000  }
0x8f: {  	[tilespmem:s16], [sflag:$0x2] =	stream.indirect.gather [hbm4b:s2+s13], $0x80, s23, s13, $0xb8;
	[tilespmem:$0x1D000] =	vst v63  }
0x90: {  	_ = 	snop  }
0x91: {  	[spmem:s3] =	stream.indirect.scatter.add.f32 [tilespmem:s14], [sflag:$0x3], $0x80, s24, s13, $0xb8;
	[tilespmem:$0x1D000] =	vst v63  }
0x92: {  	_ =	swait.ge [sflag:s10], $0x4000  }
0x93: {  	[sflag:s10] =	ssyncset.done $0x0  }
0x94: {  	[sflag:s10] =	ssyncadd.s32 $0xFFFFC000  }
0x95: {  	_ =	swait.ge [sflag:s17], $0x4000  }
0x96: {  	[sflag:s17] =	ssyncset.done $0x0  }
0x97: {  	[sflag:s17] =	ssyncadd.s32 $0xFFFFC000  }
0x98: {  	[tilespmem:s14], [sflag:$0x1] =	stream.indirect.gather [hbm4b:s2+s13], $0x80, s25, s13, $0xb8;
	[tilespmem:$0x1D000] =	vst v63  }
0x99: {  	_ = 	snop  }
0x9a: {  	[spmem:s3] =	stream.indirect.scatter.add.f32 [tilespmem:s16], [sflag:$0x3], $0x80, s26, s13, $0xb8;
	[tilespmem:$0x1D000] =	vst v63  }
0x9b: {  	_ =	swait.ge [sflag:s10], $0x4000  }
0x9c: {  	[sflag:s10] =	ssyncset.done $0x0  }
0x9d: {  	[sflag:s10] =	ssyncadd.s32 $0xFFFFC000  }
0x9e: {  	_ =	swait.ge [sflag:s15], $0x4000  }
0x9f: {  	[sflag:s15] =	ssyncset.done $0x0  }
0xa0: {  	[sflag:s15] =	ssyncadd.s32 $0xFFFFC000  }
0xa1: {  	[tilespmem:s16], [sflag:$0x2] =	stream.indirect.gather [hbm4b:s2+s13], $0x80, s28, s13, $0xb8;
	[tilespmem:$0x1D000] =	vst v63  }
0xa2: {  	_ = 	snop  }
0xa3: {  	[spmem:s3] =	stream.indirect.scatter.add.f32 [tilespmem:s14], [sflag:$0x3], $0x80, s29, s13, $0xb8;
	[tilespmem:$0x1D000] =	vst v63  }
0xa4: {  	_ =	swait.ge [sflag:s10], $0x4000  }
0xa5: {  	[sflag:s10] =	ssyncset.done $0x0  }
0xa6: {  	[sflag:s10] =	ssyncadd.s32 $0xFFFFC000  }
0xa7: {  	_ =	swait.ge [sflag:s17], $0x4000  }
0xa8: {  	[sflag:s17] =	ssyncset.done $0x0  }
0xa9: {  	[sflag:s17] =	ssyncadd.s32 $0xFFFFC000  }
0xaa: {  	[tilespmem:s14], [sflag:$0x1] =	stream.indirect.gather [hbm4b:s2+s13], $0x80, s30, s13, $0xb8;
	[tilespmem:$0x1D000] =	vst v63  }
0xab: {  	_ = 	snop  }
0xac: {  	[spmem:s3] =	stream.indirect.scatter.add.f32 [tilespmem:s16], [sflag:$0x3], $0x80, s31, s13, $0xb8;
	[tilespmem:$0x1D000] =	vst v63  }
0xad: {  	_ =	swait.ge [sflag:s10], $0x4000  }
0xae: {  	[sflag:s10] =	ssyncset.done $0x0  }
0xaf: {  	[sflag:s10] =	ssyncadd.s32 $0xFFFFC000  }
0xb0: {  	_ =	swait.ge [sflag:s15], $0x4000  }
0xb1: {  	[sflag:s15] =	ssyncset.done $0x0  }
0xb2: {  	[sflag:s15] =	ssyncadd.s32 $0xFFFFC000  }
0xb3: {  	[tilespmem:s16], [sflag:$0x2] =	stream.indirect.gather [hbm4b:s2+s13], $0x80, s1, s13, $0xb8;
	[tilespmem:$0x1D000] =	vst v63  }
0xb4: {  	_ = 	snop  }
0xb5: {  	[spmem:s3] =	stream.indirect.scatter.add.f32 [tilespmem:s14], [sflag:$0x3], $0x80, s0, s13, $0xb8;
	[tilespmem:$0x1D000] =	vst v63  }
0xb6: {  	_ =	swait.ge [sflag:s10], $0x4000  }
0xb7: {  	[sflag:s10] =	ssyncset.done $0x0  }
0xb8: {  	[sflag:s10] =	ssyncadd.s32 $0xFFFFC000  }
0xb9: {  	_ =	swait.ge [sflag:s17], $0x4000  }
0xba: {  	[sflag:s17] =	ssyncset.done $0x0  }
0xbb: {  	[sflag:s17] =	ssyncadd.s32 $0xFFFFC000  }
0xbc: {  	[spmem:s3] =	stream.indirect.scatter.add.f32 [tilespmem:s16], [sflag:$0x3], $0x80, s5, s13, $0xb8;
	[tilespmem:$0x1D000] =	vst v63  }
0xbd: {  	s6 =	simm.s32 $0x200;
	_ =	swait.ge [sflag:s10], $0x4000  }
0xbe: {  	s8 =	simm.s32 $0x100;
	s9 =	rddreg [dreg:$0x5];
	[sflag:s10] =	ssyncset.done $0x0  }
.LBB2_2:
0xbf: {  	[sflag:s10] =	ssyncadd.s32 $0xFFFFC000;
	s9 =	sadd.s32 s8, s9  }
0xc0: {  	[tilespmem:s11], [sflag:$0x3] =	stream.linear.gather [hbm4b:s9+s4], $0x800, $0x38;
	[tilespmem:$0x1D000] =	vst v63  }
0xc1: {  	_ =	swait.ge [sflag:s10], $0x800  }
0xc2: {  	s9 =	rddreg [dreg:$0x4];
	[sflag:s10] =	ssyncset.done $0x0  }
0xc3: {  	[sflag:s10] =	ssyncadd.s32 $0xFFFFF800;
	s9 =	sadd.s32 s8, s9  }
0xc4: {  	[tilespmem:s12], [sflag:$0x3] =	stream.linear.gather [hbm4b:s9+s4], $0x800, $0x38;
	[tilespmem:$0x1D000] =	vst v63  }
0xc5: {  	_ =	swait.ge [sflag:s10], $0x800  }
0xc6: {  	[sflag:s10] =	ssyncset.done $0x0  }
0xc7: {  	[sflag:s10] =	ssyncadd.s32 $0xFFFFF800  }
0xc8: {  	[tilespmem:s14], [sflag:$0x1] =	stream.indirect.gather [hbm4b:s2+s13], $0x80, s11, s13, $0xb8;
	[tilespmem:$0x1D000] =	vst v63  }
0xc9: {  	_ =	swait.ge [sflag:s15], $0x4000  }
0xca: {  	[sflag:s15] =	ssyncset.done $0x0  }
0xcb: {  	s9 =	rddreg [dreg:$0x6];
	[sflag:s15] =	ssyncadd.s32 $0xFFFFC000  }
0xcc: {  	[tilespmem:s16], [sflag:$0x2] =	stream.indirect.gather [hbm4b:s2+s13], $0x80, s9, s13, $0xb8;
	[tilespmem:$0x1D000] =	vst v63  }
0xcd: {  	_ = 	snop  }
0xce: {  	[spmem:s3] =	stream.indirect.scatter.add.f32 [tilespmem:s14], [sflag:$0x3], $0x80, s12, s13, $0xb8;
	[tilespmem:$0x1D000] =	vst v63  }
0xcf: {  	_ =	swait.ge [sflag:s10], $0x4000  }
0xd0: {  	[sflag:s10] =	ssyncset.done $0x0  }
0xd1: {  	[sflag:s10] =	ssyncadd.s32 $0xFFFFC000  }
0xd2: {  	_ =	swait.ge [sflag:s17], $0x4000  }
0xd3: {  	s7 =	smov.u32 s6;
	[sflag:s17] =	ssyncset.done $0x0  }
0xd4: {  	s8 =	smov.u32 s7;
	s7 =	rddreg [dreg:$0x7];
	[sflag:s17] =	ssyncadd.s32 $0xFFFFC000  }
0xd5: {  	[tilespmem:s14], [sflag:$0x1] =	stream.indirect.gather [hbm4b:s2+s13], $0x80, s7, s13, $0xb8;
	[tilespmem:$0x1D000] =	vst v63  }
0xd6: {  	s9 =	rddreg [dreg:$0x8]  }
0xd7: {  	[spmem:s3] =	stream.indirect.scatter.add.f32 [tilespmem:s16], [sflag:$0x3], $0x80, s9, s13, $0xb8;
	[tilespmem:$0x1D000] =	vst v63  }
0xd8: {  	_ =	swait.ge [sflag:s10], $0x4000  }
0xd9: {  	[sflag:s10] =	ssyncset.done $0x0  }
0xda: {  	[sflag:s10] =	ssyncadd.s32 $0xFFFFC000  }
0xdb: {  	_ =	swait.ge [sflag:s15], $0x4000  }
0xdc: {  	[sflag:s15] =	ssyncset.done $0x0  }
0xdd: {  	s7 =	rddreg [dreg:$0x9];
	[sflag:s15] =	ssyncadd.s32 $0xFFFFC000  }
0xde: {  	[tilespmem:s16], [sflag:$0x2] =	stream.indirect.gather [hbm4b:s2+s13], $0x80, s7, s13, $0xb8;
	[tilespmem:$0x1D000] =	vst v63  }
0xdf: {  	s9 =	rddreg [dreg:$0xa]  }
0xe0: {  	[spmem:s3] =	stream.indirect.scatter.add.f32 [tilespmem:s14], [sflag:$0x3], $0x80, s9, s13, $0xb8;
	[tilespmem:$0x1D000] =	vst v63  }
0xe1: {  	_ =	swait.ge [sflag:s10], $0x4000  }
0xe2: {  	[sflag:s10] =	ssyncset.done $0x0  }
0xe3: {  	[sflag:s10] =	ssyncadd.s32 $0xFFFFC000  }
0xe4: {  	_ =	swait.ge [sflag:s17], $0x4000  }
0xe5: {  	[sflag:s17] =	ssyncset.done $0x0  }
0xe6: {  	s7 =	rddreg [dreg:$0xb];
	[sflag:s17] =	ssyncadd.s32 $0xFFFFC000  }
0xe7: {  	[tilespmem:s14], [sflag:$0x1] =	stream.indirect.gather [hbm4b:s2+s13], $0x80, s7, s13, $0xb8;
	[tilespmem:$0x1D000] =	vst v63  }
0xe8: {  	s9 =	rddreg [dreg:$0xc]  }
0xe9: {  	[spmem:s3] =	stream.indirect.scatter.add.f32 [tilespmem:s16], [sflag:$0x3], $0x80, s9, s13, $0xb8;
	[tilespmem:$0x1D000] =	vst v63  }
0xea: {  	_ =	swait.ge [sflag:s10], $0x4000  }
0xeb: {  	[sflag:s10] =	ssyncset.done $0x0  }
0xec: {  	[sflag:s10] =	ssyncadd.s32 $0xFFFFC000  }
0xed: {  	_ =	swait.ge [sflag:s15], $0x4000  }
0xee: {  	[sflag:s15] =	ssyncset.done $0x0  }
0xef: {  	s7 =	rddreg [dreg:$0xd];
	[sflag:s15] =	ssyncadd.s32 $0xFFFFC000  }
0xf0: {  	[tilespmem:s16], [sflag:$0x2] =	stream.indirect.gather [hbm4b:s2+s13], $0x80, s7, s13, $0xb8;
	[tilespmem:$0x1D000] =	vst v63  }
0xf1: {  	s9 =	rddreg [dreg:$0xe]  }
0xf2: {  	[spmem:s3] =	stream.indirect.scatter.add.f32 [tilespmem:s14], [sflag:$0x3], $0x80, s9, s13, $0xb8;
	[tilespmem:$0x1D000] =	vst v63  }
0xf3: {  	_ =	swait.ge [sflag:s10], $0x4000  }
0xf4: {  	[sflag:s10] =	ssyncset.done $0x0  }
0xf5: {  	[sflag:s10] =	ssyncadd.s32 $0xFFFFC000  }
0xf6: {  	_ =	swait.ge [sflag:s17], $0x4000  }
0xf7: {  	[sflag:s17] =	ssyncset.done $0x0  }
0xf8: {  	s7 =	rddreg [dreg:$0xf];
	[sflag:s17] =	ssyncadd.s32 $0xFFFFC000  }
0xf9: {  	[tilespmem:s14], [sflag:$0x1] =	stream.indirect.gather [hbm4b:s2+s13], $0x80, s7, s13, $0xb8;
	[tilespmem:$0x1D000] =	vst v63  }
0xfa: {  	s9 =	rddreg [dreg:$0x10]  }
0xfb: {  	[spmem:s3] =	stream.indirect.scatter.add.f32 [tilespmem:s16], [sflag:$0x3], $0x80, s9, s13, $0xb8;
	[tilespmem:$0x1D000] =	vst v63  }
0xfc: {  	_ =	swait.ge [sflag:s10], $0x4000  }
0xfd: {  	[sflag:s10] =	ssyncset.done $0x0  }
0xfe: {  	[sflag:s10] =	ssyncadd.s32 $0xFFFFC000  }
0xff: {  	_ =	swait.ge [sflag:s15], $0x4000  }
0x100: {  	[sflag:s15] =	ssyncset.done $0x0  }
0x101: {  	s7 =	rddreg [dreg:$0x11];
	[sflag:s15] =	ssyncadd.s32 $0xFFFFC000  }
0x102: {  	[tilespmem:s16], [sflag:$0x2] =	stream.indirect.gather [hbm4b:s2+s13], $0x80, s7, s13, $0xb8;
	[tilespmem:$0x1D000] =	vst v63  }
0x103: {  	s9 =	rddreg [dreg:$0x12]  }
0x104: {  	[spmem:s3] =	stream.indirect.scatter.add.f32 [tilespmem:s14], [sflag:$0x3], $0x80, s9, s13, $0xb8;
	[tilespmem:$0x1D000] =	vst v63  }
0x105: {  	_ =	swait.ge [sflag:s10], $0x4000  }
0x106: {  	[sflag:s10] =	ssyncset.done $0x0  }
0x107: {  	[sflag:s10] =	ssyncadd.s32 $0xFFFFC000  }
0x108: {  	_ =	swait.ge [sflag:s17], $0x4000  }
0x109: {  	[sflag:s17] =	ssyncset.done $0x0  }
0x10a: {  	s9 =	rddreg [dreg:$0x13];
	[sflag:s17] =	ssyncadd.s32 $0xFFFFC000  }
0x10b: {  	[tilespmem:s14], [sflag:$0x1] =	stream.indirect.gather [hbm4b:s2+s13], $0x80, s9, s13, $0xb8;
	[tilespmem:$0x1D000] =	vst v63  }
0x10c: {  	_ = 	snop  }
0x10d: {  	[spmem:s3] =	stream.indirect.scatter.add.f32 [tilespmem:s16], [sflag:$0x3], $0x80, s18, s13, $0xb8;
	[tilespmem:$0x1D000] =	vst v63  }
0x10e: {  	_ =	swait.ge [sflag:s10], $0x4000  }
0x10f: {  	[sflag:s10] =	ssyncset.done $0x0  }
0x110: {  	[sflag:s10] =	ssyncadd.s32 $0xFFFFC000  }
0x111: {  	_ =	swait.ge [sflag:s15], $0x4000  }
0x112: {  	[sflag:s15] =	ssyncset.done $0x0  }
0x113: {  	[sflag:s15] =	ssyncadd.s32 $0xFFFFC000  }
0x114: {  	[tilespmem:s16], [sflag:$0x2] =	stream.indirect.gather [hbm4b:s2+s13], $0x80, s19, s13, $0xb8;
	[tilespmem:$0x1D000] =	vst v63  }
0x115: {  	_ = 	snop  }
0x116: {  	[spmem:s3] =	stream.indirect.scatter.add.f32 [tilespmem:s14], [sflag:$0x3], $0x80, s20, s13, $0xb8;
	[tilespmem:$0x1D000] =	vst v63  }
0x117: {  	_ =	swait.ge [sflag:s10], $0x4000  }
0x118: {  	[sflag:s10] =	ssyncset.done $0x0  }
0x119: {  	[sflag:s10] =	ssyncadd.s32 $0xFFFFC000  }
0x11a: {  	_ =	swait.ge [sflag:s17], $0x4000  }
0x11b: {  	[sflag:s17] =	ssyncset.done $0x0  }
0x11c: {  	[sflag:s17] =	ssyncadd.s32 $0xFFFFC000  }
0x11d: {  	[tilespmem:s14], [sflag:$0x1] =	stream.indirect.gather [hbm4b:s2+s13], $0x80, s21, s13, $0xb8;
	[tilespmem:$0x1D000] =	vst v63  }
0x11e: {  	_ = 	snop  }
0x11f: {  	[spmem:s3] =	stream.indirect.scatter.add.f32 [tilespmem:s16], [sflag:$0x3], $0x80, s22, s13, $0xb8;
	[tilespmem:$0x1D000] =	vst v63  }
0x120: {  	_ =	swait.ge [sflag:s10], $0x4000  }
0x121: {  	[sflag:s10] =	ssyncset.done $0x0  }
0x122: {  	[sflag:s10] =	ssyncadd.s32 $0xFFFFC000  }
0x123: {  	_ =	swait.ge [sflag:s15], $0x4000  }
0x124: {  	[sflag:s15] =	ssyncset.done $0x0  }
0x125: {  	[sflag:s15] =	ssyncadd.s32 $0xFFFFC000  }
0x126: {  	[tilespmem:s16], [sflag:$0x2] =	stream.indirect.gather [hbm4b:s2+s13], $0x80, s23, s13, $0xb8;
	[tilespmem:$0x1D000] =	vst v63  }
0x127: {  	_ = 	snop  }
0x128: {  	[spmem:s3] =	stream.indirect.scatter.add.f32 [tilespmem:s14], [sflag:$0x3], $0x80, s24, s13, $0xb8;
	[tilespmem:$0x1D000] =	vst v63  }
0x129: {  	_ =	swait.ge [sflag:s10], $0x4000  }
0x12a: {  	[sflag:s10] =	ssyncset.done $0x0  }
0x12b: {  	[sflag:s10] =	ssyncadd.s32 $0xFFFFC000  }
0x12c: {  	_ =	swait.ge [sflag:s17], $0x4000  }
0x12d: {  	[sflag:s17] =	ssyncset.done $0x0  }
0x12e: {  	[sflag:s17] =	ssyncadd.s32 $0xFFFFC000  }
0x12f: {  	[tilespmem:s14], [sflag:$0x1] =	stream.indirect.gather [hbm4b:s2+s13], $0x80, s25, s13, $0xb8;
	[tilespmem:$0x1D000] =	vst v63  }
0x130: {  	_ = 	snop  }
0x131: {  	[spmem:s3] =	stream.indirect.scatter.add.f32 [tilespmem:s16], [sflag:$0x3], $0x80, s26, s13, $0xb8;
	[tilespmem:$0x1D000] =	vst v63  }
0x132: {  	_ =	swait.ge [sflag:s10], $0x4000  }
0x133: {  	[sflag:s10] =	ssyncset.done $0x0  }
0x134: {  	[sflag:s10] =	ssyncadd.s32 $0xFFFFC000  }
0x135: {  	_ =	swait.ge [sflag:s15], $0x4000  }
0x136: {  	[sflag:s15] =	ssyncset.done $0x0  }
0x137: {  	[sflag:s15] =	ssyncadd.s32 $0xFFFFC000  }
0x138: {  	[tilespmem:s16], [sflag:$0x2] =	stream.indirect.gather [hbm4b:s2+s13], $0x80, s28, s13, $0xb8;
	[tilespmem:$0x1D000] =	vst v63  }
0x139: {  	_ = 	snop  }
0x13a: {  	[spmem:s3] =	stream.indirect.scatter.add.f32 [tilespmem:s14], [sflag:$0x3], $0x80, s29, s13, $0xb8;
	[tilespmem:$0x1D000] =	vst v63  }
0x13b: {  	_ =	swait.ge [sflag:s10], $0x4000  }
0x13c: {  	[sflag:s10] =	ssyncset.done $0x0  }
0x13d: {  	[sflag:s10] =	ssyncadd.s32 $0xFFFFC000  }
0x13e: {  	_ =	swait.ge [sflag:s17], $0x4000  }
0x13f: {  	[sflag:s17] =	ssyncset.done $0x0  }
0x140: {  	[sflag:s17] =	ssyncadd.s32 $0xFFFFC000  }
0x141: {  	[tilespmem:s14], [sflag:$0x1] =	stream.indirect.gather [hbm4b:s2+s13], $0x80, s30, s13, $0xb8;
	[tilespmem:$0x1D000] =	vst v63  }
0x142: {  	_ = 	snop  }
0x143: {  	[spmem:s3] =	stream.indirect.scatter.add.f32 [tilespmem:s16], [sflag:$0x3], $0x80, s31, s13, $0xb8;
	[tilespmem:$0x1D000] =	vst v63  }
0x144: {  	_ =	swait.ge [sflag:s10], $0x4000  }
0x145: {  	[sflag:s10] =	ssyncset.done $0x0  }
0x146: {  	[sflag:s10] =	ssyncadd.s32 $0xFFFFC000  }
0x147: {  	_ =	swait.ge [sflag:s15], $0x4000  }
0x148: {  	[sflag:s15] =	ssyncset.done $0x0  }
0x149: {  	[sflag:s15] =	ssyncadd.s32 $0xFFFFC000  }
0x14a: {  	[tilespmem:s16], [sflag:$0x2] =	stream.indirect.gather [hbm4b:s2+s13], $0x80, s1, s13, $0xb8;
	[tilespmem:$0x1D000] =	vst v63  }
0x14b: {  	_ = 	snop  }
0x14c: {  	[spmem:s3] =	stream.indirect.scatter.add.f32 [tilespmem:s14], [sflag:$0x3], $0x80, s0, s13, $0xb8;
	[tilespmem:$0x1D000] =	vst v63  }
0x14d: {  	_ =	swait.ge [sflag:s10], $0x4000  }
0x14e: {  	[sflag:s10] =	ssyncset.done $0x0  }
0x14f: {  	[sflag:s10] =	ssyncadd.s32 $0xFFFFC000  }
0x150: {  	p0 =	sne.s32 s6, $0x400;
	_ =	swait.ge [sflag:s17], $0x4000  }
.Ltmp0:
0x151: {  	[sflag:s17] =	ssyncset.done $0x0;
	(pc) =	sbr.rel @p0 .LBB2_2-.Ltmp0, $4  }
0x152: {  	[sflag:s17] =	ssyncadd.s32 $0xFFFFC000  }
0x153: {  	[spmem:s3] =	stream.indirect.scatter.add.f32 [tilespmem:s16], [sflag:$0x3], $0x80, s5, s13, $0xb8;
	[tilespmem:$0x1D000] =	vst v63  }
0x154: {  	_ =	swait.ge [sflag:s10], $0x4000  }
0x155: {  	s6 =	sadd.s32 $0x100, s6;
	s9 =	rddreg [dreg:$0x5];
	[sflag:s10] =	ssyncset.done $0x0  }
0x156: {  	[sflag:s10] =	ssyncadd.s32 $0xFFFFC000;
	s6 =	sadd.s32 s8, s9  }
0x157: {  	[tilespmem:s11], [sflag:$0x3] =	stream.linear.gather [hbm4b:s6+s4], $0x800, $0x38;
	[tilespmem:$0x1D000] =	vst v63  }
0x158: {  	_ =	swait.ge [sflag:s10], $0x800  }
0x159: {  	s7 =	rddreg [dreg:$0x4];
	[sflag:s10] =	ssyncset.done $0x0  }
0x15a: {  	[sflag:s10] =	ssyncadd.s32 $0xFFFFF800;
	s6 =	sadd.s32 s8, s7  }
0x15b: {  	[tilespmem:s12], [sflag:$0x3] =	stream.linear.gather [hbm4b:s6+s4], $0x800, $0x38;
	[tilespmem:$0x1D000] =	vst v63  }
0x15c: {  	_ =	swait.ge [sflag:s10], $0x800  }
0x15d: {  	[sflag:s10] =	ssyncset.done $0x0  }
0x15e: {  	[sflag:s10] =	ssyncadd.s32 $0xFFFFF800  }
0x15f: {  	[tilespmem:s14], [sflag:$0x1] =	stream.indirect.gather [hbm4b:s2+s13], $0x80, s11, s13, $0xb8;
	[tilespmem:$0x1D000] =	vst v63  }
0x160: {  	_ =	swait.ge [sflag:s15], $0x4000  }
0x161: {  	[sflag:s15] =	ssyncset.done $0x0  }
0x162: {  	s8 =	rddreg [dreg:$0x6];
	[sflag:s15] =	ssyncadd.s32 $0xFFFFC000  }
0x163: {  	[tilespmem:s16], [sflag:$0x2] =	stream.indirect.gather [hbm4b:s2+s13], $0x80, s8, s13, $0xb8;
	[tilespmem:$0x1D000] =	vst v63  }
0x164: {  	_ = 	snop  }
0x165: {  	[spmem:s3] =	stream.indirect.scatter.add.f32 [tilespmem:s14], [sflag:$0x3], $0x80, s12, s13, $0xb8;
	[tilespmem:$0x1D000] =	vst v63  }
0x166: {  	_ =	swait.ge [sflag:s10], $0x4000  }
0x167: {  	[sflag:s10] =	ssyncset.done $0x0  }
0x168: {  	[sflag:s10] =	ssyncadd.s32 $0xFFFFC000  }
0x169: {  	_ =	swait.ge [sflag:s17], $0x4000  }
0x16a: {  	[sflag:s17] =	ssyncset.done $0x0  }
0x16b: {  	s9 =	rddreg [dreg:$0x7];
	[sflag:s17] =	ssyncadd.s32 $0xFFFFC000  }
0x16c: {  	[tilespmem:s14], [sflag:$0x1] =	stream.indirect.gather [hbm4b:s2+s13], $0x80, s9, s13, $0xb8;
	[tilespmem:$0x1D000] =	vst v63  }
0x16d: {  	s7 =	rddreg [dreg:$0x8]  }
0x16e: {  	[spmem:s3] =	stream.indirect.scatter.add.f32 [tilespmem:s16], [sflag:$0x3], $0x80, s7, s13, $0xb8;
	[tilespmem:$0x1D000] =	vst v63  }
0x16f: {  	_ =	swait.ge [sflag:s10], $0x4000  }
0x170: {  	[sflag:s10] =	ssyncset.done $0x0  }
0x171: {  	[sflag:s10] =	ssyncadd.s32 $0xFFFFC000  }
0x172: {  	_ =	swait.ge [sflag:s15], $0x4000  }
0x173: {  	[sflag:s15] =	ssyncset.done $0x0  }
0x174: {  	s8 =	rddreg [dreg:$0x9];
	[sflag:s15] =	ssyncadd.s32 $0xFFFFC000  }
0x175: {  	[tilespmem:s16], [sflag:$0x2] =	stream.indirect.gather [hbm4b:s2+s13], $0x80, s8, s13, $0xb8;
	[tilespmem:$0x1D000] =	vst v63  }
0x176: {  	s9 =	rddreg [dreg:$0xa]  }
0x177: {  	[spmem:s3] =	stream.indirect.scatter.add.f32 [tilespmem:s14], [sflag:$0x3], $0x80, s9, s13, $0xb8;
	[tilespmem:$0x1D000] =	vst v63  }
0x178: {  	_ =	swait.ge [sflag:s10], $0x4000  }
0x179: {  	[sflag:s10] =	ssyncset.done $0x0  }
0x17a: {  	[sflag:s10] =	ssyncadd.s32 $0xFFFFC000  }
0x17b: {  	_ =	swait.ge [sflag:s17], $0x4000  }
0x17c: {  	[sflag:s17] =	ssyncset.done $0x0  }
0x17d: {  	s8 =	rddreg [dreg:$0xb];
	[sflag:s17] =	ssyncadd.s32 $0xFFFFC000  }
0x17e: {  	[tilespmem:s14], [sflag:$0x1] =	stream.indirect.gather [hbm4b:s2+s13], $0x80, s8, s13, $0xb8;
	[tilespmem:$0x1D000] =	vst v63  }
0x17f: {  	s9 =	rddreg [dreg:$0xc]  }
0x180: {  	[spmem:s3] =	stream.indirect.scatter.add.f32 [tilespmem:s16], [sflag:$0x3], $0x80, s9, s13, $0xb8;
	[tilespmem:$0x1D000] =	vst v63  }
0x181: {  	_ =	swait.ge [sflag:s10], $0x4000  }
0x182: {  	[sflag:s10] =	ssyncset.done $0x0  }
0x183: {  	[sflag:s10] =	ssyncadd.s32 $0xFFFFC000  }
0x184: {  	_ =	swait.ge [sflag:s15], $0x4000  }
0x185: {  	[sflag:s15] =	ssyncset.done $0x0  }
0x186: {  	s8 =	rddreg [dreg:$0xd];
	[sflag:s15] =	ssyncadd.s32 $0xFFFFC000  }
0x187: {  	[tilespmem:s16], [sflag:$0x2] =	stream.indirect.gather [hbm4b:s2+s13], $0x80, s8, s13, $0xb8;
	[tilespmem:$0x1D000] =	vst v63  }
0x188: {  	s9 =	rddreg [dreg:$0xe]  }
0x189: {  	[spmem:s3] =	stream.indirect.scatter.add.f32 [tilespmem:s14], [sflag:$0x3], $0x80, s9, s13, $0xb8;
	[tilespmem:$0x1D000] =	vst v63  }
0x18a: {  	_ =	swait.ge [sflag:s10], $0x4000  }
0x18b: {  	[sflag:s10] =	ssyncset.done $0x0  }
0x18c: {  	[sflag:s10] =	ssyncadd.s32 $0xFFFFC000  }
0x18d: {  	_ =	swait.ge [sflag:s17], $0x4000  }
0x18e: {  	[sflag:s17] =	ssyncset.done $0x0  }
0x18f: {  	s8 =	rddreg [dreg:$0xf];
	[sflag:s17] =	ssyncadd.s32 $0xFFFFC000  }
0x190: {  	[tilespmem:s14], [sflag:$0x1] =	stream.indirect.gather [hbm4b:s2+s13], $0x80, s8, s13, $0xb8;
	[tilespmem:$0x1D000] =	vst v63  }
0x191: {  	s9 =	rddreg [dreg:$0x10]  }
0x192: {  	[spmem:s3] =	stream.indirect.scatter.add.f32 [tilespmem:s16], [sflag:$0x3], $0x80, s9, s13, $0xb8;
	[tilespmem:$0x1D000] =	vst v63  }
0x193: {  	_ =	swait.ge [sflag:s10], $0x4000  }
0x194: {  	[sflag:s10] =	ssyncset.done $0x0  }
0x195: {  	[sflag:s10] =	ssyncadd.s32 $0xFFFFC000  }
0x196: {  	_ =	swait.ge [sflag:s15], $0x4000  }
0x197: {  	[sflag:s15] =	ssyncset.done $0x0  }
0x198: {  	s8 =	rddreg [dreg:$0x11];
	[sflag:s15] =	ssyncadd.s32 $0xFFFFC000  }
0x199: {  	[tilespmem:s16], [sflag:$0x2] =	stream.indirect.gather [hbm4b:s2+s13], $0x80, s8, s13, $0xb8;
	[tilespmem:$0x1D000] =	vst v63  }
0x19a: {  	s9 =	rddreg [dreg:$0x12]  }
0x19b: {  	[spmem:s3] =	stream.indirect.scatter.add.f32 [tilespmem:s14], [sflag:$0x3], $0x80, s9, s13, $0xb8;
	[tilespmem:$0x1D000] =	vst v63  }
0x19c: {  	_ =	swait.ge [sflag:s10], $0x4000  }
0x19d: {  	[sflag:s10] =	ssyncset.done $0x0  }
0x19e: {  	[sflag:s10] =	ssyncadd.s32 $0xFFFFC000  }
0x19f: {  	_ =	swait.ge [sflag:s17], $0x4000  }
0x1a0: {  	[sflag:s17] =	ssyncset.done $0x0  }
0x1a1: {  	s8 =	rddreg [dreg:$0x13];
	[sflag:s17] =	ssyncadd.s32 $0xFFFFC000  }
0x1a2: {  	[tilespmem:s14], [sflag:$0x1] =	stream.indirect.gather [hbm4b:s2+s13], $0x80, s8, s13, $0xb8;
	[tilespmem:$0x1D000] =	vst v63  }
0x1a3: {  	_ = 	snop  }
0x1a4: {  	[spmem:s3] =	stream.indirect.scatter.add.f32 [tilespmem:s16], [sflag:$0x3], $0x80, s18, s13, $0xb8;
	[tilespmem:$0x1D000] =	vst v63  }
0x1a5: {  	_ =	swait.ge [sflag:s10], $0x4000  }
0x1a6: {  	[sflag:s10] =	ssyncset.done $0x0  }
0x1a7: {  	[sflag:s10] =	ssyncadd.s32 $0xFFFFC000  }
0x1a8: {  	_ =	swait.ge [sflag:s15], $0x4000  }
0x1a9: {  	[sflag:s15] =	ssyncset.done $0x0  }
0x1aa: {  	[sflag:s15] =	ssyncadd.s32 $0xFFFFC000  }
0x1ab: {  	[tilespmem:s16], [sflag:$0x2] =	stream.indirect.gather [hbm4b:s2+s13], $0x80, s19, s13, $0xb8;
	[tilespmem:$0x1D000] =	vst v63  }
0x1ac: {  	_ = 	snop  }
0x1ad: {  	[spmem:s3] =	stream.indirect.scatter.add.f32 [tilespmem:s14], [sflag:$0x3], $0x80, s20, s13, $0xb8;
	[tilespmem:$0x1D000] =	vst v63  }
0x1ae: {  	_ =	swait.ge [sflag:s10], $0x4000  }
0x1af: {  	[sflag:s10] =	ssyncset.done $0x0  }
0x1b0: {  	[sflag:s10] =	ssyncadd.s32 $0xFFFFC000  }
0x1b1: {  	_ =	swait.ge [sflag:s17], $0x4000  }
0x1b2: {  	[sflag:s17] =	ssyncset.done $0x0  }
0x1b3: {  	[sflag:s17] =	ssyncadd.s32 $0xFFFFC000  }
0x1b4: {  	[tilespmem:s14], [sflag:$0x1] =	stream.indirect.gather [hbm4b:s2+s13], $0x80, s21, s13, $0xb8;
	[tilespmem:$0x1D000] =	vst v63  }
0x1b5: {  	_ = 	snop  }
0x1b6: {  	[spmem:s3] =	stream.indirect.scatter.add.f32 [tilespmem:s16], [sflag:$0x3], $0x80, s22, s13, $0xb8;
	[tilespmem:$0x1D000] =	vst v63  }
0x1b7: {  	_ =	swait.ge [sflag:s10], $0x4000  }
0x1b8: {  	[sflag:s10] =	ssyncset.done $0x0  }
0x1b9: {  	[sflag:s10] =	ssyncadd.s32 $0xFFFFC000  }
0x1ba: {  	_ =	swait.ge [sflag:s15], $0x4000  }
0x1bb: {  	[sflag:s15] =	ssyncset.done $0x0  }
0x1bc: {  	[sflag:s15] =	ssyncadd.s32 $0xFFFFC000  }
0x1bd: {  	[tilespmem:s16], [sflag:$0x2] =	stream.indirect.gather [hbm4b:s2+s13], $0x80, s23, s13, $0xb8;
	[tilespmem:$0x1D000] =	vst v63  }
0x1be: {  	_ = 	snop  }
0x1bf: {  	[spmem:s3] =	stream.indirect.scatter.add.f32 [tilespmem:s14], [sflag:$0x3], $0x80, s24, s13, $0xb8;
	[tilespmem:$0x1D000] =	vst v63  }
0x1c0: {  	_ =	swait.ge [sflag:s10], $0x4000  }
0x1c1: {  	[sflag:s10] =	ssyncset.done $0x0  }
0x1c2: {  	[sflag:s10] =	ssyncadd.s32 $0xFFFFC000  }
0x1c3: {  	_ =	swait.ge [sflag:s17], $0x4000  }
0x1c4: {  	[sflag:s17] =	ssyncset.done $0x0  }
0x1c5: {  	[sflag:s17] =	ssyncadd.s32 $0xFFFFC000  }
0x1c6: {  	[tilespmem:s14], [sflag:$0x1] =	stream.indirect.gather [hbm4b:s2+s13], $0x80, s25, s13, $0xb8;
	[tilespmem:$0x1D000] =	vst v63  }
0x1c7: {  	_ = 	snop  }
0x1c8: {  	[spmem:s3] =	stream.indirect.scatter.add.f32 [tilespmem:s16], [sflag:$0x3], $0x80, s26, s13, $0xb8;
	[tilespmem:$0x1D000] =	vst v63  }
0x1c9: {  	_ =	swait.ge [sflag:s10], $0x4000  }
0x1ca: {  	[sflag:s10] =	ssyncset.done $0x0  }
0x1cb: {  	[sflag:s10] =	ssyncadd.s32 $0xFFFFC000  }
0x1cc: {  	_ =	swait.ge [sflag:s15], $0x4000  }
0x1cd: {  	[sflag:s15] =	ssyncset.done $0x0  }
0x1ce: {  	[sflag:s15] =	ssyncadd.s32 $0xFFFFC000  }
0x1cf: {  	[tilespmem:s16], [sflag:$0x2] =	stream.indirect.gather [hbm4b:s2+s13], $0x80, s28, s13, $0xb8;
	[tilespmem:$0x1D000] =	vst v63  }
0x1d0: {  	_ = 	snop  }
0x1d1: {  	[spmem:s3] =	stream.indirect.scatter.add.f32 [tilespmem:s14], [sflag:$0x3], $0x80, s29, s13, $0xb8;
	[tilespmem:$0x1D000] =	vst v63  }
0x1d2: {  	_ =	swait.ge [sflag:s10], $0x4000  }
0x1d3: {  	[sflag:s10] =	ssyncset.done $0x0  }
0x1d4: {  	[sflag:s10] =	ssyncadd.s32 $0xFFFFC000  }
0x1d5: {  	_ =	swait.ge [sflag:s17], $0x4000  }
0x1d6: {  	[sflag:s17] =	ssyncset.done $0x0  }
0x1d7: {  	[sflag:s17] =	ssyncadd.s32 $0xFFFFC000  }
0x1d8: {  	[tilespmem:s14], [sflag:$0x1] =	stream.indirect.gather [hbm4b:s2+s13], $0x80, s30, s13, $0xb8;
	[tilespmem:$0x1D000] =	vst v63  }
0x1d9: {  	_ = 	snop  }
0x1da: {  	[spmem:s3] =	stream.indirect.scatter.add.f32 [tilespmem:s16], [sflag:$0x3], $0x80, s31, s13, $0xb8;
	[tilespmem:$0x1D000] =	vst v63  }
0x1db: {  	_ =	swait.ge [sflag:s10], $0x4000  }
0x1dc: {  	[sflag:s10] =	ssyncset.done $0x0  }
0x1dd: {  	[sflag:s10] =	ssyncadd.s32 $0xFFFFC000  }
0x1de: {  	_ =	swait.ge [sflag:s15], $0x4000  }
0x1df: {  	[sflag:s15] =	ssyncset.done $0x0  }
0x1e0: {  	[sflag:s15] =	ssyncadd.s32 $0xFFFFC000  }
0x1e1: {  	[tilespmem:s16], [sflag:$0x2] =	stream.indirect.gather [hbm4b:s2+s13], $0x80, s1, s13, $0xb8;
	[tilespmem:$0x1D000] =	vst v63  }
0x1e2: {  	_ = 	snop  }
0x1e3: {  	[spmem:s3] =	stream.indirect.scatter.add.f32 [tilespmem:s14], [sflag:$0x3], $0x80, s0, s13, $0xb8;
	[tilespmem:$0x1D000] =	vst v63  }
0x1e4: {  	_ =	swait.ge [sflag:s10], $0x4000  }
0x1e5: {  	[sflag:s10] =	ssyncset.done $0x0  }
0x1e6: {  	[sflag:s10] =	ssyncadd.s32 $0xFFFFC000  }
0x1e7: {  	_ =	swait.ge [sflag:s17], $0x4000  }
0x1e8: {  	[sflag:s17] =	ssyncset.done $0x0  }
0x1e9: {  	[sflag:s17] =	ssyncadd.s32 $0xFFFFC000  }
0x1ea: {  	[spmem:s3] =	stream.indirect.scatter.add.f32 [tilespmem:s16], [sflag:$0x3], $0x80, s5, s13, $0xb8;
	[tilespmem:$0x1D000] =	vst v63  }
0x1eb: {  	_ =	swait.ge [sflag:s10], $0x4000  }
0x1ec: {  	[sflag:s10] =	ssyncset.done $0x0  }
0x1ed: {  	[sflag:s10] =	ssyncadd.s32 $0xFFFFC000  }
0x1ee: {  	[bflag:$0x0] =	sbarrier.arrive $0xFFFF  }
0x1ef: {  	s7 =	rddreg [dreg:$0x15]  }
0x1f0: {  	s9 =	rddreg [dreg:$0x16]  }
0x1f1: {  	s8 =	rddreg [dreg:$0x18]  }
0x1f2: {  	[hbm:s9], [sflag:s7] =	dma.local [spmem:s8], $0x2800  }
0x1f3: {  	_ =	swait.ge [sflag:s10], $0x2800  }
0x1f4: {  	s6 =	rddreg [dreg:$0x19]  }
0x1f5: {  	s9 =	sadd.s32 $0x1, s6;
	s6 =	rddreg [dreg:$0x17]  }
0x1f6: {  	p0 =	sne.s32 s9, s6  }
.Ltmp1:
0x1f7: {  	_ = 	snop;
	(pc) =	sbr.rel @p0 .LBB2_1-.Ltmp1, $3  }
0x1f8: {  	_ =	sdelay $0x1  }
0x1f9: {  	[sflag:s10] =	ssyncset.done $0x0  }
0x1fa: {  	[sflag:s10] =	ssyncadd.s32 $0xFFFFD800  }
0x1fb: {  	_ =	sfence.sel $0x180000  }
0x1fc: {  	[bflag:$0x0] =	sbarrier.arrive $0xFFFF  }
0x1fd: {  	_ =	strace $0x9000004A  }
0x1fe: {  	s0 =	stileid.u32;
	[bflag:$0x2] =	sbarrier.arrive $0xFFFF  }
0x1ff: {  	p0 =	sne.s32 s0, $0x0;
	s0 =	rddreg [dreg:$0x3]  }
0x200: {  	s0 =	sadd.s32 @!p0 $0x100000, s0  }
0x201: {  	[sflag:s0] =	ssyncadd.tile.s32 @!p0 $0x1;
	_ =	shalt  }
.Lfunc_end2:
_tile_overlayer_lowered:
.L_overlay_start_2:
0x202: {  	(tag) =	ssettag $0x2  }
0x203: {  	s0 =	rddreg [dreg:$0x0];
	s2 =	stileid.u32  }
0x204: {  	s1 =	rddreg [dreg:$0x1];
	p0 =	sne.s32 s2, $0x0  }
0x205: {  	s3 =	rddreg [dreg:$0x2];
	[bflag:$0x3] =	sbarrier.arrive $0xFFFF;
	s2 =	simm.s32 @!p0 $0x1C03  }
0x206: {  	[timem:s3], [sflag:s2] =	dma.local @!p0 [hbm:s0], s1  }
0x207: {  	s0 =	simm.s32 @!p0 $0x3  }
0x208: {  	_ =	swait.ge @!p0 [sflag:s0], s1  }
0x209: {  	s1 =	ssub.s32 @!p0 $0x0, s1;
	[sflag:s0] =	ssyncset.done @!p0 $0x0  }
0x20a: {  	[sflag:s0] =	ssyncadd.s32 @!p0 s1  }
0x20b: {  	[bflag:$0x3] =	sbarrier.arrive $0xFFFF  }
0x20c: {  	_ =	shalt  }

// kernel: kernel.7.cloned.1.call-start
scs
__scs_entry_jumppad:
0x0: {  	(pc) =	sbr.rel $0x88, $3  }
0x1: {  	(tag) =	ssettag $0x0;
	lr =	simm.s32 $0x1  }
0x2: {  	[smem:$0x3F97] =	sst lr;
	_ =	strace $0xD0000000  }
0x3: {  	_ = 	snop  }
0x4: {  	_ = 	snop  }
0x5: {  	_ = 	snop  }
0x6: {  	_ = 	snop  }
0x7: {  	_ = 	snop  }
__scs_overlays_trampoline_lowered:
0x8: {  	[smem:$0x3FA6] =	sst s0  }
0x9: {  	[smem:$0x3FA7] =	sst s1  }
0xa: {  	[smem:$0x3FA8] =	sst s2  }
0xb: {  	[smem:$0x3FA9] =	sst s3  }
0xc: {  	[smem:$0x3FAA] =	sst s4  }
0xd: {  	[smem:$0x3FAB] =	sst s5  }
0xe: {  	[smem:$0x3FAC] =	sst s6  }
0xf: {  	[smem:$0x3FAD] =	sst s7  }
0x10: {  	[smem:$0x3FAE] =	sst s8  }
0x11: {  	[smem:$0x3FAF] =	sst s9;
	s0 =	simm.s32 @!p0 $0x0  }
0x12: {  	s1 =	sld [smem:$0x3F95];
	s0 =	simm.s32 @p0 $0x1  }
0x13: {  	[smem:$0x3FB0] =	sst s0;
	s0 =	simm.s32 @!p1 $0x0  }
0x14: {  	s2 =	sld [smem:$0x3F94];
	s0 =	simm.s32 @p1 $0x1  }
0x15: {  	[smem:$0x3FB1] =	sst s0;
	s0 =	simm.s32 @!p2 $0x0  }
0x16: {  	s3 =	sld [smem:$0x3FDB];
	s0 =	simm.s32 @p2 $0x1  }
0x17: {  	s4 =	simm.s32 $0x1BF5;
	[smem:$0x3FB3] =	sst s0  }
0x18: {  	s0 =	sld [smem:$0x3F96];
	_ =	swait.ge [sflag:s4], $0x0  }
0x19: {  	s7 =	sld [smem:$0x3F97]  }
0x1a: {  	s8 =	sadd.s32 $0xFFFFE003, lr  }
0x1b: {  	s9 =	sadd.s32 $0xFFFFFEF7, lr;
	s5 =	simm.s32 $0xFFFFFFFF;
	p2 =	slt.u32 s8, $0xFFFFF086  }
0x1c: {  	p1 =	slt.u32 s9, $0xF7A;
	s5 =	simm.s32 @!p2 $0x0  }
0x1d: {  	s5 =	simm.s32 @p1 $0x1;
	p0 =	seq.s32 s7, s2  }
0x1e: {  	s7 =	smul.u32 @!p0 $0xF7A, s2;
	p2 =	seq.s32 @!p0 s5, $0x0  }
0x1f: {  	s9 =	smul.u32 $0xF7A, s1;
	s8 =	simm.s32 @!p0 $0x1BF5;
	p2 =	por !p2, p0  }
0x20: {  	[sflag:s8] =	ssyncset.s32 @!p0 $0xFFFFF086;
	s6 =	sadd.s32 @!p0 s3, s7;
	s7 =	simm.s32 @!p0 $0x108  }
0x21: {  	s3 =	sadd.s32 s3, s9;
	s6 =	sadd.s32 @!p0 $0x88, s6;
	s7 =	simm.s32 @p2 $0x1082  }
0x22: {  	[simem:s7], [sflag:s8] =	dma.local @!p0 [hbm:s6], $0xF7A  }
0x23: {  	s9 =	sor.u32 $0xD0000000, s2;
	s6 =	simm.s32 $0x108;
	_ =	swait.ge @!p0 [sflag:s8], $0x0  }
0x24: {  	s3 =	sadd.s32 $0x88, s3;
	s6 =	simm.s32 @!p1 $0x1082;
	[sflag:s4] =	ssyncset.s32 $0xFFFFF086  }
0x25: {  	[simem:s6], [sflag:s4] =	dma.local [hbm:s3], $0xF7A  }
0x26: {  	[smem:$0x3F97] =	sst s1;
	(tag) =	ssettag s2;
	_ =	strace s9  }
0x27: {  	s1 =	sld [smem:$0x3FA7]  }
0x28: {  	s2 =	sld [smem:$0x3FA8]  }
0x29: {  	s4 =	sld [smem:$0x3FAA]  }
0x2a: {  	p0 =	seq.s32 s5, $0x0;
	s5 =	sld [smem:$0x3FAB]  }
0x2b: {  	s6 =	sld [smem:$0x3FAC]  }
0x2c: {  	s7 =	sld [smem:$0x3FAD]  }
0x2d: {  	s3 =	simm.s32 $0x108;
	s8 =	sld [smem:$0x3FAE]  }
0x2e: {  	s3 =	simm.s32 @!p0 $0x1082;
	s9 =	sld [smem:$0x3FAF]  }
0x2f: {  	lr =	sadd.s32 s0, s3;
	s0 =	sld [smem:$0x3FA6]  }
0x30: {  	s3 =	sld [smem:$0x3FA9]  }
0x31: {  	[smem:$0x3FB2] =	sst s10  }
0x32: {  	s10 =	sld [smem:$0x3FB0];
	_ =	sdelay $0x3  }
0x33: {  	p0 =	seq.s32 s10, $0x1;
	s10 =	sld [smem:$0x3FB2];
	_ =	sdelay $0x3  }
0x34: {  	[smem:$0x3FB2] =	sst s10  }
0x35: {  	s10 =	sld [smem:$0x3FB1];
	_ =	sdelay $0x3  }
0x36: {  	p1 =	seq.s32 s10, $0x1;
	s10 =	sld [smem:$0x3FB2];
	_ =	sdelay $0x3  }
0x37: {  	[smem:$0x3FB2] =	sst s10  }
0x38: {  	s10 =	sld [smem:$0x3FB3]  }
0x39: {  	_ = 	snop;
	(pc) =	sbr.ind lr, $3  }
0x3a: {  	_ = 	snop  }
0x3b: {  	_ = 	snop  }
0x3c: {  	p2 =	seq.s32 s10, $0x1;
	s10 =	sld [smem:$0x3FB2]  }
0x3d: {  	_ =	shalt  }
0x3e: {  	_ =	shalt  }
0x3f: {  	_ =	shalt  }
0x40: {  	_ =	shalt  }
0x41: {  	_ =	shalt  }
0x42: {  	_ =	shalt  }
0x43: {  	_ =	shalt  }
0x44: {  	_ =	shalt  }
0x45: {  	_ =	shalt  }
0x46: {  	_ =	shalt  }
0x47: {  	_ =	shalt  }
0x48: {  	_ =	shalt  }
0x49: {  	_ =	shalt  }
0x4a: {  	_ =	shalt  }
0x4b: {  	_ =	shalt  }
0x4c: {  	_ =	shalt  }
0x4d: {  	_ =	shalt  }
0x4e: {  	_ =	shalt  }
0x4f: {  	_ =	shalt  }
0x50: {  	_ =	shalt  }
0x51: {  	_ =	shalt  }
0x52: {  	_ =	shalt  }
0x53: {  	_ =	shalt  }
0x54: {  	_ =	shalt  }
0x55: {  	_ =	shalt  }
0x56: {  	_ =	shalt  }
0x57: {  	_ =	shalt  }
0x58: {  	_ =	shalt  }
0x59: {  	_ =	shalt  }
0x5a: {  	_ =	shalt  }
0x5b: {  	_ =	shalt  }
0x5c: {  	_ =	shalt  }
0x5d: {  	_ =	shalt  }
0x5e: {  	_ =	shalt  }
0x5f: {  	_ =	shalt  }
0x60: {  	_ =	shalt  }
0x61: {  	_ =	shalt  }
0x62: {  	_ =	shalt  }
0x63: {  	_ =	shalt  }
0x64: {  	_ =	shalt  }
0x65: {  	_ =	shalt  }
0x66: {  	_ =	shalt  }
0x67: {  	_ =	shalt  }
0x68: {  	_ =	shalt  }
0x69: {  	_ =	shalt  }
0x6a: {  	_ =	shalt  }
0x6b: {  	_ =	shalt  }
0x6c: {  	_ =	shalt  }
0x6d: {  	_ =	shalt  }
0x6e: {  	_ =	shalt  }
0x6f: {  	_ =	shalt  }
0x70: {  	_ =	shalt  }
0x71: {  	_ =	shalt  }
0x72: {  	_ =	shalt  }
0x73: {  	_ =	shalt  }
0x74: {  	_ =	shalt  }
0x75: {  	_ =	shalt  }
0x76: {  	_ =	shalt  }
0x77: {  	_ =	shalt  }
0x78: {  	_ =	shalt  }
0x79: {  	_ =	shalt  }
0x7a: {  	_ =	shalt  }
0x7b: {  	_ =	shalt  }
0x7c: {  	_ =	shalt  }
0x7d: {  	_ =	shalt  }
0x7e: {  	_ =	shalt  }
0x7f: {  	_ =	shalt  }
0x80: {  	_ =	shalt  }
0x81: {  	_ =	shalt  }
0x82: {  	_ =	shalt  }
0x83: {  	_ =	shalt  }
0x84: {  	_ =	shalt  }
0x85: {  	_ =	shalt  }
0x86: {  	_ =	shalt  }
0x87: {  	_ =	shalt  }
.Lfunc_end0:
.L_simem_size_0:
called_computation_lowered:
.L_overlay_start_0:
0x88: {  	s2 =	sld [smem:$0x3FD9]  }
0x89: {  	s3 =	sld [smem:$0x3FFE];
	_ =	sdelay $0x1  }
0x8a: {  	s1 =	srdreg.scid  }
0x8b: {  	s0 =	sand.u32 $0x1, s1  }
0x8c: {  	s17 =	sshll.u32 s0, $0xA;
	s2 =	sadd.s32 s3, s2  }
0x8d: {  	s2 =	sadd.s32 s2, s17  }
0x8e: {  	[smem:$0x3FBE] =	sst s2  }
0x8f: {  	_ = 	snop  }
0x90: {  	s2 =	sld [smem:$0x3FC9]  }
0x91: {  	s18 =	sld [smem:$0x3FD0];
	(tm) =	ssettm $0x1  }
0x92: {  	s4 =	sld [smem:$0x3FFB];
	_ =	sdelay $0x3  }
0x93: {  	_ =	strace s4  }
0x94: {  	s4 =	sld [smem:$0x3FFC];
	_ =	sdelay $0x3  }
0x95: {  	_ =	strace s4  }
0x96: {  	s4 =	sld [smem:$0x3FFD];
	_ =	sdelay $0x3  }
0x97: {  	_ =	strace s4  }
0x98: {  	_ =	strace $0x8FFFFFFF  }
0x99: {  	s19 =	sld [smem:$0x3FDB];
	_ =	sdelay $0x1  }
0x9a: {  	s5 =	simm.s32 $_scs_section_size  }
0x9b: {  	s6 =	simm.s32 $_size__tile_overlayer_lowered;
	s7 =	simm.s32 $_tile_overlayer_lowered  }
0x9c: {  	s22 =	simm.s32 $0x1BFF;
	s21 =	sshll.u32 s7, $0x1;
	s4 =	sadd.s32 s5, s19  }
0x9d: {  	s8 =	simm.s32 $0x0;
	s20 =	sshll.u32 s6, $0x1;
	s6 =	sadd.s32 s21, s4  }
0x9e: {  	[timem:s8], [sflag:s22] =	dma.local [hbm:s6], s20  }
0x9f: {  	_ =	swait.ge [sflag:s22], s20  }
0xa0: {  	s5 =	ssub.s32 $0x0, s20;
	[sflag:s22] =	ssyncset.done $0x0  }
0xa1: {  	[sflag:s22] =	ssyncadd.s32 s5;
	_ =	sdelay $0x1  }
0xa2: {  	s23 =	simm.s32 $0x1B8B  }
0xa3: {  	_ =	swait.ge [sflag:s23], $0x1  }
0xa4: {  	[sflag:s23] =	ssyncset.done $0x0  }
0xa5: {  	s25 =	simm.s32 $0x1B8E;
	s24 =	sld [smem:$0x3FFE];
	[sflag:s23] =	ssyncadd.s32 $0xFFFFFFFF  }
0xa6: {  	s26 =	simm.s32 $execute0_lowered;
	[smem:$0x3FD2] =	sst s25  }
0xa7: {  	s6 =	sshll.u32 s26, $0x1;
	_ =	strace $0x80000046;
	[dreg:$0x1] =	wrdreg $0xFFFFFFFF  }
0xa8: {  	s28 =	simm.s32 $_size_execute0_lowered;
	s4 =	sadd.s32 s4, s6;
	[dreg:$0x0] =	wrdreg $0x0  }
0xa9: {  	s6 =	sshll.u32 s28, $0x1;
	[dreg:$0x2] =	wrdreg s4  }
0xaa: {  	[dreg:$0x3] =	wrdreg s6  }
0xab: {  	[dreg:$0x4] =	wrdreg $0xC0  }
0xac: {  	_ =	task [dreg:s8], $0x5FFFF  }
0xad: {  	[dreg:$0x1] =	wrdreg $0xFFFFFFFF  }
0xae: {  	[dreg:$0x0] =	wrdreg $0x60  }
0xaf: {  	[dreg:$0x2] =	wrdreg s2  }
0xb0: {  	[dreg:$0x3] =	wrdreg s24  }
0xb1: {  	[dreg:$0x4] =	wrdreg s18  }
0xb2: {  	[dreg:$0x5] =	wrdreg $0x0  }
0xb3: {  	[dreg:$0x6] =	wrdreg $0x9  }
0xb4: {  	_ =	task.clear_ibuf [dreg:s8], $0x7FFFF;
	_ =	strace $0x90000046  }
0xb5: {  	s29 =	simm.s32 $0x9;
	_ =	strace $0x80000048  }
0xb6: {  	_ =	swait.ge [sflag:s29], $0x1  }
0xb7: {  	[sflag:s29] =	ssyncadd.s32 $0xFFFFFFFF  }
0xb8: {  	_ =	strace $0x90000048  }
0xb9: {  	_ =	sfence  }
0xba: {  	s30 =	sld [smem:$0x0];
	_ =	sdelay $0x2  }
0xbb: {  	s31 =	sshll.u32 s1, $0xD;
	s1 =	sshrl.u32 s1, $0x2  }
0xbc: {  	s3 =	sand.u32 $0x4000, s31;
	s1 =	sadd.s32 s1, s30  }
0xbd: {  	s0 =	sor.u32 s3, s0;
	s1 =	sshll.u32 s1, $0x11  }
0xbe: {  	s0 =	sor.u32 s1, s0  }
0xbf: {  	s0 =	sadd.s32 $0x8F2B, s0  }
0xc0: {  	[sflag:s0] =	ssyncadd.remote.s32 $0x1  }
0xc1: {  	_ =	sfence.sel $0xFFFF  }
0xc2: {  	[dreg:$0x0] =	wrdreg $0xFFFFFFFF;
	(pc) =	sbr.abs _section_cstart, $3  }
0xc3: {  	[dreg:$0x1] =	wrdreg $0xFFFFFFFF  }
0xc4: {  	_ =	task.clear_ibuf [dreg:s8], $0x2FFFF;
	_ =	strace $0x9FFFFFFF  }
0xc5: {  	(tm) =	ssettm $0x7FFFFFFF  }
tec
execute0_lowered:
.L_overlay_start_1:
0x0: {  	(tag) =	ssettag $0x1  }
0x1: {  	s1 =	rddreg [dreg:$0x0]  }
0x2: {  	s8 =	rddreg [dreg:$0x1]  }
0x3: {  	s11 =	rddreg [dreg:$0x2]  }
0x4: {  	s3 =	rddreg [dreg:$0x3]  }
0x5: {  	s0 =	rddreg [dreg:$0x4]  }
0x6: {  	s5 =	srdreg.scid;
	s2 =	stileid.u32;
	s4 =	simm.s32 $0x0  }
0x7: {  	s16 =	simm.s32 $0x14800;
	s17 =	simm.s32 $0x80;
	s18 =	simm.s32 $0x15000  }
0x8: {  	s19 =	simm.s32 $0x1;
	s20 =	simm.s32 $0x19000;
	s21 =	simm.s32 $0x1D000  }
0x9: {  	s22 =	simm.s32 $0x2;
	s23 =	simm.s32 $0x0;
	s9 =	sand.u32 $0x1, s5  }
0xa: {  	s10 =	smul.u32 $0x2800, s2;
	[smem:$0x7FF] =	sst s4;
	s5 =	sadd.s32 $0x2800, s8  }
0xb: {  	s6 =	sadd.s32 $0xC800, s8;
	s7 =	sadd.s32 $0x16800, s8;
	s13 =	smul.u32 $0x50000, s2  }
0xc: {  	s14 =	sshll.u32 s2, $0x6;
	s12 =	smul.u32 $0x28000, s9;
	s30 =	ssub.s32 $0x2, s9  }
0xd: {  	v0 =	vimm.f32 $0.0e+00;
	v1 =	vimm.f32 $1.000000000e+00;
	_ =	strace $0x80000047;
	s9 =	sshll.u32 s9, $0x4;
	s31 =	sshrl.u32 s30, $0x1  }
0xe: {  	vm0 =	vcmask $0x704;
	vm1 =	vcmask $0xB08;
	vm2 =	vcmask $0xF0C;
	s9 =	sor.u32 s2, s9;
	s13 =	sshrl.u32 s13, $0x2;
	s10 =	sadd.s32 s10, s12  }
0xf: {  	vm3 =	vcmask $0x1310;
	vm4 =	vcmask $0x1714;
	vm5 =	vcmask $0x1B18;
	s15 =	smul.u32 $0x500, s9;
	s12 =	ssub.s32 s30, s31;
	s13 =	sadd.s32 s13, s3  }
0x10: {  	vm6 =	vcmask $0x1F1C;
	vm7 =	vcmask $0x2320;
	vm8 =	vcmask $0x2724;
	s9 =	smul.u32 $0x2800, s9;
	s10 =	sadd.s32 s10, s8;
	s8 =	sor.u32 $0x1C03, s14  }
0x11: {  	vm9 =	vcmask $0x2B28;
	vm10 =	vcmask $0x2F2C;
	vm11 =	vcmask $0x3330;
	s12 =	smax.u32 s12, $0x1;
	s13 =	sshrl.u32 s13, $0x3;
	s14 =	simm.s32 $0x3  }
0x12: {  	vm12 =	vcmask $0x3734;
	vm13 =	vcmask $0x3B38;
	vm14 =	vcmask $0x3F3C;
	s10 =	sadd.s32 $0x19000, s10;
	s11 =	sadd.s32 s11, s15;
	s15 =	simm.s32 $0x14000  }
.LBB2_1:
0x13: {  	[spmem:s13], [sflag:s8] =	dma.local [hbm:s7], $0x2800  }
0x14: {  	_ =	swait.ge [sflag:s14], $0x2800  }
0x15: {  	[sflag:s14] =	ssyncset.done $0x0  }
0x16: {  	s24 =	simm.s32 $0x40;
	s25 =	simm.s32 $0x0;
	[sflag:s14] =	ssyncadd.s32 $0xFFFFD800  }
.LBB2_2:
0x17: {  	p0 =	sne.s32 s24, $0x9FC0;
	[tilespmem:s25+$0x1D000] =	vst v0;
	s25 =	smov.u32 s24;
	s24 =	sadd.s32 $0x40, s24  }
.Ltmp0:
0x18: {  	(pc) =	sbr.rel @p0 .LBB2_2-.Ltmp0, $2  }
0x19: {  	_ =	sdelay $0x2  }
0x1a: {  	s25 =	sshra.s32 s25, $0x2  }
0x1b: {  	[tilespmem:s25+$0x1D000] =	vst v0  }
0x1c: {  	s24 =	simm.s32 $0x0;
	s25 =	simm.s32 $0x0;
	[bflag:$0x0] =	sbarrier.arrive $0xFFFF  }
.LBB2_4:
0x1d: {  	s26 =	sshll.u32 s25, $0xB  }
0x1e: {  	s26 =	sadd.s32 s9, s26  }
0x1f: {  	s26 =	sshrl.u32 s26, $0x3  }
0x20: {  	s28 =	sadd.s32 s5, s26  }
0x21: {  	[tilespmem:s15], [sflag:$0x3] =	stream.linear.gather [hbm4b:s28+s24], $0x800, $0x38;
	[tilespmem:$0x1F800] =	vst v63  }
0x22: {  	_ =	swait.ge [sflag:s14], $0x800  }
0x23: {  	[sflag:s14] =	ssyncset.done $0x0  }
0x24: {  	s26 =	sadd.s32 s6, s26;
	[sflag:s14] =	ssyncadd.s32 $0xFFFFF800  }
0x25: {  	[tilespmem:s16], [sflag:$0x3] =	stream.linear.gather [hbm4b:s26+s24], $0x800, $0x38;
	[tilespmem:$0x1F800] =	vst v63  }
0x26: {  	_ =	swait.ge [sflag:s14], $0x800  }
0x27: {  	[sflag:s14] =	ssyncset.done $0x0  }
0x28: {  	s26 =	simm.s32 $0x0;
	[sflag:s14] =	ssyncadd.s32 $0xFFFFF800  }
0x29: {  	[tilespmem:s18], [sflag:$0x1] =	stream.indirect.gather [hbm4b:s1+s17], $0x80, s15, s17, $0xb8;
	[tilespmem:$0x1F800] =	vst v63  }
.LBB2_5:
0x2a: {  	_ =	swait.ge [sflag:s19], $0x4000  }
0x2b: {  	s28 =	sshra.s32 s26, $0x2;
	[sflag:s19] =	ssyncset.done $0x0  }
0x2c: {  	s29 =	sadd.s32 $0x14080, s28;
	[sflag:s19] =	ssyncadd.s32 $0xFFFFC000  }
0x2d: {  	[tilespmem:s20], [sflag:$0x2] =	stream.indirect.gather [hbm4b:s1+s17], $0x80, s29, s17, $0xb8;
	[tilespmem:$0x1F800] =	vst v63  }
0x2e: {  	s30 =	sadd.s32 $0x14800, s28  }
0x2f: {  	[spmem:s3] =	stream.indirect.scatter.add.f32 [tilespmem:s18], [sflag:$0x3], $0x80, s30, s17, $0xb8;
	[tilespmem:$0x1F800] =	vst v63  }
0x30: {  	_ =	swait.ge [sflag:s14], $0x4000  }
0x31: {  	[sflag:s14] =	ssyncset.done $0x0  }
0x32: {  	[sflag:s14] =	ssyncadd.s32 $0xFFFFC000  }
0x33: {  	v2 =	vld [tilespmem:s28+$0x14800];
	_ =	sdelay $0x7  }
0x34: {  	[tilespmem:v2+s21+$0x0] =	vst.idx.add.f32.msk $0x1, v1  }
0x35: {  	[tilespmem:v2+s21+$0x0] =	vst.idx.add.f32.msk vm0, v1  }
0x36: {  	[tilespmem:v2+s21+$0x0] =	vst.idx.add.f32.msk vm1, v1  }
0x37: {  	[tilespmem:v2+s21+$0x0] =	vst.idx.add.f32.msk vm2, v1  }
0x38: {  	[tilespmem:v2+s21+$0x0] =	vst.idx.add.f32.msk vm3, v1  }
0x39: {  	[tilespmem:v2+s21+$0x0] =	vst.idx.add.f32.msk vm4, v1  }
0x3a: {  	[tilespmem:v2+s21+$0x0] =	vst.idx.add.f32.msk vm5, v1  }
0x3b: {  	[tilespmem:v2+s21+$0x0] =	vst.idx.add.f32.msk vm6, v1  }
0x3c: {  	[tilespmem:v2+s21+$0x0] =	vst.idx.add.f32.msk vm7, v1  }
0x3d: {  	[tilespmem:v2+s21+$0x0] =	vst.idx.add.f32.msk vm8, v1  }
0x3e: {  	[tilespmem:v2+s21+$0x0] =	vst.idx.add.f32.msk vm9, v1  }
0x3f: {  	[tilespmem:v2+s21+$0x0] =	vst.idx.add.f32.msk vm10, v1  }
0x40: {  	[tilespmem:v2+s21+$0x0] =	vst.idx.add.f32.msk vm11, v1  }
0x41: {  	[tilespmem:v2+s21+$0x0] =	vst.idx.add.f32.msk vm12, v1  }
0x42: {  	[tilespmem:v2+s21+$0x0] =	vst.idx.add.f32.msk vm13, v1  }
0x43: {  	[tilespmem:v2+s21+$0x0] =	vst.idx.add.f32.msk vm14, v1  }
0x44: {  	v2 =	vld [tilespmem:s28+$0x14810];
	_ =	sdelay $0x7  }
0x45: {  	[tilespmem:v2+s21+$0x0] =	vst.idx.add.f32.msk $0x1, v1  }
0x46: {  	[tilespmem:v2+s21+$0x0] =	vst.idx.add.f32.msk vm0, v1  }
0x47: {  	[tilespmem:v2+s21+$0x0] =	vst.idx.add.f32.msk vm1, v1  }
0x48: {  	[tilespmem:v2+s21+$0x0] =	vst.idx.add.f32.msk vm2, v1  }
0x49: {  	[tilespmem:v2+s21+$0x0] =	vst.idx.add.f32.msk vm3, v1  }
0x4a: {  	[tilespmem:v2+s21+$0x0] =	vst.idx.add.f32.msk vm4, v1  }
0x4b: {  	[tilespmem:v2+s21+$0x0] =	vst.idx.add.f32.msk vm5, v1  }
0x4c: {  	[tilespmem:v2+s21+$0x0] =	vst.idx.add.f32.msk vm6, v1  }
0x4d: {  	[tilespmem:v2+s21+$0x0] =	vst.idx.add.f32.msk vm7, v1  }
0x4e: {  	[tilespmem:v2+s21+$0x0] =	vst.idx.add.f32.msk vm8, v1  }
0x4f: {  	[tilespmem:v2+s21+$0x0] =	vst.idx.add.f32.msk vm9, v1  }
0x50: {  	[tilespmem:v2+s21+$0x0] =	vst.idx.add.f32.msk vm10, v1  }
0x51: {  	[tilespmem:v2+s21+$0x0] =	vst.idx.add.f32.msk vm11, v1  }
0x52: {  	[tilespmem:v2+s21+$0x0] =	vst.idx.add.f32.msk vm12, v1  }
0x53: {  	[tilespmem:v2+s21+$0x0] =	vst.idx.add.f32.msk vm13, v1  }
0x54: {  	[tilespmem:v2+s21+$0x0] =	vst.idx.add.f32.msk vm14, v1  }
0x55: {  	v2 =	vld [tilespmem:s28+$0x14820];
	_ =	sdelay $0x7  }
0x56: {  	[tilespmem:v2+s21+$0x0] =	vst.idx.add.f32.msk $0x1, v1  }
0x57: {  	[tilespmem:v2+s21+$0x0] =	vst.idx.add.f32.msk vm0, v1  }
0x58: {  	[tilespmem:v2+s21+$0x0] =	vst.idx.add.f32.msk vm1, v1  }
0x59: {  	[tilespmem:v2+s21+$0x0] =	vst.idx.add.f32.msk vm2, v1  }
0x5a: {  	[tilespmem:v2+s21+$0x0] =	vst.idx.add.f32.msk vm3, v1  }
0x5b: {  	[tilespmem:v2+s21+$0x0] =	vst.idx.add.f32.msk vm4, v1  }
0x5c: {  	[tilespmem:v2+s21+$0x0] =	vst.idx.add.f32.msk vm5, v1  }
0x5d: {  	[tilespmem:v2+s21+$0x0] =	vst.idx.add.f32.msk vm6, v1  }
0x5e: {  	[tilespmem:v2+s21+$0x0] =	vst.idx.add.f32.msk vm7, v1  }
0x5f: {  	[tilespmem:v2+s21+$0x0] =	vst.idx.add.f32.msk vm8, v1  }
0x60: {  	[tilespmem:v2+s21+$0x0] =	vst.idx.add.f32.msk vm9, v1  }
0x61: {  	[tilespmem:v2+s21+$0x0] =	vst.idx.add.f32.msk vm10, v1  }
0x62: {  	[tilespmem:v2+s21+$0x0] =	vst.idx.add.f32.msk vm11, v1  }
0x63: {  	[tilespmem:v2+s21+$0x0] =	vst.idx.add.f32.msk vm12, v1  }
0x64: {  	[tilespmem:v2+s21+$0x0] =	vst.idx.add.f32.msk vm13, v1  }
0x65: {  	[tilespmem:v2+s21+$0x0] =	vst.idx.add.f32.msk vm14, v1  }
0x66: {  	v2 =	vld [tilespmem:s28+$0x14830];
	_ =	sdelay $0x7  }
0x67: {  	[tilespmem:v2+s21+$0x0] =	vst.idx.add.f32.msk $0x1, v1  }
0x68: {  	[tilespmem:v2+s21+$0x0] =	vst.idx.add.f32.msk vm0, v1  }
0x69: {  	[tilespmem:v2+s21+$0x0] =	vst.idx.add.f32.msk vm1, v1  }
0x6a: {  	[tilespmem:v2+s21+$0x0] =	vst.idx.add.f32.msk vm2, v1  }
0x6b: {  	[tilespmem:v2+s21+$0x0] =	vst.idx.add.f32.msk vm3, v1  }
0x6c: {  	[tilespmem:v2+s21+$0x0] =	vst.idx.add.f32.msk vm4, v1  }
0x6d: {  	[tilespmem:v2+s21+$0x0] =	vst.idx.add.f32.msk vm5, v1  }
0x6e: {  	[tilespmem:v2+s21+$0x0] =	vst.idx.add.f32.msk vm6, v1  }
0x6f: {  	[tilespmem:v2+s21+$0x0] =	vst.idx.add.f32.msk vm7, v1  }
0x70: {  	[tilespmem:v2+s21+$0x0] =	vst.idx.add.f32.msk vm8, v1  }
0x71: {  	[tilespmem:v2+s21+$0x0] =	vst.idx.add.f32.msk vm9, v1  }
0x72: {  	[tilespmem:v2+s21+$0x0] =	vst.idx.add.f32.msk vm10, v1  }
0x73: {  	[tilespmem:v2+s21+$0x0] =	vst.idx.add.f32.msk vm11, v1  }
0x74: {  	[tilespmem:v2+s21+$0x0] =	vst.idx.add.f32.msk vm12, v1  }
0x75: {  	[tilespmem:v2+s21+$0x0] =	vst.idx.add.f32.msk vm13, v1  }
0x76: {  	[tilespmem:v2+s21+$0x0] =	vst.idx.add.f32.msk vm14, v1  }
0x77: {  	v2 =	vld [tilespmem:s28+$0x14840];
	_ =	sdelay $0x7  }
0x78: {  	[tilespmem:v2+s21+$0x0] =	vst.idx.add.f32.msk $0x1, v1  }
0x79: {  	[tilespmem:v2+s21+$0x0] =	vst.idx.add.f32.msk vm0, v1  }
0x7a: {  	[tilespmem:v2+s21+$0x0] =	vst.idx.add.f32.msk vm1, v1  }
0x7b: {  	[tilespmem:v2+s21+$0x0] =	vst.idx.add.f32.msk vm2, v1  }
0x7c: {  	[tilespmem:v2+s21+$0x0] =	vst.idx.add.f32.msk vm3, v1  }
0x7d: {  	[tilespmem:v2+s21+$0x0] =	vst.idx.add.f32.msk vm4, v1  }
0x7e: {  	[tilespmem:v2+s21+$0x0] =	vst.idx.add.f32.msk vm5, v1  }
0x7f: {  	[tilespmem:v2+s21+$0x0] =	vst.idx.add.f32.msk vm6, v1  }
0x80: {  	[tilespmem:v2+s21+$0x0] =	vst.idx.add.f32.msk vm7, v1  }
0x81: {  	[tilespmem:v2+s21+$0x0] =	vst.idx.add.f32.msk vm8, v1  }
0x82: {  	[tilespmem:v2+s21+$0x0] =	vst.idx.add.f32.msk vm9, v1  }
0x83: {  	[tilespmem:v2+s21+$0x0] =	vst.idx.add.f32.msk vm10, v1  }
0x84: {  	[tilespmem:v2+s21+$0x0] =	vst.idx.add.f32.msk vm11, v1  }
0x85: {  	[tilespmem:v2+s21+$0x0] =	vst.idx.add.f32.msk vm12, v1  }
0x86: {  	[tilespmem:v2+s21+$0x0] =	vst.idx.add.f32.msk vm13, v1  }
0x87: {  	[tilespmem:v2+s21+$0x0] =	vst.idx.add.f32.msk vm14, v1  }
0x88: {  	v2 =	vld [tilespmem:s28+$0x14850];
	_ =	sdelay $0x7  }
0x89: {  	[tilespmem:v2+s21+$0x0] =	vst.idx.add.f32.msk $0x1, v1  }
0x8a: {  	[tilespmem:v2+s21+$0x0] =	vst.idx.add.f32.msk vm0, v1  }
0x8b: {  	[tilespmem:v2+s21+$0x0] =	vst.idx.add.f32.msk vm1, v1  }
0x8c: {  	[tilespmem:v2+s21+$0x0] =	vst.idx.add.f32.msk vm2, v1  }
0x8d: {  	[tilespmem:v2+s21+$0x0] =	vst.idx.add.f32.msk vm3, v1  }
0x8e: {  	[tilespmem:v2+s21+$0x0] =	vst.idx.add.f32.msk vm4, v1  }
0x8f: {  	[tilespmem:v2+s21+$0x0] =	vst.idx.add.f32.msk vm5, v1  }
0x90: {  	[tilespmem:v2+s21+$0x0] =	vst.idx.add.f32.msk vm6, v1  }
0x91: {  	[tilespmem:v2+s21+$0x0] =	vst.idx.add.f32.msk vm7, v1  }
0x92: {  	[tilespmem:v2+s21+$0x0] =	vst.idx.add.f32.msk vm8, v1  }
0x93: {  	[tilespmem:v2+s21+$0x0] =	vst.idx.add.f32.msk vm9, v1  }
0x94: {  	[tilespmem:v2+s21+$0x0] =	vst.idx.add.f32.msk vm10, v1  }
0x95: {  	[tilespmem:v2+s21+$0x0] =	vst.idx.add.f32.msk vm11, v1  }
0x96: {  	[tilespmem:v2+s21+$0x0] =	vst.idx.add.f32.msk vm12, v1  }
0x97: {  	[tilespmem:v2+s21+$0x0] =	vst.idx.add.f32.msk vm13, v1  }
0x98: {  	[tilespmem:v2+s21+$0x0] =	vst.idx.add.f32.msk vm14, v1  }
0x99: {  	v2 =	vld [tilespmem:s28+$0x14860];
	_ =	sdelay $0x7  }
0x9a: {  	[tilespmem:v2+s21+$0x0] =	vst.idx.add.f32.msk $0x1, v1  }
0x9b: {  	[tilespmem:v2+s21+$0x0] =	vst.idx.add.f32.msk vm0, v1  }
0x9c: {  	[tilespmem:v2+s21+$0x0] =	vst.idx.add.f32.msk vm1, v1  }
0x9d: {  	[tilespmem:v2+s21+$0x0] =	vst.idx.add.f32.msk vm2, v1  }
0x9e: {  	[tilespmem:v2+s21+$0x0] =	vst.idx.add.f32.msk vm3, v1  }
0x9f: {  	[tilespmem:v2+s21+$0x0] =	vst.idx.add.f32.msk vm4, v1  }
0xa0: {  	[tilespmem:v2+s21+$0x0] =	vst.idx.add.f32.msk vm5, v1  }
0xa1: {  	[tilespmem:v2+s21+$0x0] =	vst.idx.add.f32.msk vm6, v1  }
0xa2: {  	[tilespmem:v2+s21+$0x0] =	vst.idx.add.f32.msk vm7, v1  }
0xa3: {  	[tilespmem:v2+s21+$0x0] =	vst.idx.add.f32.msk vm8, v1  }
0xa4: {  	[tilespmem:v2+s21+$0x0] =	vst.idx.add.f32.msk vm9, v1  }
0xa5: {  	[tilespmem:v2+s21+$0x0] =	vst.idx.add.f32.msk vm10, v1  }
0xa6: {  	[tilespmem:v2+s21+$0x0] =	vst.idx.add.f32.msk vm11, v1  }
0xa7: {  	[tilespmem:v2+s21+$0x0] =	vst.idx.add.f32.msk vm12, v1  }
0xa8: {  	[tilespmem:v2+s21+$0x0] =	vst.idx.add.f32.msk vm13, v1  }
0xa9: {  	[tilespmem:v2+s21+$0x0] =	vst.idx.add.f32.msk vm14, v1  }
0xaa: {  	v2 =	vld [tilespmem:s28+$0x14870];
	_ =	sdelay $0x7  }
0xab: {  	[tilespmem:v2+s21+$0x0] =	vst.idx.add.f32.msk $0x1, v1  }
0xac: {  	[tilespmem:v2+s21+$0x0] =	vst.idx.add.f32.msk vm0, v1  }
0xad: {  	[tilespmem:v2+s21+$0x0] =	vst.idx.add.f32.msk vm1, v1  }
0xae: {  	[tilespmem:v2+s21+$0x0] =	vst.idx.add.f32.msk vm2, v1  }
0xaf: {  	[tilespmem:v2+s21+$0x0] =	vst.idx.add.f32.msk vm3, v1  }
0xb0: {  	[tilespmem:v2+s21+$0x0] =	vst.idx.add.f32.msk vm4, v1  }
0xb1: {  	[tilespmem:v2+s21+$0x0] =	vst.idx.add.f32.msk vm5, v1  }
0xb2: {  	[tilespmem:v2+s21+$0x0] =	vst.idx.add.f32.msk vm6, v1  }
0xb3: {  	[tilespmem:v2+s21+$0x0] =	vst.idx.add.f32.msk vm7, v1  }
0xb4: {  	[tilespmem:v2+s21+$0x0] =	vst.idx.add.f32.msk vm8, v1  }
0xb5: {  	[tilespmem:v2+s21+$0x0] =	vst.idx.add.f32.msk vm9, v1  }
0xb6: {  	[tilespmem:v2+s21+$0x0] =	vst.idx.add.f32.msk vm10, v1  }
0xb7: {  	[tilespmem:v2+s21+$0x0] =	vst.idx.add.f32.msk vm11, v1  }
0xb8: {  	[tilespmem:v2+s21+$0x0] =	vst.idx.add.f32.msk vm12, v1  }
0xb9: {  	[tilespmem:v2+s21+$0x0] =	vst.idx.add.f32.msk vm13, v1  }
0xba: {  	[tilespmem:v2+s21+$0x0] =	vst.idx.add.f32.msk vm14, v1  }
0xbb: {  	p0 =	seq.s32 s26, $0x1C00;
	_ =	swait.ge [sflag:s22], $0x4000  }
0xbc: {  	s31 =	simm.s32 @!p0 $0x15000;
	s29 =	sshra.s32 @!p0 s26, $0x2;
	[sflag:s22] =	ssyncset.done $0x0  }
0xbd: {  	s29 =	sadd.s32 @!p0 $0x14100, s29;
	s30 =	simm.s32 @!p0 $0x80;
	[sflag:s22] =	ssyncadd.s32 $0xFFFFC000  }
0xbe: {  	[tilespmem:s31], [sflag:$0x1] =	stream.indirect.gather @!p0 [hbm4b:s1+s30], $0x80, s29, s30, $0xb8;
	[tilespmem:$0x1F800] =	vst v63  }
0xbf: {  	s31 =	sadd.s32 $0x14880, s28  }
0xc0: {  	[spmem:s3] =	stream.indirect.scatter.add.f32 [tilespmem:s20], [sflag:$0x3], $0x80, s31, s17, $0xb8;
	[tilespmem:$0x1F800] =	vst v63  }
0xc1: {  	_ =	swait.ge [sflag:s14], $0x4000  }
0xc2: {  	[sflag:s14] =	ssyncset.done $0x0  }
0xc3: {  	[sflag:s14] =	ssyncadd.s32 $0xFFFFC000  }
0xc4: {  	v2 =	vld [tilespmem:s28+$0x14880];
	_ =	sdelay $0x7  }
0xc5: {  	[tilespmem:v2+s21+$0x0] =	vst.idx.add.f32.msk $0x1, v1  }
0xc6: {  	[tilespmem:v2+s21+$0x0] =	vst.idx.add.f32.msk vm0, v1  }
0xc7: {  	[tilespmem:v2+s21+$0x0] =	vst.idx.add.f32.msk vm1, v1  }
0xc8: {  	[tilespmem:v2+s21+$0x0] =	vst.idx.add.f32.msk vm2, v1  }
0xc9: {  	[tilespmem:v2+s21+$0x0] =	vst.idx.add.f32.msk vm3, v1  }
0xca: {  	[tilespmem:v2+s21+$0x0] =	vst.idx.add.f32.msk vm4, v1  }
0xcb: {  	[tilespmem:v2+s21+$0x0] =	vst.idx.add.f32.msk vm5, v1  }
0xcc: {  	[tilespmem:v2+s21+$0x0] =	vst.idx.add.f32.msk vm6, v1  }
0xcd: {  	[tilespmem:v2+s21+$0x0] =	vst.idx.add.f32.msk vm7, v1  }
0xce: {  	[tilespmem:v2+s21+$0x0] =	vst.idx.add.f32.msk vm8, v1  }
0xcf: {  	[tilespmem:v2+s21+$0x0] =	vst.idx.add.f32.msk vm9, v1  }
0xd0: {  	[tilespmem:v2+s21+$0x0] =	vst.idx.add.f32.msk vm10, v1  }
0xd1: {  	[tilespmem:v2+s21+$0x0] =	vst.idx.add.f32.msk vm11, v1  }
0xd2: {  	[tilespmem:v2+s21+$0x0] =	vst.idx.add.f32.msk vm12, v1  }
0xd3: {  	[tilespmem:v2+s21+$0x0] =	vst.idx.add.f32.msk vm13, v1  }
0xd4: {  	[tilespmem:v2+s21+$0x0] =	vst.idx.add.f32.msk vm14, v1  }
0xd5: {  	v2 =	vld [tilespmem:s28+$0x14890];
	_ =	sdelay $0x7  }
0xd6: {  	[tilespmem:v2+s21+$0x0] =	vst.idx.add.f32.msk $0x1, v1  }
0xd7: {  	[tilespmem:v2+s21+$0x0] =	vst.idx.add.f32.msk vm0, v1  }
0xd8: {  	[tilespmem:v2+s21+$0x0] =	vst.idx.add.f32.msk vm1, v1  }
0xd9: {  	[tilespmem:v2+s21+$0x0] =	vst.idx.add.f32.msk vm2, v1  }
0xda: {  	[tilespmem:v2+s21+$0x0] =	vst.idx.add.f32.msk vm3, v1  }
0xdb: {  	[tilespmem:v2+s21+$0x0] =	vst.idx.add.f32.msk vm4, v1  }
0xdc: {  	[tilespmem:v2+s21+$0x0] =	vst.idx.add.f32.msk vm5, v1  }
0xdd: {  	[tilespmem:v2+s21+$0x0] =	vst.idx.add.f32.msk vm6, v1  }
0xde: {  	[tilespmem:v2+s21+$0x0] =	vst.idx.add.f32.msk vm7, v1  }
0xdf: {  	[tilespmem:v2+s21+$0x0] =	vst.idx.add.f32.msk vm8, v1  }
0xe0: {  	[tilespmem:v2+s21+$0x0] =	vst.idx.add.f32.msk vm9, v1  }
0xe1: {  	[tilespmem:v2+s21+$0x0] =	vst.idx.add.f32.msk vm10, v1  }
0xe2: {  	[tilespmem:v2+s21+$0x0] =	vst.idx.add.f32.msk vm11, v1  }
0xe3: {  	[tilespmem:v2+s21+$0x0] =	vst.idx.add.f32.msk vm12, v1  }
0xe4: {  	[tilespmem:v2+s21+$0x0] =	vst.idx.add.f32.msk vm13, v1  }
0xe5: {  	[tilespmem:v2+s21+$0x0] =	vst.idx.add.f32.msk vm14, v1  }
0xe6: {  	v2 =	vld [tilespmem:s28+$0x148A0];
	_ =	sdelay $0x7  }
0xe7: {  	[tilespmem:v2+s21+$0x0] =	vst.idx.add.f32.msk $0x1, v1  }
0xe8: {  	[tilespmem:v2+s21+$0x0] =	vst.idx.add.f32.msk vm0, v1  }
0xe9: {  	[tilespmem:v2+s21+$0x0] =	vst.idx.add.f32.msk vm1, v1  }
0xea: {  	[tilespmem:v2+s21+$0x0] =	vst.idx.add.f32.msk vm2, v1  }
0xeb: {  	[tilespmem:v2+s21+$0x0] =	vst.idx.add.f32.msk vm3, v1  }
0xec: {  	[tilespmem:v2+s21+$0x0] =	vst.idx.add.f32.msk vm4, v1  }
0xed: {  	[tilespmem:v2+s21+$0x0] =	vst.idx.add.f32.msk vm5, v1  }
0xee: {  	[tilespmem:v2+s21+$0x0] =	vst.idx.add.f32.msk vm6, v1  }
0xef: {  	[tilespmem:v2+s21+$0x0] =	vst.idx.add.f32.msk vm7, v1  }
0xf0: {  	[tilespmem:v2+s21+$0x0] =	vst.idx.add.f32.msk vm8, v1  }
0xf1: {  	[tilespmem:v2+s21+$0x0] =	vst.idx.add.f32.msk vm9, v1  }
0xf2: {  	[tilespmem:v2+s21+$0x0] =	vst.idx.add.f32.msk vm10, v1  }
0xf3: {  	[tilespmem:v2+s21+$0x0] =	vst.idx.add.f32.msk vm11, v1  }
0xf4: {  	[tilespmem:v2+s21+$0x0] =	vst.idx.add.f32.msk vm12, v1  }
0xf5: {  	[tilespmem:v2+s21+$0x0] =	vst.idx.add.f32.msk vm13, v1  }
0xf6: {  	[tilespmem:v2+s21+$0x0] =	vst.idx.add.f32.msk vm14, v1  }
0xf7: {  	v2 =	vld [tilespmem:s28+$0x148B0];
	_ =	sdelay $0x7  }
0xf8: {  	[tilespmem:v2+s21+$0x0] =	vst.idx.add.f32.msk $0x1, v1  }
0xf9: {  	[tilespmem:v2+s21+$0x0] =	vst.idx.add.f32.msk vm0, v1  }
0xfa: {  	[tilespmem:v2+s21+$0x0] =	vst.idx.add.f32.msk vm1, v1  }
0xfb: {  	[tilespmem:v2+s21+$0x0] =	vst.idx.add.f32.msk vm2, v1  }
0xfc: {  	[tilespmem:v2+s21+$0x0] =	vst.idx.add.f32.msk vm3, v1  }
0xfd: {  	[tilespmem:v2+s21+$0x0] =	vst.idx.add.f32.msk vm4, v1  }
0xfe: {  	[tilespmem:v2+s21+$0x0] =	vst.idx.add.f32.msk vm5, v1  }
0xff: {  	[tilespmem:v2+s21+$0x0] =	vst.idx.add.f32.msk vm6, v1  }
0x100: {  	[tilespmem:v2+s21+$0x0] =	vst.idx.add.f32.msk vm7, v1  }
0x101: {  	[tilespmem:v2+s21+$0x0] =	vst.idx.add.f32.msk vm8, v1  }
0x102: {  	[tilespmem:v2+s21+$0x0] =	vst.idx.add.f32.msk vm9, v1  }
0x103: {  	[tilespmem:v2+s21+$0x0] =	vst.idx.add.f32.msk vm10, v1  }
0x104: {  	[tilespmem:v2+s21+$0x0] =	vst.idx.add.f32.msk vm11, v1  }
0x105: {  	[tilespmem:v2+s21+$0x0] =	vst.idx.add.f32.msk vm12, v1  }
0x106: {  	[tilespmem:v2+s21+$0x0] =	vst.idx.add.f32.msk vm13, v1  }
0x107: {  	[tilespmem:v2+s21+$0x0] =	vst.idx.add.f32.msk vm14, v1  }
0x108: {  	v2 =	vld [tilespmem:s28+$0x148C0];
	_ =	sdelay $0x7  }
0x109: {  	[tilespmem:v2+s21+$0x0] =	vst.idx.add.f32.msk $0x1, v1  }
0x10a: {  	[tilespmem:v2+s21+$0x0] =	vst.idx.add.f32.msk vm0, v1  }
0x10b: {  	[tilespmem:v2+s21+$0x0] =	vst.idx.add.f32.msk vm1, v1  }
0x10c: {  	[tilespmem:v2+s21+$0x0] =	vst.idx.add.f32.msk vm2, v1  }
0x10d: {  	[tilespmem:v2+s21+$0x0] =	vst.idx.add.f32.msk vm3, v1  }
0x10e: {  	[tilespmem:v2+s21+$0x0] =	vst.idx.add.f32.msk vm4, v1  }
0x10f: {  	[tilespmem:v2+s21+$0x0] =	vst.idx.add.f32.msk vm5, v1  }
0x110: {  	[tilespmem:v2+s21+$0x0] =	vst.idx.add.f32.msk vm6, v1  }
0x111: {  	[tilespmem:v2+s21+$0x0] =	vst.idx.add.f32.msk vm7, v1  }
0x112: {  	[tilespmem:v2+s21+$0x0] =	vst.idx.add.f32.msk vm8, v1  }
0x113: {  	[tilespmem:v2+s21+$0x0] =	vst.idx.add.f32.msk vm9, v1  }
0x114: {  	[tilespmem:v2+s21+$0x0] =	vst.idx.add.f32.msk vm10, v1  }
0x115: {  	[tilespmem:v2+s21+$0x0] =	vst.idx.add.f32.msk vm11, v1  }
0x116: {  	[tilespmem:v2+s21+$0x0] =	vst.idx.add.f32.msk vm12, v1  }
0x117: {  	[tilespmem:v2+s21+$0x0] =	vst.idx.add.f32.msk vm13, v1  }
0x118: {  	[tilespmem:v2+s21+$0x0] =	vst.idx.add.f32.msk vm14, v1  }
0x119: {  	v2 =	vld [tilespmem:s28+$0x148D0];
	_ =	sdelay $0x7  }
0x11a: {  	[tilespmem:v2+s21+$0x0] =	vst.idx.add.f32.msk $0x1, v1  }
0x11b: {  	[tilespmem:v2+s21+$0x0] =	vst.idx.add.f32.msk vm0, v1  }
0x11c: {  	[tilespmem:v2+s21+$0x0] =	vst.idx.add.f32.msk vm1, v1  }
0x11d: {  	[tilespmem:v2+s21+$0x0] =	vst.idx.add.f32.msk vm2, v1  }
0x11e: {  	[tilespmem:v2+s21+$0x0] =	vst.idx.add.f32.msk vm3, v1  }
0x11f: {  	[tilespmem:v2+s21+$0x0] =	vst.idx.add.f32.msk vm4, v1  }
0x120: {  	[tilespmem:v2+s21+$0x0] =	vst.idx.add.f32.msk vm5, v1  }
0x121: {  	[tilespmem:v2+s21+$0x0] =	vst.idx.add.f32.msk vm6, v1  }
0x122: {  	[tilespmem:v2+s21+$0x0] =	vst.idx.add.f32.msk vm7, v1  }
0x123: {  	[tilespmem:v2+s21+$0x0] =	vst.idx.add.f32.msk vm8, v1  }
0x124: {  	[tilespmem:v2+s21+$0x0] =	vst.idx.add.f32.msk vm9, v1  }
0x125: {  	[tilespmem:v2+s21+$0x0] =	vst.idx.add.f32.msk vm10, v1  }
0x126: {  	[tilespmem:v2+s21+$0x0] =	vst.idx.add.f32.msk vm11, v1  }
0x127: {  	[tilespmem:v2+s21+$0x0] =	vst.idx.add.f32.msk vm12, v1  }
0x128: {  	[tilespmem:v2+s21+$0x0] =	vst.idx.add.f32.msk vm13, v1  }
0x129: {  	[tilespmem:v2+s21+$0x0] =	vst.idx.add.f32.msk vm14, v1  }
0x12a: {  	v2 =	vld [tilespmem:s28+$0x148E0];
	_ =	sdelay $0x7  }
0x12b: {  	[tilespmem:v2+s21+$0x0] =	vst.idx.add.f32.msk $0x1, v1  }
0x12c: {  	[tilespmem:v2+s21+$0x0] =	vst.idx.add.f32.msk vm0, v1  }
0x12d: {  	[tilespmem:v2+s21+$0x0] =	vst.idx.add.f32.msk vm1, v1  }
0x12e: {  	[tilespmem:v2+s21+$0x0] =	vst.idx.add.f32.msk vm2, v1  }
0x12f: {  	[tilespmem:v2+s21+$0x0] =	vst.idx.add.f32.msk vm3, v1  }
0x130: {  	[tilespmem:v2+s21+$0x0] =	vst.idx.add.f32.msk vm4, v1  }
0x131: {  	[tilespmem:v2+s21+$0x0] =	vst.idx.add.f32.msk vm5, v1  }
0x132: {  	[tilespmem:v2+s21+$0x0] =	vst.idx.add.f32.msk vm6, v1  }
0x133: {  	[tilespmem:v2+s21+$0x0] =	vst.idx.add.f32.msk vm7, v1  }
0x134: {  	[tilespmem:v2+s21+$0x0] =	vst.idx.add.f32.msk vm8, v1  }
0x135: {  	[tilespmem:v2+s21+$0x0] =	vst.idx.add.f32.msk vm9, v1  }
0x136: {  	[tilespmem:v2+s21+$0x0] =	vst.idx.add.f32.msk vm10, v1  }
0x137: {  	[tilespmem:v2+s21+$0x0] =	vst.idx.add.f32.msk vm11, v1  }
0x138: {  	[tilespmem:v2+s21+$0x0] =	vst.idx.add.f32.msk vm12, v1  }
0x139: {  	[tilespmem:v2+s21+$0x0] =	vst.idx.add.f32.msk vm13, v1  }
0x13a: {  	[tilespmem:v2+s21+$0x0] =	vst.idx.add.f32.msk vm14, v1  }
0x13b: {  	v2 =	vld [tilespmem:s28+$0x148F0];
	_ =	sdelay $0x7  }
0x13c: {  	[tilespmem:v2+s21+$0x0] =	vst.idx.add.f32.msk $0x1, v1  }
0x13d: {  	[tilespmem:v2+s21+$0x0] =	vst.idx.add.f32.msk vm0, v1  }
0x13e: {  	[tilespmem:v2+s21+$0x0] =	vst.idx.add.f32.msk vm1, v1  }
0x13f: {  	[tilespmem:v2+s21+$0x0] =	vst.idx.add.f32.msk vm2, v1  }
0x140: {  	[tilespmem:v2+s21+$0x0] =	vst.idx.add.f32.msk vm3, v1  }
0x141: {  	[tilespmem:v2+s21+$0x0] =	vst.idx.add.f32.msk vm4, v1  }
0x142: {  	[tilespmem:v2+s21+$0x0] =	vst.idx.add.f32.msk vm5, v1  }
0x143: {  	[tilespmem:v2+s21+$0x0] =	vst.idx.add.f32.msk vm6, v1  }
0x144: {  	[tilespmem:v2+s21+$0x0] =	vst.idx.add.f32.msk vm7, v1  }
0x145: {  	s26 =	sadd.s32 $0x400, s26;
	[tilespmem:v2+s21+$0x0] =	vst.idx.add.f32.msk vm8, v1  }
0x146: {  	p0 =	sne.s32 s26, $0x2000;
	[tilespmem:v2+s21+$0x0] =	vst.idx.add.f32.msk vm9, v1  }
.Ltmp1:
0x147: {  	[tilespmem:v2+s21+$0x0] =	vst.idx.add.f32.msk vm10, v1;
	(pc) =	sbr.rel @p0 .LBB2_5-.Ltmp1, $4  }
0x148: {  	[tilespmem:v2+s21+$0x0] =	vst.idx.add.f32.msk vm11, v1  }
0x149: {  	[tilespmem:v2+s21+$0x0] =	vst.idx.add.f32.msk vm12, v1  }
0x14a: {  	[tilespmem:v2+s21+$0x0] =	vst.idx.add.f32.msk vm13, v1  }
0x14b: {  	[tilespmem:v2+s21+$0x0] =	vst.idx.add.f32.msk vm14, v1  }
0x14c: {  	s25 =	sadd.s32 $0x1, s25  }
0x14d: {  	p0 =	sne.s32 s25, $0x5  }
.Ltmp2:
0x14e: {  	_ = 	snop;
	(pc) =	sbr.rel @p0 .LBB2_4-.Ltmp2, $1  }
0x14f: {  	_ =	sdelay $0x3  }
0x150: {  	[bflag:$0x0] =	sbarrier.arrive $0xFFFF  }
0x151: {  	[hbm:s10], [sflag:s8] =	dma.local [spmem:s13], $0x2800  }
0x152: {  	s23 =	sadd.s32 $0x1, s23;
	_ =	swait.ge [sflag:s14], $0x2800  }
0x153: {  	p0 =	sne.s32 s23, s12;
	[sflag:s14] =	ssyncset.done $0x0  }
.Ltmp3:
0x154: {  	[sflag:s14] =	ssyncadd.s32 $0xFFFFD800;
	(pc) =	sbr.rel @p0 .LBB2_1-.Ltmp3, $4  }
0x155: {  	[hbm4b:s11+s4] =	stream.linear.scatter [tilespmem:s21], [sflag:$0x3], $0x2800, $0x38;
	[tilespmem:$0x1F800] =	vst v63  }
0x156: {  	_ =	swait.ge [sflag:s14], $0x2800  }
0x157: {  	[sflag:s14] =	ssyncset.done $0x0  }
0x158: {  	[sflag:s14] =	ssyncadd.s32 $0xFFFFD800  }
0x159: {  	_ =	sfence.sel $0x180000  }
0x15a: {  	[bflag:$0x0] =	sbarrier.arrive $0xFFFF  }
0x15b: {  	p0 =	sne.s32 s2, $0x0;
	_ =	strace $0x90000047  }
0x15c: {  	s0 =	sadd.s32 @!p0 $0x100000, s0;
	[bflag:$0x2] =	sbarrier.arrive $0xFFFF  }
0x15d: {  	[sflag:s0] =	ssyncadd.tile.s32 @!p0 $0x1;
	_ =	shalt  }
.Lfunc_end2:
_tile_overlayer_lowered:
.L_overlay_start_2:
0x15e: {  	(tag) =	ssettag $0x2  }
0x15f: {  	s0 =	rddreg [dreg:$0x0];
	s2 =	stileid.u32  }
0x160: {  	s1 =	rddreg [dreg:$0x1];
	p0 =	sne.s32 s2, $0x0  }
0x161: {  	s3 =	rddreg [dreg:$0x2];
	[bflag:$0x3] =	sbarrier.arrive $0xFFFF;
	s2 =	simm.s32 @!p0 $0x1C03  }
0x162: {  	[timem:s3], [sflag:s2] =	dma.local @!p0 [hbm:s0], s1  }
0x163: {  	s0 =	simm.s32 @!p0 $0x3  }
0x164: {  	_ =	swait.ge @!p0 [sflag:s0], s1  }
0x165: {  	s1 =	ssub.s32 @!p0 $0x0, s1;
	[sflag:s0] =	ssyncset.done @!p0 $0x0  }
0x166: {  	[sflag:s0] =	ssyncadd.s32 @!p0 s1  }
0x167: {  	[bflag:$0x3] =	sbarrier.arrive $0xFFFF  }
0x168: {  	_ =	shalt  }

</sc_bundles>
